<compile_context>
chip_gen: v7x
topology: tpu7x:2x2x1
jax: 0.10.2.dev20260603
libtpu: 0.0.44.dev20260713+nightly
codegen_flags: <defaults>
</compile_context>

<pallas_src>
import dataclasses
import functools

import jax
import jax.numpy as jnp
from jax import lax
from jax.experimental import pallas as pl
from jax.experimental.pallas import tpu as pltpu
from jax.experimental.pallas import tpu_sc as plsc

N = 10000
E = 160000
IN_C = 128
HID = 8

NC = 2
NS = 16
NW = NC * NS
CH = 1024
NFULL = E // CH
TAIL0 = NFULL * CH

_mesh = lambda: plsc.VectorSubcoreMesh(core_axis_name="c", subcore_axis_name="s")


def _sc_params():
    cp = pltpu.CompilerParams()
    if "needs_layout_passes" in pltpu.CompilerParams.__dataclass_fields__:
        cp = dataclasses.replace(cp, needs_layout_passes=False)
    return cp


def _sc_gather_x(table, idx, chunk=200):
    num, (_, d) = idx.shape[0], table.shape
    per_w = num // NW
    n_chunks = per_w // chunk
    npairs = n_chunks // 2

    @functools.partial(
        pl.kernel,
        mesh=_mesh(),
        out_type=jax.ShapeDtypeStruct((num, d), table.dtype),
        scratch_types=[
            pltpu.VMEM((per_w,), jnp.int32),
            pltpu.VMEM((chunk, d), table.dtype),
            pltpu.VMEM((chunk, d), table.dtype),
            pltpu.SemaphoreType.DMA,
            pltpu.SemaphoreType.DMA,
            pltpu.SemaphoreType.DMA,
            pltpu.SemaphoreType.DMA,
        ],
    )
    def k(table_hbm, idx_hbm, out_hbm, idx_v, buf0, buf1, gs0, gs1, ws0, ws1):
        wid = lax.axis_index("s") * NC + lax.axis_index("c")
        base = wid * per_w
        pltpu.sync_copy(idx_hbm.at[pl.ds(base, per_w)], idx_v)

        def gsrc(j):
            return table_hbm.at[idx_v.at[pl.ds(j * chunk, chunk)]]

        def odst(j):
            return out_hbm.at[pl.ds(base + j * chunk, chunk)]

        pltpu.make_async_copy(gsrc(0), buf0, gs0).start()
        pltpu.make_async_copy(gsrc(1), buf1, gs1).start()

        @pl.loop(0, npairs)
        def _(p):
            j0 = 2 * p
            pltpu.make_async_copy(gsrc(j0), buf0, gs0).wait()
            pltpu.make_async_copy(buf0, odst(j0), ws0).start()
            pltpu.make_async_copy(gsrc(j0 + 1), buf1, gs1).wait()
            pltpu.make_async_copy(buf1, odst(j0 + 1), ws1).start()
            pltpu.make_async_copy(buf0, odst(j0), ws0).wait()

            @pl.when(j0 + 2 < n_chunks)
            def _():
                pltpu.make_async_copy(gsrc(j0 + 2), buf0, gs0).start()

            pltpu.make_async_copy(buf1, odst(j0 + 1), ws1).wait()

            @pl.when(j0 + 3 < n_chunks)
            def _():
                pltpu.make_async_copy(gsrc(j0 + 3), buf1, gs1).start()

        if n_chunks % 2:
            j = n_chunks - 1
            pltpu.make_async_copy(gsrc(j), buf0, gs0).wait()
            pltpu.sync_copy(buf0, odst(j))

    return k(table, idx)


def _sc_gather_h1(h1t, idx):

    @functools.partial(
        pl.kernel,
        mesh=_mesh(),
        compiler_params=_sc_params(),
        out_type=jax.ShapeDtypeStruct((HID, E), jnp.float32),
        scratch_types=[
            pltpu.VMEM((HID, N), jnp.float32),
            pltpu.VMEM((CH,), jnp.int32),
            pltpu.VMEM((HID, CH), jnp.float32),
        ],
    )
    def k(h1_hbm, idx_hbm, out_hbm, h1_v, idx_v, out_v):
        wid = lax.axis_index("s") * NC + lax.axis_index("c")
        pltpu.sync_copy(h1_hbm, h1_v)
        rows = [jnp.full((16,), i, jnp.int32) for i in range(HID)]

        def chunk(off, n_edges):
            pltpu.sync_copy(idx_hbm.at[pl.ds(off, n_edges)],
                            idx_v.at[pl.ds(0, n_edges)])

            @pl.loop(0, n_edges // 16)
            def _(g):
                srcv = idx_v[pl.ds(g * 16, 16)]
                for i in range(HID):
                    vals = plsc.load_gather(h1_v, [rows[i], srcv])
                    out_v[i, pl.ds(g * 16, 16)] = vals

            pltpu.sync_copy(out_v.at[:, pl.ds(0, n_edges)],
                            out_hbm.at[:, pl.ds(off, n_edges)])

        @pl.loop(0, 5)
        def _(j):
            c = wid + j * NW

            @pl.when(c < NFULL)
            def _():
                chunk(c * CH, CH)

        @pl.when(wid == 28)
        def _():
            chunk(TAIL0, 128)

        @pl.when(wid == 29)
        def _():
            chunk(TAIL0 + 128, 128)

    return k(h1t, idx)


def _sc_segsum(mt, dst, zeros8n, with_count):
    outs = [jax.ShapeDtypeStruct((NW, HID, N), jnp.float32)]
    if with_count:
        outs.append(jax.ShapeDtypeStruct((NW, N), jnp.float32))

    @functools.partial(
        pl.kernel,
        mesh=_mesh(),
        compiler_params=_sc_params(),
        out_type=tuple(outs) if with_count else outs[0],
        scratch_types=[
            pltpu.VMEM((HID, N), jnp.float32),
            pltpu.VMEM((N,), jnp.float32),
            pltpu.VMEM((CH,), jnp.int32),
            pltpu.VMEM((HID, CH), jnp.float32),
        ],
    )
    def k(m_hbm, dst_hbm, z_hbm, *out_and_scratch):
        if with_count:
            acc_hbm, cnt_hbm, acc_v, cnt_v, dst_v, m_v = out_and_scratch
        else:
            acc_hbm, acc_v, cnt_v, dst_v, m_v = out_and_scratch
        wid = lax.axis_index("s") * NC + lax.axis_index("c")
        pltpu.sync_copy(z_hbm, acc_v)
        if with_count:
            pltpu.sync_copy(z_hbm.at[0], cnt_v)
        rows = [jnp.full((16,), o, jnp.int32) for o in range(HID)]
        ones = jnp.full((16,), 1.0, jnp.float32)

        def chunk(off, n_edges):
            pltpu.sync_copy(dst_hbm.at[pl.ds(off, n_edges)],
                            dst_v.at[pl.ds(0, n_edges)])
            pltpu.sync_copy(m_hbm.at[:, pl.ds(off, n_edges)],
                            m_v.at[:, pl.ds(0, n_edges)])

            @pl.loop(0, n_edges // 16)
            def _(g):
                dstv = dst_v[pl.ds(g * 16, 16)]
                if with_count:
                    plsc.addupdate_scatter(cnt_v, [dstv], ones)
                for o in range(HID):
                    vals = m_v[o, pl.ds(g * 16, 16)]
                    plsc.addupdate_scatter(acc_v, [rows[o], dstv], vals)

        @pl.loop(0, 5)
        def _(j):
            c = wid + j * NW

            @pl.when(c < NFULL)
            def _():
                chunk(c * CH, CH)

        @pl.when(wid == 28)
        def _():
            chunk(TAIL0, 128)

        @pl.when(wid == 29)
        def _():
            chunk(TAIL0 + 128, 128)

        pltpu.sync_copy(acc_v, acc_hbm.at[wid])
        if with_count:
            pltpu.sync_copy(cnt_v, cnt_hbm.at[wid])

    return k(mt, dst, zeros8n)


def _msg1_body(ea_ref, xg_ref, w1at_ref, b1a_ref, wb2_ref, st_ref, bb2t_ref,
               out_ref):
    h = jnp.maximum(
        jnp.dot(ea_ref[...], w1at_ref[...], preferred_element_type=jnp.float32)
        + b1a_ref[...], 0.0)
    xg = xg_ref[...]
    y = jnp.dot(xg.astype(jnp.bfloat16), wb2_ref[...],
                preferred_element_type=jnp.float32)
    prod = (y * jnp.tile(h, (1, HID))).astype(jnp.bfloat16)
    mt = lax.dot_general(st_ref[...], prod, (((1,), (1,)), ((), ())),
                         preferred_element_type=jnp.float32)
    cbt = lax.dot_general(bb2t_ref[...], xg, (((1,), (1,)), ((), ())),
                          preferred_element_type=jnp.float32)
    out_ref[...] = mt + cbt


def _msg2_body(ea_ref, hgt_ref, w2at_ref, b2a_ref, wp2_ref, st_ref, b2t_ref,
               out_ref):
    h2 = jnp.maximum(
        jnp.dot(ea_ref[...], w2at_ref[...], preferred_element_type=jnp.float32)
        + b2a_ref[...], 0.0)
    hgt = hgt_ref[...]
    q = lax.dot_general(hgt.astype(jnp.bfloat16), wp2_ref[...],
                        (((0,), (0,)), ((), ())),
                        preferred_element_type=jnp.float32)
    prod = (q * jnp.tile(h2, (1, HID))).astype(jnp.bfloat16)
    mt = lax.dot_general(st_ref[...], prod, (((1,), (1,)), ((), ())),
                         preferred_element_type=jnp.float32)
    c2t = lax.dot_general(b2t_ref[...], hgt, (((1,), (0,)), ((), ())),
                          preferred_element_type=jnp.float32)
    out_ref[...] = mt + c2t


def _node1_body(p_ref, c_ref, xt_ref, r1_ref, b1_ref, out_ref):
    s = jnp.sum(p_ref[...], axis=0)
    cnt = jnp.sum(c_ref[...], axis=0)
    mean = s / jnp.maximum(cnt, 1.0)[None, :]
    xrt = jnp.dot(r1_ref[...], xt_ref[...], preferred_element_type=jnp.float32)
    out_ref[...] = jnp.maximum(mean + xrt + b1_ref[...], 0.0)


def _node2_body(p_ref, c_ref, h1t_ref, r2_ref, b2_ref, wl1_ref, bl1_ref,
                wl2_ref, bl2_ref, out_ref):
    s = jnp.sum(p_ref[...], axis=0)
    cnt = jnp.sum(c_ref[...], axis=0)
    mean = s / jnp.maximum(cnt, 1.0)[None, :]
    h2 = jnp.maximum(
        mean + jnp.dot(r2_ref[...], h1t_ref[...],
                       preferred_element_type=jnp.float32) + b2_ref[...], 0.0)
    h3 = jnp.maximum(
        jnp.dot(wl1_ref[...], h2, preferred_element_type=jnp.float32)
        + bl1_ref[...], 0.0)
    out_ref[...] = jnp.dot(wl2_ref[...], h3,
                           preferred_element_type=jnp.float32) + bl2_ref[...]


def _full(shape):
    nd = len(shape)
    return pl.BlockSpec(shape, lambda i, _n=nd: (0,) * _n)


def kernel(x, edge_index, edge_attr, W1a, b1a, W1b, b1b, root1, bias1,
           W2a, b2a, W2b, b2b, root2, bias2, Wl1, bl1, Wl2, bl2):
    src = edge_index[0]
    dst = edge_index[1]
    zeros8n = jnp.zeros((HID, N), jnp.float32)
    sel = jnp.kron(jnp.eye(HID, dtype=jnp.float32),
                   jnp.ones((1, 64), jnp.float32)).astype(jnp.bfloat16)

    w1at = W1a.T
    wb2 = W1b.reshape(IN_C, HID, 64).reshape(IN_C, HID * 64)
    wb2 = wb2.astype(jnp.bfloat16)
    bb2t = b1b.reshape(IN_C, HID).T
    w2at = W2a.T
    wp2 = W2b.reshape(HID, HID * 64).astype(jnp.bfloat16)
    b2t = b2b.reshape(HID, HID).T
    xt = x.T

    BE = 3200

    xg = _sc_gather_x(x, src)

    m1t = pl.pallas_call(
        _msg1_body,
        grid=(E // BE,),
        in_specs=[
            pl.BlockSpec((BE, 4), lambda i: (i, 0)),
            pl.BlockSpec((BE, IN_C), lambda i: (i, 0)),
            _full((4, 64)), _full((1, 64)),
            _full((IN_C, HID * 64)), _full((HID, HID * 64)),
            _full((HID, IN_C)),
        ],
        out_specs=pl.BlockSpec((HID, BE), lambda i: (0, i)),
        out_shape=jax.ShapeDtypeStruct((HID, E), jnp.float32),
    )(edge_attr, xg, w1at, b1a.reshape(1, 64), wb2, sel, bb2t)

    p1, cnt = _sc_segsum(m1t, dst, zeros8n, True)

    h1t = pl.pallas_call(
        _node1_body,
        out_shape=jax.ShapeDtypeStruct((HID, N), jnp.float32),
    )(p1, cnt, xt, root1, bias1.reshape(HID, 1))

    hgt = _sc_gather_h1(h1t, src)

    m2t = pl.pallas_call(
        _msg2_body,
        grid=(E // BE,),
        in_specs=[
            pl.BlockSpec((BE, 4), lambda i: (i, 0)),
            pl.BlockSpec((HID, BE), lambda i: (0, i)),
            _full((4, 64)), _full((1, 64)),
            _full((HID, HID * 64)), _full((HID, HID * 64)),
            _full((HID, HID)),
        ],
        out_specs=pl.BlockSpec((HID, BE), lambda i: (0, i)),
        out_shape=jax.ShapeDtypeStruct((HID, E), jnp.float32),
    )(edge_attr, hgt, w2at, b2a.reshape(1, 64), wp2, sel, b2t)

    p2 = _sc_segsum(m2t, dst, zeros8n, False)

    out = pl.pallas_call(
        _node2_body,
        out_shape=jax.ShapeDtypeStruct((1, N), jnp.float32),
    )(p2, cnt, h1t, root2, bias2.reshape(HID, 1), Wl1, bl1.reshape(8, 1),
      Wl2, bl2.reshape(1, 1))

    return out[0]

# --- scband reference (transcript-rebuilt; emitter-appended) ---
"""Pipeline reference for scband-spatio-temporal-gcn-58858231824835 (READ-ONLY COPY).

The authoritative reference and input builder live on the scoring server;
editing this copy changes nothing except your own understanding.
"""

import jax, jax.numpy as jnp
import numpy as np

N = 10000
E = 160000
IN_C = 128
HID = 8
EAD = 4


def _p(k, shape, scale):
    return jax.random.normal(k, shape, dtype=jnp.float32) * scale


def setup_inputs(seed: int = 0):
    key = jax.random.key(seed)
    ks = jax.random.split(key, 16)
    inp = {}
    inp["x"] = jax.random.normal(ks[0], (N, IN_C), dtype=jnp.float32)
    inp["edge_index"] = jax.random.randint(ks[1], (2, E), 0, N, dtype=jnp.int32)
    inp["edge_attr"] = jax.random.normal(ks[2], (E, EAD), dtype=jnp.float32)
    # edge-network MLP for conv1: Linear(EAD,64) -> ReLU -> Linear(64, IN_C*HID)
    inp["W1a"] = _p(ks[3], (64, EAD), 0.2)
    inp["b1a"] = jnp.zeros((64,), jnp.float32)
    inp["W1b"] = _p(ks[4], (IN_C * HID, 64), 0.05)
    inp["b1b"] = jnp.zeros((IN_C * HID,), jnp.float32)
    inp["root1"] = _p(ks[5], (HID, IN_C), 0.05)
    inp["bias1"] = jnp.zeros((HID,), jnp.float32)
    # edge-network MLP for conv2: Linear(EAD,64) -> ReLU -> Linear(64, HID*HID)
    inp["W2a"] = _p(ks[6], (64, EAD), 0.2)
    inp["b2a"] = jnp.zeros((64,), jnp.float32)
    inp["W2b"] = _p(ks[7], (HID * HID, 64), 0.05)
    inp["b2b"] = jnp.zeros((HID * HID,), jnp.float32)
    inp["root2"] = _p(ks[8], (HID, HID), 0.2)
    inp["bias2"] = jnp.zeros((HID,), jnp.float32)
    inp["Wl1"] = _p(ks[9], (8, HID), 0.3)
    inp["bl1"] = jnp.zeros((8,), jnp.float32)
    inp["Wl2"] = _p(ks[10], (1, 8), 0.3)
    inp["bl2"] = jnp.zeros((1,), jnp.float32)
    return inp


def _nnconv(x, src, dst, edge_attr, Wa, ba, Wb, bb, root, bias, in_c, out_c):
    # edge-conditioned weights: MLP(edge_attr) -> [E, in_c, out_c]
    h = jax.nn.relu(edge_attr @ Wa.T + ba)
    W_e = (h @ Wb.T + bb).reshape(-1, in_c, out_c)
    x_j = x[src]  # gather source node features per edge
    m = jnp.einsum('ei,eio->eo', x_j, W_e)  # per-edge message
    s = jax.ops.segment_sum(m, dst, num_segments=N)
    cnt = jax.ops.segment_sum(jnp.ones((m.shape[0],), jnp.float32), dst, num_segments=N)
    mean = s / jnp.maximum(cnt, 1.0)[:, None]  # aggr='mean'
    return mean + x @ root.T + bias  # root weight + bias


def reference(x, edge_index, edge_attr, W1a, b1a, W1b, b1b, root1, bias1, W2a, b2a, W2b, b2b, root2, bias2, Wl1, bl1, Wl2, bl2):
    # dropout layers are identity at inference
    src = edge_index[0]
    dst = edge_index[1]
    h1 = jax.nn.relu(_nnconv(x, src, dst, edge_attr, W1a, b1a, W1b, b1b, root1, bias1, IN_C, HID))
    h2 = jax.nn.relu(_nnconv(h1, src, dst, edge_attr, W2a, b2a, W2b, b2b, root2, bias2, HID, HID))
    h3 = jax.nn.relu(h2 @ Wl1.T + bl1)
    out = h3 @ Wl2.T + bl2
    return out.squeeze(-1)

if __name__ == "__main__":
    import jax
    _d = setup_inputs()
    print(jax.jit(kernel)(*tuple(_d.values())))

</pallas_src>

<mosaic_0001>
#map = affine_map<(d0, d1) -> (0, 0)>
#map1 = affine_map<(d0, d1) -> (0)>
module attributes {stable_mosaic.version = 14 : i64} {
  func.func @k(%arg0: i32, %arg1: i32, %arg2: memref<8x10000xf32, #tpu.memory_space<hbm>>, %arg3: memref<160000xi32, #tpu.memory_space<hbm>>, %arg4: memref<8x160000xf32, #tpu.memory_space<hbm>>, %arg5: memref<8x10000xf32, #tpu.memory_space<vmem>>, %arg6: memref<1024xi32, #tpu.memory_space<vmem>>, %arg7: memref<8x1024xf32, #tpu.memory_space<vmem>>) attributes {dimension_semantics = [#tpu.dimension_semantics<core_parallel>, #tpu.dimension_semantics<subcore_parallel>], iteration_bounds = array<i64: 2, 16>, scalar_prefetch = 0 : i64, scratch_operands = 3 : i64, tpu.core_type = #tpu.core_type<sc_vector_subcore>, window_params = [{transform_indices = #map}, {transform_indices = #map1}, {transform_indices = #map}]} {
    %mul3A = arith.constant 2 : i32
    %mul3A_0 = arith.muli %arg1, %mul3A : i32
    %add3A = arith.addi %mul3A_0, %arg0 : i32
    "tpu.region"() ({
      %run_scoped3A = tpu.sem_alloc : memref<!tpu.dma_semaphore, #tpu.memory_space<semaphore_mem>>
      tpu.enqueue_dma source(%arg2 : memref<8x10000xf32, #tpu.memory_space<hbm>>) target(%arg5 : memref<8x10000xf32, #tpu.memory_space<vmem>>) target_semaphore(%run_scoped3A : memref<!tpu.dma_semaphore, #tpu.memory_space<semaphore_mem>>)
      tpu.wait_dma2 semaphore(%run_scoped3A : memref<!tpu.dma_semaphore, #tpu.memory_space<semaphore_mem>>) src(%arg2 : memref<8x10000xf32, #tpu.memory_space<hbm>>) dst(%arg5 : memref<8x10000xf32, #tpu.memory_space<vmem>>)
      tpu.yield
    }) : () -> ()
    %broadcast_in_dim3A = arith.constant 0 : i32
    %broadcast_in_dim3A_1 = vector.broadcast %broadcast_in_dim3A : i32 to vector<16xi32>
    %broadcast_in_dim3A_2 = arith.constant 1 : i32
    %broadcast_in_dim3A_3 = vector.broadcast %broadcast_in_dim3A_2 : i32 to vector<16xi32>
    %broadcast_in_dim3A_4 = arith.constant 2 : i32
    %broadcast_in_dim3A_5 = vector.broadcast %broadcast_in_dim3A_4 : i32 to vector<16xi32>
    %broadcast_in_dim3A_6 = arith.constant 3 : i32
    %broadcast_in_dim3A_7 = vector.broadcast %broadcast_in_dim3A_6 : i32 to vector<16xi32>
    %broadcast_in_dim3A_8 = arith.constant 4 : i32
    %broadcast_in_dim3A_9 = vector.broadcast %broadcast_in_dim3A_8 : i32 to vector<16xi32>
    %broadcast_in_dim3A_10 = arith.constant 5 : i32
    %broadcast_in_dim3A_11 = vector.broadcast %broadcast_in_dim3A_10 : i32 to vector<16xi32>
    %broadcast_in_dim3A_12 = arith.constant 6 : i32
    %broadcast_in_dim3A_13 = vector.broadcast %broadcast_in_dim3A_12 : i32 to vector<16xi32>
    %broadcast_in_dim3A_14 = arith.constant 7 : i32
    %broadcast_in_dim3A_15 = vector.broadcast %broadcast_in_dim3A_14 : i32 to vector<16xi32>
    %scan3A = arith.constant 0 : i32
    %scan3A_16 = arith.constant 5 : i32
    %scan3A_17 = arith.addi %scan3A, %scan3A_16 : i32
    %scan3A_18 = arith.constant 1 : i32
    scf.for %scan3A_27 = %scan3A to %scan3A_17 step %scan3A_18  : i32 {
      %mul3A_28 = arith.constant 1 : i32
      %mul3A_29 = arith.muli %scan3A_27, %mul3A_28 : i32
      %add3A_30 = arith.constant 0 : i32
      %add3A_31 = arith.addi %add3A_30, %mul3A_29 : i32
      %mul3A_32 = arith.constant 32 : i32
      %mul3A_33 = arith.muli %add3A_31, %mul3A_32 : i32
      %add3A_34 = arith.addi %add3A, %mul3A_33 : i32
      %lt3A = arith.constant 156 : i32
      %lt3A_35 = arith.cmpi slt, %add3A_34, %lt3A : i32
      %convert_element_type3A_36 = arith.extui %lt3A_35 : i1 to i32
      %cond3A_37 = arith.constant 0 : i32
      %cond3A_38 = arith.cmpi ne, %convert_element_type3A_36, %cond3A_37 : i32
      scf.if %cond3A_38 {
        %mul3A_39 = arith.constant 1024 : i32
        %mul3A_40 = arith.muli %add3A_34, %mul3A_39 : i32
        "tpu.region"() ({
          %run_scoped3A = tpu.sem_alloc : memref<!tpu.dma_semaphore, #tpu.memory_space<semaphore_mem>>
          %dma_start3A = arith.constant 0 : i32
          %dma_start3A_46 = tpu.memref_slice %arg6[%dma_start3A] : memref<1024xi32, #tpu.memory_space<vmem>> -> memref<1024xi32, #tpu.memory_space<vmem>>
          %dma_start3A_47 = tpu.memref_slice %arg3[%mul3A_40] : memref<160000xi32, #tpu.memory_space<hbm>> -> memref<1024xi32, #tpu.memory_space<hbm>>
          %dma_start3A_48 = arith.constant 0 : i32
          %dma_start3A_49 = tpu.memref_slice %arg6[%dma_start3A_48] : memref<1024xi32, #tpu.memory_space<vmem>> -> memref<1024xi32, #tpu.memory_space<vmem>>
          %dma_start3A_50 = tpu.memref_slice %arg3[%mul3A_40] : memref<160000xi32, #tpu.memory_space<hbm>> -> memref<1024xi32, #tpu.memory_space<hbm>>
          tpu.enqueue_dma source(%dma_start3A_50 : memref<1024xi32, #tpu.memory_space<hbm>>) target(%dma_start3A_49 : memref<1024xi32, #tpu.memory_space<vmem>>) target_semaphore(%run_scoped3A : memref<!tpu.dma_semaphore, #tpu.memory_space<semaphore_mem>>)
          %dma_wait3A = arith.constant 0 : i32
          %dma_wait3A_51 = tpu.memref_slice %arg6[%dma_wait3A] : memref<1024xi32, #tpu.memory_space<vmem>> -> memref<1024xi32, #tpu.memory_space<vmem>>
          %dma_wait3A_52 = tpu.memref_slice %arg3[%mul3A_40] : memref<160000xi32, #tpu.memory_space<hbm>> -> memref<1024xi32, #tpu.memory_space<hbm>>
          %dma_wait3A_53 = arith.constant 0 : i32
          %dma_wait3A_54 = tpu.memref_slice %arg6[%dma_wait3A_53] : memref<1024xi32, #tpu.memory_space<vmem>> -> memref<1024xi32, #tpu.memory_space<vmem>>
          %dma_wait3A_55 = tpu.memref_slice %arg3[%mul3A_40] : memref<160000xi32, #tpu.memory_space<hbm>> -> memref<1024xi32, #tpu.memory_space<hbm>>
          tpu.wait_dma2 semaphore(%run_scoped3A : memref<!tpu.dma_semaphore, #tpu.memory_space<semaphore_mem>>) src(%dma_wait3A_55 : memref<1024xi32, #tpu.memory_space<hbm>>) dst(%dma_wait3A_54 : memref<1024xi32, #tpu.memory_space<vmem>>)
          tpu.yield
        }) : () -> ()
        %scan3A_41 = arith.constant 0 : i32
        %scan3A_42 = arith.constant 64 : i32
        %scan3A_43 = arith.addi %scan3A_41, %scan3A_42 : i32
        %scan3A_44 = arith.constant 1 : i32
        scf.for %scan3A_46 = %scan3A_41 to %scan3A_43 step %scan3A_44  : i32 {
          %mul3A_47 = arith.constant 1 : i32
          %mul3A_48 = arith.muli %scan3A_46, %mul3A_47 : i32
          %add3A_49 = arith.constant 0 : i32
          %add3A_50 = arith.addi %add3A_49, %mul3A_48 : i32
          %mul3A_51 = arith.constant 16 : i32
          %mul3A_52 = arith.muli %add3A_50, %mul3A_51 : i32
          %get3A = arith.index_cast %mul3A_52 : i32 to index
          %get3A_53 = tpu.vector_load %arg6[%get3A] {strides = array<i32>} : memref<1024xi32, #tpu.memory_space<vmem>>, vector<16xi32>,
          %gather3A = tpu.vector_load_idx %arg5[%broadcast_in_dim3A_1, %get3A_53] : memref<8x10000xf32, #tpu.memory_space<vmem>>[vector<16xi32>, vector<16xi32>], vector<16xf32>,
          %mul3A_54 = arith.constant 16 : i32
          %mul3A_55 = arith.muli %add3A_50, %mul3A_54 : i32
          %swap3A = arith.constant 0 : i32
          %swap3A_56 = arith.index_cast %swap3A : i32 to index
          %swap3A_57 = arith.index_cast %mul3A_55 : i32 to index
          %swap3A_58 = tpu.vector_load %arg7[%swap3A_56, %swap3A_57] {strides = array<i32>} : memref<8x1024xf32, #tpu.memory_space<vmem>>, vector<16xf32>,
          tpu.vector_store %arg7[%swap3A_56, %swap3A_57], %gather3A {strides = array<i32>} : memref<8x1024xf32, #tpu.memory_space<vmem>>, vector<16xf32>,
          %gather3A_59 = tpu.vector_load_idx %arg5[%broadcast_in_dim3A_3, %get3A_53] : memref<8x10000xf32, #tpu.memory_space<vmem>>[vector<16xi32>, vector<16xi32>], vector<16xf32>,
          %mul3A_60 = arith.constant 16 : i32
          %mul3A_61 = arith.muli %add3A_50, %mul3A_60 : i32
          %swap3A_62 = arith.constant 1 : i32
          %swap3A_63 = arith.index_cast %swap3A_62 : i32 to index
          %swap3A_64 = arith.index_cast %mul3A_61 : i32 to index
          %swap3A_65 = tpu.vector_load %arg7[%swap3A_63, %swap3A_64] {strides = array<i32>} : memref<8x1024xf32, #tpu.memory_space<vmem>>, vector<16xf32>,
          tpu.vector_store %arg7[%swap3A_63, %swap3A_64], %gather3A_59 {strides = array<i32>} : memref<8x1024xf32, #tpu.memory_space<vmem>>, vector<16xf32>,
          %gather3A_66 = tpu.vector_load_idx %arg5[%broadcast_in_dim3A_5, %get3A_53] : memref<8x10000xf32, #tpu.memory_space<vmem>>[vector<16xi32>, vector<16xi32>], vector<16xf32>,
          %mul3A_67 = arith.constant 16 : i32
          %mul3A_68 = arith.muli %add3A_50, %mul3A_67 : i32
          %swap3A_69 = arith.constant 2 : i32
          %swap3A_70 = arith.index_cast %swap3A_69 : i32 to index
          %swap3A_71 = arith.index_cast %mul3A_68 : i32 to index
          %swap3A_72 = tpu.vector_load %arg7[%swap3A_70, %swap3A_71] {strides = array<i32>} : memref<8x1024xf32, #tpu.memory_space<vmem>>, vector<16xf32>,
          tpu.vector_store %arg7[%swap3A_70, %swap3A_71], %gather3A_66 {strides = array<i32>} : memref<8x1024xf32, #tpu.memory_space<vmem>>, vector<16xf32>,
          %gather3A_73 = tpu.vector_load_idx %arg5[%broadcast_in_dim3A_7, %get3A_53] : memref<8x10000xf32, #tpu.memory_space<vmem>>[vector<16xi32>, vector<16xi32>], vector<16xf32>,
          %mul3A_74 = arith.constant 16 : i32
          %mul3A_75 = arith.muli %add3A_50, %mul3A_74 : i32
          %swap3A_76 = arith.constant 3 : i32
          %swap3A_77 = arith.index_cast %swap3A_76 : i32 to index
          %swap3A_78 = arith.index_cast %mul3A_75 : i32 to index
          %swap3A_79 = tpu.vector_load %arg7[%swap3A_77, %swap3A_78] {strides = array<i32>} : memref<8x1024xf32, #tpu.memory_space<vmem>>, vector<16xf32>,
          tpu.vector_store %arg7[%swap3A_77, %swap3A_78], %gather3A_73 {strides = array<i32>} : memref<8x1024xf32, #tpu.memory_space<vmem>>, vector<16xf32>,
          %gather3A_80 = tpu.vector_load_idx %arg5[%broadcast_in_dim3A_9, %get3A_53] : memref<8x10000xf32, #tpu.memory_space<vmem>>[vector<16xi32>, vector<16xi32>], vector<16xf32>,
          %mul3A_81 = arith.constant 16 : i32
          %mul3A_82 = arith.muli %add3A_50, %mul3A_81 : i32
          %swap3A_83 = arith.constant 4 : i32
          %swap3A_84 = arith.index_cast %swap3A_83 : i32 to index
          %swap3A_85 = arith.index_cast %mul3A_82 : i32 to index
          %swap3A_86 = tpu.vector_load %arg7[%swap3A_84, %swap3A_85] {strides = array<i32>} : memref<8x1024xf32, #tpu.memory_space<vmem>>, vector<16xf32>,
          tpu.vector_store %arg7[%swap3A_84, %swap3A_85], %gather3A_80 {strides = array<i32>} : memref<8x1024xf32, #tpu.memory_space<vmem>>, vector<16xf32>,
          %gather3A_87 = tpu.vector_load_idx %arg5[%broadcast_in_dim3A_11, %get3A_53] : memref<8x10000xf32, #tpu.memory_space<vmem>>[vector<16xi32>, vector<16xi32>], vector<16xf32>,
          %mul3A_88 = arith.constant 16 : i32
          %mul3A_89 = arith.muli %add3A_50, %mul3A_88 : i32
          %swap3A_90 = arith.constant 5 : i32
          %swap3A_91 = arith.index_cast %swap3A_90 : i32 to index
          %swap3A_92 = arith.index_cast %mul3A_89 : i32 to index
          %swap3A_93 = tpu.vector_load %arg7[%swap3A_91, %swap3A_92] {strides = array<i32>} : memref<8x1024xf32, #tpu.memory_space<vmem>>, vector<16xf32>,
          tpu.vector_store %arg7[%swap3A_91, %swap3A_92], %gather3A_87 {strides = array<i32>} : memref<8x1024xf32, #tpu.memory_space<vmem>>, vector<16xf32>,
          %gather3A_94 = tpu.vector_load_idx %arg5[%broadcast_in_dim3A_13, %get3A_53] : memref<8x10000xf32, #tpu.memory_space<vmem>>[vector<16xi32>, vector<16xi32>], vector<16xf32>,
          %mul3A_95 = arith.constant 16 : i32
          %mul3A_96 = arith.muli %add3A_50, %mul3A_95 : i32
          %swap3A_97 = arith.constant 6 : i32
          %swap3A_98 = arith.index_cast %swap3A_97 : i32 to index
          %swap3A_99 = arith.index_cast %mul3A_96 : i32 to index
          %swap3A_100 = tpu.vector_load %arg7[%swap3A_98, %swap3A_99] {strides = array<i32>} : memref<8x1024xf32, #tpu.memory_space<vmem>>, vector<16xf32>,
          tpu.vector_store %arg7[%swap3A_98, %swap3A_99], %gather3A_94 {strides = array<i32>} : memref<8x1024xf32, #tpu.memory_space<vmem>>, vector<16xf32>,
          %gather3A_101 = tpu.vector_load_idx %arg5[%broadcast_in_dim3A_15, %get3A_53] : memref<8x10000xf32, #tpu.memory_space<vmem>>[vector<16xi32>, vector<16xi32>], vector<16xf32>,
          %mul3A_102 = arith.constant 16 : i32
          %mul3A_103 = arith.muli %add3A_50, %mul3A_102 : i32
          %swap3A_104 = arith.constant 7 : i32
          %swap3A_105 = arith.index_cast %swap3A_104 : i32 to index
          %swap3A_106 = arith.index_cast %mul3A_103 : i32 to index
          %swap3A_107 = tpu.vector_load %arg7[%swap3A_105, %swap3A_106] {strides = array<i32>} : memref<8x1024xf32, #tpu.memory_space<vmem>>, vector<16xf32>,
          tpu.vector_store %arg7[%swap3A_105, %swap3A_106], %gather3A_101 {strides = array<i32>} : memref<8x1024xf32, #tpu.memory_space<vmem>>, vector<16xf32>,
        }
        %scan3A_45 = arith.constant 64 : i32
        "tpu.region"() ({
          %run_scoped3A = tpu.sem_alloc : memref<!tpu.dma_semaphore, #tpu.memory_space<semaphore_mem>>
          %dma_start3A = arith.constant 0 : i32
          %dma_start3A_46 = arith.constant 0 : i32
          %dma_start3A_47 = tpu.memref_slice %arg7[%dma_start3A, %dma_start3A_46] : memref<8x1024xf32, #tpu.memory_space<vmem>> -> memref<8x1024xf32, #tpu.memory_space<vmem>>
          %dma_start3A_48 = arith.constant 0 : i32
          %dma_start3A_49 = tpu.memref_slice %arg4[%dma_start3A_48, %mul3A_40] : memref<8x160000xf32, #tpu.memory_space<hbm>> -> memref<8x1024xf32, #tpu.memory_space<hbm>>
          %dma_start3A_50 = arith.constant 0 : i32
          %dma_start3A_51 = tpu.memref_slice %arg4[%dma_start3A_50, %mul3A_40] : memref<8x160000xf32, #tpu.memory_space<hbm>> -> memref<8x1024xf32, #tpu.memory_space<hbm>>
          %dma_start3A_52 = arith.constant 0 : i32
          %dma_start3A_53 = arith.constant 0 : i32
          %dma_start3A_54 = tpu.memref_slice %arg7[%dma_start3A_52, %dma_start3A_53] : memref<8x1024xf32, #tpu.memory_space<vmem>> -> memref<8x1024xf32, #tpu.memory_space<vmem>>
          tpu.enqueue_dma source(%dma_start3A_54 : memref<8x1024xf32, #tpu.memory_space<vmem>>) target(%dma_start3A_51 : memref<8x1024xf32, #tpu.memory_space<hbm>>) target_semaphore(%run_scoped3A : memref<!tpu.dma_semaphore, #tpu.memory_space<semaphore_mem>>)
          %dma_wait3A = arith.constant 0 : i32
          %dma_wait3A_55 = arith.constant 0 : i32
          %dma_wait3A_56 = tpu.memref_slice %arg7[%dma_wait3A, %dma_wait3A_55] : memref<8x1024xf32, #tpu.memory_space<vmem>> -> memref<8x1024xf32, #tpu.memory_space<vmem>>
          %dma_wait3A_57 = arith.constant 0 : i32
          %dma_wait3A_58 = tpu.memref_slice %arg4[%dma_wait3A_57, %mul3A_40] : memref<8x160000xf32, #tpu.memory_space<hbm>> -> memref<8x1024xf32, #tpu.memory_space<hbm>>
          %dma_wait3A_59 = arith.constant 0 : i32
          %dma_wait3A_60 = tpu.memref_slice %arg4[%dma_wait3A_59, %mul3A_40] : memref<8x160000xf32, #tpu.memory_space<hbm>> -> memref<8x1024xf32, #tpu.memory_space<hbm>>
          %dma_wait3A_61 = arith.constant 0 : i32
          %dma_wait3A_62 = arith.constant 0 : i32
          %dma_wait3A_63 = tpu.memref_slice %arg7[%dma_wait3A_61, %dma_wait3A_62] : memref<8x1024xf32, #tpu.memory_space<vmem>> -> memref<8x1024xf32, #tpu.memory_space<vmem>>
          tpu.wait_dma2 semaphore(%run_scoped3A : memref<!tpu.dma_semaphore, #tpu.memory_space<semaphore_mem>>) src(%dma_wait3A_63 : memref<8x1024xf32, #tpu.memory_space<vmem>>) dst(%dma_wait3A_60 : memref<8x1024xf32, #tpu.memory_space<hbm>>)
          tpu.yield
        }) : () -> ()
      } else {
      }
    }
    %scan3A_19 = arith.constant 5 : i32
    %eq3A = arith.constant 28 : i32
    %eq3A_20 = arith.cmpi eq, %add3A, %eq3A : i32
    %convert_element_type3A = arith.extui %eq3A_20 : i1 to i32
    %cond3A = arith.constant 0 : i32
    %cond3A_21 = arith.cmpi ne, %convert_element_type3A, %cond3A : i32
    scf.if %cond3A_21 {
      "tpu.region"() ({
        %run_scoped3A = tpu.sem_alloc : memref<!tpu.dma_semaphore, #tpu.memory_space<semaphore_mem>>
        %dma_start3A = arith.constant 0 : i32
        %dma_start3A_32 = tpu.memref_slice %arg6[%dma_start3A] : memref<1024xi32, #tpu.memory_space<vmem>> -> memref<128xi32, #tpu.memory_space<vmem>>
        %dma_start3A_33 = arith.constant 159744 : i32
        %dma_start3A_34 = tpu.memref_slice %arg3[%dma_start3A_33] : memref<160000xi32, #tpu.memory_space<hbm>> -> memref<128xi32, #tpu.memory_space<hbm>>
        %dma_start3A_35 = arith.constant 0 : i32
        %dma_start3A_36 = tpu.memref_slice %arg6[%dma_start3A_35] : memref<1024xi32, #tpu.memory_space<vmem>> -> memref<128xi32, #tpu.memory_space<vmem>>
        %dma_start3A_37 = arith.constant 159744 : i32
        %dma_start3A_38 = tpu.memref_slice %arg3[%dma_start3A_37] : memref<160000xi32, #tpu.memory_space<hbm>> -> memref<128xi32, #tpu.memory_space<hbm>>
        tpu.enqueue_dma source(%dma_start3A_38 : memref<128xi32, #tpu.memory_space<hbm>>) target(%dma_start3A_36 : memref<128xi32, #tpu.memory_space<vmem>>) target_semaphore(%run_scoped3A : memref<!tpu.dma_semaphore, #tpu.memory_space<semaphore_mem>>)
        %dma_wait3A = arith.constant 0 : i32
        %dma_wait3A_39 = tpu.memref_slice %arg6[%dma_wait3A] : memref<1024xi32, #tpu.memory_space<vmem>> -> memref<128xi32, #tpu.memory_space<vmem>>
        %dma_wait3A_40 = arith.constant 159744 : i32
        %dma_wait3A_41 = tpu.memref_slice %arg3[%dma_wait3A_40] : memref<160000xi32, #tpu.memory_space<hbm>> -> memref<128xi32, #tpu.memory_space<hbm>>
        %dma_wait3A_42 = arith.constant 0 : i32
        %dma_wait3A_43 = tpu.memref_slice %arg6[%dma_wait3A_42] : memref<1024xi32, #tpu.memory_space<vmem>> -> memref<128xi32, #tpu.memory_space<vmem>>
        %dma_wait3A_44 = arith.constant 159744 : i32
        %dma_wait3A_45 = tpu.memref_slice %arg3[%dma_wait3A_44] : memref<160000xi32, #tpu.memory_space<hbm>> -> memref<128xi32, #tpu.memory_space<hbm>>
        tpu.wait_dma2 semaphore(%run_scoped3A : memref<!tpu.dma_semaphore, #tpu.memory_space<semaphore_mem>>) src(%dma_wait3A_45 : memref<128xi32, #tpu.memory_space<hbm>>) dst(%dma_wait3A_43 : memref<128xi32, #tpu.memory_space<vmem>>)
        tpu.yield
      }) : () -> ()
      %scan3A_27 = arith.constant 0 : i32
      %scan3A_28 = arith.constant 8 : i32
      %scan3A_29 = arith.addi %scan3A_27, %scan3A_28 : i32
      %scan3A_30 = arith.constant 1 : i32
      scf.for %scan3A_32 = %scan3A_27 to %scan3A_29 step %scan3A_30  : i32 {
        %mul3A_33 = arith.constant 1 : i32
        %mul3A_34 = arith.muli %scan3A_32, %mul3A_33 : i32
        %add3A_35 = arith.constant 0 : i32
        %add3A_36 = arith.addi %add3A_35, %mul3A_34 : i32
        %mul3A_37 = arith.constant 16 : i32
        %mul3A_38 = arith.muli %add3A_36, %mul3A_37 : i32
        %get3A = arith.index_cast %mul3A_38 : i32 to index
        %get3A_39 = tpu.vector_load %arg6[%get3A] {strides = array<i32>} : memref<1024xi32, #tpu.memory_space<vmem>>, vector<16xi32>,
        %gather3A = tpu.vector_load_idx %arg5[%broadcast_in_dim3A_1, %get3A_39] : memref<8x10000xf32, #tpu.memory_space<vmem>>[vector<16xi32>, vector<16xi32>], vector<16xf32>,
        %mul3A_40 = arith.constant 16 : i32
        %mul3A_41 = arith.muli %add3A_36, %mul3A_40 : i32
        %swap3A = arith.constant 0 : i32
        %swap3A_42 = arith.index_cast %swap3A : i32 to index
        %swap3A_43 = arith.index_cast %mul3A_41 : i32 to index
        %swap3A_44 = tpu.vector_load %arg7[%swap3A_42, %swap3A_43] {strides = array<i32>} : memref<8x1024xf32, #tpu.memory_space<vmem>>, vector<16xf32>,
        tpu.vector_store %arg7[%swap3A_42, %swap3A_43], %gather3A {strides = array<i32>} : memref<8x1024xf32, #tpu.memory_space<vmem>>, vector<16xf32>,
        %gather3A_45 = tpu.vector_load_idx %arg5[%broadcast_in_dim3A_3, %get3A_39] : memref<8x10000xf32, #tpu.memory_space<vmem>>[vector<16xi32>, vector<16xi32>], vector<16xf32>,
        %mul3A_46 = arith.constant 16 : i32
        %mul3A_47 = arith.muli %add3A_36, %mul3A_46 : i32
        %swap3A_48 = arith.constant 1 : i32
        %swap3A_49 = arith.index_cast %swap3A_48 : i32 to index
        %swap3A_50 = arith.index_cast %mul3A_47 : i32 to index
        %swap3A_51 = tpu.vector_load %arg7[%swap3A_49, %swap3A_50] {strides = array<i32>} : memref<8x1024xf32, #tpu.memory_space<vmem>>, vector<16xf32>,
        tpu.vector_store %arg7[%swap3A_49, %swap3A_50], %gather3A_45 {strides = array<i32>} : memref<8x1024xf32, #tpu.memory_space<vmem>>, vector<16xf32>,
        %gather3A_52 = tpu.vector_load_idx %arg5[%broadcast_in_dim3A_5, %get3A_39] : memref<8x10000xf32, #tpu.memory_space<vmem>>[vector<16xi32>, vector<16xi32>], vector<16xf32>,
        %mul3A_53 = arith.constant 16 : i32
        %mul3A_54 = arith.muli %add3A_36, %mul3A_53 : i32
        %swap3A_55 = arith.constant 2 : i32
        %swap3A_56 = arith.index_cast %swap3A_55 : i32 to index
        %swap3A_57 = arith.index_cast %mul3A_54 : i32 to index
        %swap3A_58 = tpu.vector_load %arg7[%swap3A_56, %swap3A_57] {strides = array<i32>} : memref<8x1024xf32, #tpu.memory_space<vmem>>, vector<16xf32>,
        tpu.vector_store %arg7[%swap3A_56, %swap3A_57], %gather3A_52 {strides = array<i32>} : memref<8x1024xf32, #tpu.memory_space<vmem>>, vector<16xf32>,
        %gather3A_59 = tpu.vector_load_idx %arg5[%broadcast_in_dim3A_7, %get3A_39] : memref<8x10000xf32, #tpu.memory_space<vmem>>[vector<16xi32>, vector<16xi32>], vector<16xf32>,
        %mul3A_60 = arith.constant 16 : i32
        %mul3A_61 = arith.muli %add3A_36, %mul3A_60 : i32
        %swap3A_62 = arith.constant 3 : i32
        %swap3A_63 = arith.index_cast %swap3A_62 : i32 to index
        %swap3A_64 = arith.index_cast %mul3A_61 : i32 to index
        %swap3A_65 = tpu.vector_load %arg7[%swap3A_63, %swap3A_64] {strides = array<i32>} : memref<8x1024xf32, #tpu.memory_space<vmem>>, vector<16xf32>,
        tpu.vector_store %arg7[%swap3A_63, %swap3A_64], %gather3A_59 {strides = array<i32>} : memref<8x1024xf32, #tpu.memory_space<vmem>>, vector<16xf32>,
        %gather3A_66 = tpu.vector_load_idx %arg5[%broadcast_in_dim3A_9, %get3A_39] : memref<8x10000xf32, #tpu.memory_space<vmem>>[vector<16xi32>, vector<16xi32>], vector<16xf32>,
        %mul3A_67 = arith.constant 16 : i32
        %mul3A_68 = arith.muli %add3A_36, %mul3A_67 : i32
        %swap3A_69 = arith.constant 4 : i32
        %swap3A_70 = arith.index_cast %swap3A_69 : i32 to index
        %swap3A_71 = arith.index_cast %mul3A_68 : i32 to index
        %swap3A_72 = tpu.vector_load %arg7[%swap3A_70, %swap3A_71] {strides = array<i32>} : memref<8x1024xf32, #tpu.memory_space<vmem>>, vector<16xf32>,
        tpu.vector_store %arg7[%swap3A_70, %swap3A_71], %gather3A_66 {strides = array<i32>} : memref<8x1024xf32, #tpu.memory_space<vmem>>, vector<16xf32>,
        %gather3A_73 = tpu.vector_load_idx %arg5[%broadcast_in_dim3A_11, %get3A_39] : memref<8x10000xf32, #tpu.memory_space<vmem>>[vector<16xi32>, vector<16xi32>], vector<16xf32>,
        %mul3A_74 = arith.constant 16 : i32
        %mul3A_75 = arith.muli %add3A_36, %mul3A_74 : i32
        %swap3A_76 = arith.constant 5 : i32
        %swap3A_77 = arith.index_cast %swap3A_76 : i32 to index
        %swap3A_78 = arith.index_cast %mul3A_75 : i32 to index
        %swap3A_79 = tpu.vector_load %arg7[%swap3A_77, %swap3A_78] {strides = array<i32>} : memref<8x1024xf32, #tpu.memory_space<vmem>>, vector<16xf32>,
        tpu.vector_store %arg7[%swap3A_77, %swap3A_78], %gather3A_73 {strides = array<i32>} : memref<8x1024xf32, #tpu.memory_space<vmem>>, vector<16xf32>,
        %gather3A_80 = tpu.vector_load_idx %arg5[%broadcast_in_dim3A_13, %get3A_39] : memref<8x10000xf32, #tpu.memory_space<vmem>>[vector<16xi32>, vector<16xi32>], vector<16xf32>,
        %mul3A_81 = arith.constant 16 : i32
        %mul3A_82 = arith.muli %add3A_36, %mul3A_81 : i32
        %swap3A_83 = arith.constant 6 : i32
        %swap3A_84 = arith.index_cast %swap3A_83 : i32 to index
        %swap3A_85 = arith.index_cast %mul3A_82 : i32 to index
        %swap3A_86 = tpu.vector_load %arg7[%swap3A_84, %swap3A_85] {strides = array<i32>} : memref<8x1024xf32, #tpu.memory_space<vmem>>, vector<16xf32>,
        tpu.vector_store %arg7[%swap3A_84, %swap3A_85], %gather3A_80 {strides = array<i32>} : memref<8x1024xf32, #tpu.memory_space<vmem>>, vector<16xf32>,
        %gather3A_87 = tpu.vector_load_idx %arg5[%broadcast_in_dim3A_15, %get3A_39] : memref<8x10000xf32, #tpu.memory_space<vmem>>[vector<16xi32>, vector<16xi32>], vector<16xf32>,
        %mul3A_88 = arith.constant 16 : i32
        %mul3A_89 = arith.muli %add3A_36, %mul3A_88 : i32
        %swap3A_90 = arith.constant 7 : i32
        %swap3A_91 = arith.index_cast %swap3A_90 : i32 to index
        %swap3A_92 = arith.index_cast %mul3A_89 : i32 to index
        %swap3A_93 = tpu.vector_load %arg7[%swap3A_91, %swap3A_92] {strides = array<i32>} : memref<8x1024xf32, #tpu.memory_space<vmem>>, vector<16xf32>,
        tpu.vector_store %arg7[%swap3A_91, %swap3A_92], %gather3A_87 {strides = array<i32>} : memref<8x1024xf32, #tpu.memory_space<vmem>>, vector<16xf32>,
      }
      %scan3A_31 = arith.constant 8 : i32
      "tpu.region"() ({
        %run_scoped3A = tpu.sem_alloc : memref<!tpu.dma_semaphore, #tpu.memory_space<semaphore_mem>>
        %dma_start3A = arith.constant 0 : i32
        %dma_start3A_32 = arith.constant 0 : i32
        %dma_start3A_33 = tpu.memref_slice %arg7[%dma_start3A, %dma_start3A_32] : memref<8x1024xf32, #tpu.memory_space<vmem>> -> memref<8x128xf32, #tpu.memory_space<vmem>>
        %dma_start3A_34 = arith.constant 0 : i32
        %dma_start3A_35 = arith.constant 159744 : i32
        %dma_start3A_36 = tpu.memref_slice %arg4[%dma_start3A_34, %dma_start3A_35] : memref<8x160000xf32, #tpu.memory_space<hbm>> -> memref<8x128xf32, #tpu.memory_space<hbm>>
        %dma_start3A_37 = arith.constant 0 : i32
        %dma_start3A_38 = arith.constant 159744 : i32
        %dma_start3A_39 = tpu.memref_slice %arg4[%dma_start3A_37, %dma_start3A_38] : memref<8x160000xf32, #tpu.memory_space<hbm>> -> memref<8x128xf32, #tpu.memory_space<hbm>>
        %dma_start3A_40 = arith.constant 0 : i32
        %dma_start3A_41 = arith.constant 0 : i32
        %dma_start3A_42 = tpu.memref_slice %arg7[%dma_start3A_40, %dma_start3A_41] : memref<8x1024xf32, #tpu.memory_space<vmem>> -> memref<8x128xf32, #tpu.memory_space<vmem>>
        tpu.enqueue_dma source(%dma_start3A_42 : memref<8x128xf32, #tpu.memory_space<vmem>>) target(%dma_start3A_39 : memref<8x128xf32, #tpu.memory_space<hbm>>) target_semaphore(%run_scoped3A : memref<!tpu.dma_semaphore, #tpu.memory_space<semaphore_mem>>)
        %dma_wait3A = arith.constant 0 : i32
        %dma_wait3A_43 = arith.constant 0 : i32
        %dma_wait3A_44 = tpu.memref_slice %arg7[%dma_wait3A, %dma_wait3A_43] : memref<8x1024xf32, #tpu.memory_space<vmem>> -> memref<8x128xf32, #tpu.memory_space<vmem>>
        %dma_wait3A_45 = arith.constant 0 : i32
        %dma_wait3A_46 = arith.constant 159744 : i32
        %dma_wait3A_47 = tpu.memref_slice %arg4[%dma_wait3A_45, %dma_wait3A_46] : memref<8x160000xf32, #tpu.memory_space<hbm>> -> memref<8x128xf32, #tpu.memory_space<hbm>>
        %dma_wait3A_48 = arith.constant 0 : i32
        %dma_wait3A_49 = arith.constant 159744 : i32
        %dma_wait3A_50 = tpu.memref_slice %arg4[%dma_wait3A_48, %dma_wait3A_49] : memref<8x160000xf32, #tpu.memory_space<hbm>> -> memref<8x128xf32, #tpu.memory_space<hbm>>
        %dma_wait3A_51 = arith.constant 0 : i32
        %dma_wait3A_52 = arith.constant 0 : i32
        %dma_wait3A_53 = tpu.memref_slice %arg7[%dma_wait3A_51, %dma_wait3A_52] : memref<8x1024xf32, #tpu.memory_space<vmem>> -> memref<8x128xf32, #tpu.memory_space<vmem>>
        tpu.wait_dma2 semaphore(%run_scoped3A : memref<!tpu.dma_semaphore, #tpu.memory_space<semaphore_mem>>) src(%dma_wait3A_53 : memref<8x128xf32, #tpu.memory_space<vmem>>) dst(%dma_wait3A_50 : memref<8x128xf32, #tpu.memory_space<hbm>>)
        tpu.yield
      }) : () -> ()
    } else {
    }
    %eq3A_22 = arith.constant 29 : i32
    %eq3A_23 = arith.cmpi eq, %add3A, %eq3A_22 : i32
    %convert_element_type3A_24 = arith.extui %eq3A_23 : i1 to i32
    %cond3A_25 = arith.constant 0 : i32
    %cond3A_26 = arith.cmpi ne, %convert_element_type3A_24, %cond3A_25 : i32
    scf.if %cond3A_26 {
      "tpu.region"() ({
        %run_scoped3A = tpu.sem_alloc : memref<!tpu.dma_semaphore, #tpu.memory_space<semaphore_mem>>
        %dma_start3A = arith.constant 0 : i32
        %dma_start3A_32 = tpu.memref_slice %arg6[%dma_start3A] : memref<1024xi32, #tpu.memory_space<vmem>> -> memref<128xi32, #tpu.memory_space<vmem>>
        %dma_start3A_33 = arith.constant 159872 : i32
        %dma_start3A_34 = tpu.memref_slice %arg3[%dma_start3A_33] : memref<160000xi32, #tpu.memory_space<hbm>> -> memref<128xi32, #tpu.memory_space<hbm>>
        %dma_start3A_35 = arith.constant 0 : i32
        %dma_start3A_36 = tpu.memref_slice %arg6[%dma_start3A_35] : memref<1024xi32, #tpu.memory_space<vmem>> -> memref<128xi32, #tpu.memory_space<vmem>>
        %dma_start3A_37 = arith.constant 159872 : i32
        %dma_start3A_38 = tpu.memref_slice %arg3[%dma_start3A_37] : memref<160000xi32, #tpu.memory_space<hbm>> -> memref<128xi32, #tpu.memory_space<hbm>>
        tpu.enqueue_dma source(%dma_start3A_38 : memref<128xi32, #tpu.memory_space<hbm>>) target(%dma_start3A_36 : memref<128xi32, #tpu.memory_space<vmem>>) target_semaphore(%run_scoped3A : memref<!tpu.dma_semaphore, #tpu.memory_space<semaphore_mem>>)
        %dma_wait3A = arith.constant 0 : i32
        %dma_wait3A_39 = tpu.memref_slice %arg6[%dma_wait3A] : memref<1024xi32, #tpu.memory_space<vmem>> -> memref<128xi32, #tpu.memory_space<vmem>>
        %dma_wait3A_40 = arith.constant 159872 : i32
        %dma_wait3A_41 = tpu.memref_slice %arg3[%dma_wait3A_40] : memref<160000xi32, #tpu.memory_space<hbm>> -> memref<128xi32, #tpu.memory_space<hbm>>
        %dma_wait3A_42 = arith.constant 0 : i32
        %dma_wait3A_43 = tpu.memref_slice %arg6[%dma_wait3A_42] : memref<1024xi32, #tpu.memory_space<vmem>> -> memref<128xi32, #tpu.memory_space<vmem>>
        %dma_wait3A_44 = arith.constant 159872 : i32
        %dma_wait3A_45 = tpu.memref_slice %arg3[%dma_wait3A_44] : memref<160000xi32, #tpu.memory_space<hbm>> -> memref<128xi32, #tpu.memory_space<hbm>>
        tpu.wait_dma2 semaphore(%run_scoped3A : memref<!tpu.dma_semaphore, #tpu.memory_space<semaphore_mem>>) src(%dma_wait3A_45 : memref<128xi32, #tpu.memory_space<hbm>>) dst(%dma_wait3A_43 : memref<128xi32, #tpu.memory_space<vmem>>)
        tpu.yield
      }) : () -> ()
      %scan3A_27 = arith.constant 0 : i32
      %scan3A_28 = arith.constant 8 : i32
      %scan3A_29 = arith.addi %scan3A_27, %scan3A_28 : i32
      %scan3A_30 = arith.constant 1 : i32
      scf.for %scan3A_32 = %scan3A_27 to %scan3A_29 step %scan3A_30  : i32 {
        %mul3A_33 = arith.constant 1 : i32
        %mul3A_34 = arith.muli %scan3A_32, %mul3A_33 : i32
        %add3A_35 = arith.constant 0 : i32
        %add3A_36 = arith.addi %add3A_35, %mul3A_34 : i32
        %mul3A_37 = arith.constant 16 : i32
        %mul3A_38 = arith.muli %add3A_36, %mul3A_37 : i32
        %get3A = arith.index_cast %mul3A_38 : i32 to index
        %get3A_39 = tpu.vector_load %arg6[%get3A] {strides = array<i32>} : memref<1024xi32, #tpu.memory_space<vmem>>, vector<16xi32>,
        %gather3A = tpu.vector_load_idx %arg5[%broadcast_in_dim3A_1, %get3A_39] : memref<8x10000xf32, #tpu.memory_space<vmem>>[vector<16xi32>, vector<16xi32>], vector<16xf32>,
        %mul3A_40 = arith.constant 16 : i32
        %mul3A_41 = arith.muli %add3A_36, %mul3A_40 : i32
        %swap3A = arith.constant 0 : i32
        %swap3A_42 = arith.index_cast %swap3A : i32 to index
        %swap3A_43 = arith.index_cast %mul3A_41 : i32 to index
        %swap3A_44 = tpu.vector_load %arg7[%swap3A_42, %swap3A_43] {strides = array<i32>} : memref<8x1024xf32, #tpu.memory_space<vmem>>, vector<16xf32>,
        tpu.vector_store %arg7[%swap3A_42, %swap3A_43], %gather3A {strides = array<i32>} : memref<8x1024xf32, #tpu.memory_space<vmem>>, vector<16xf32>,
        %gather3A_45 = tpu.vector_load_idx %arg5[%broadcast_in_dim3A_3, %get3A_39] : memref<8x10000xf32, #tpu.memory_space<vmem>>[vector<16xi32>, vector<16xi32>], vector<16xf32>,
        %mul3A_46 = arith.constant 16 : i32
        %mul3A_47 = arith.muli %add3A_36, %mul3A_46 : i32
        %swap3A_48 = arith.constant 1 : i32
        %swap3A_49 = arith.index_cast %swap3A_48 : i32 to index
        %swap3A_50 = arith.index_cast %mul3A_47 : i32 to index
        %swap3A_51 = tpu.vector_load %arg7[%swap3A_49, %swap3A_50] {strides = array<i32>} : memref<8x1024xf32, #tpu.memory_space<vmem>>, vector<16xf32>,
        tpu.vector_store %arg7[%swap3A_49, %swap3A_50], %gather3A_45 {strides = array<i32>} : memref<8x1024xf32, #tpu.memory_space<vmem>>, vector<16xf32>,
        %gather3A_52 = tpu.vector_load_idx %arg5[%broadcast_in_dim3A_5, %get3A_39] : memref<8x10000xf32, #tpu.memory_space<vmem>>[vector<16xi32>, vector<16xi32>], vector<16xf32>,
        %mul3A_53 = arith.constant 16 : i32
        %mul3A_54 = arith.muli %add3A_36, %mul3A_53 : i32
        %swap3A_55 = arith.constant 2 : i32
        %swap3A_56 = arith.index_cast %swap3A_55 : i32 to index
        %swap3A_57 = arith.index_cast %mul3A_54 : i32 to index
        %swap3A_58 = tpu.vector_load %arg7[%swap3A_56, %swap3A_57] {strides = array<i32>} : memref<8x1024xf32, #tpu.memory_space<vmem>>, vector<16xf32>,
        tpu.vector_store %arg7[%swap3A_56, %swap3A_57], %gather3A_52 {strides = array<i32>} : memref<8x1024xf32, #tpu.memory_space<vmem>>, vector<16xf32>,
        %gather3A_59 = tpu.vector_load_idx %arg5[%broadcast_in_dim3A_7, %get3A_39] : memref<8x10000xf32, #tpu.memory_space<vmem>>[vector<16xi32>, vector<16xi32>], vector<16xf32>,
        %mul3A_60 = arith.constant 16 : i32
        %mul3A_61 = arith.muli %add3A_36, %mul3A_60 : i32
        %swap3A_62 = arith.constant 3 : i32
        %swap3A_63 = arith.index_cast %swap3A_62 : i32 to index
        %swap3A_64 = arith.index_cast %mul3A_61 : i32 to index
        %swap3A_65 = tpu.vector_load %arg7[%swap3A_63, %swap3A_64] {strides = array<i32>} : memref<8x1024xf32, #tpu.memory_space<vmem>>, vector<16xf32>,
        tpu.vector_store %arg7[%swap3A_63, %swap3A_64], %gather3A_59 {strides = array<i32>} : memref<8x1024xf32, #tpu.memory_space<vmem>>, vector<16xf32>,
        %gather3A_66 = tpu.vector_load_idx %arg5[%broadcast_in_dim3A_9, %get3A_39] : memref<8x10000xf32, #tpu.memory_space<vmem>>[vector<16xi32>, vector<16xi32>], vector<16xf32>,
        %mul3A_67 = arith.constant 16 : i32
        %mul3A_68 = arith.muli %add3A_36, %mul3A_67 : i32
        %swap3A_69 = arith.constant 4 : i32
        %swap3A_70 = arith.index_cast %swap3A_69 : i32 to index
        %swap3A_71 = arith.index_cast %mul3A_68 : i32 to index
        %swap3A_72 = tpu.vector_load %arg7[%swap3A_70, %swap3A_71] {strides = array<i32>} : memref<8x1024xf32, #tpu.memory_space<vmem>>, vector<16xf32>,
        tpu.vector_store %arg7[%swap3A_70, %swap3A_71], %gather3A_66 {strides = array<i32>} : memref<8x1024xf32, #tpu.memory_space<vmem>>, vector<16xf32>,
        %gather3A_73 = tpu.vector_load_idx %arg5[%broadcast_in_dim3A_11, %get3A_39] : memref<8x10000xf32, #tpu.memory_space<vmem>>[vector<16xi32>, vector<16xi32>], vector<16xf32>,
        %mul3A_74 = arith.constant 16 : i32
        %mul3A_75 = arith.muli %add3A_36, %mul3A_74 : i32
        %swap3A_76 = arith.constant 5 : i32
        %swap3A_77 = arith.index_cast %swap3A_76 : i32 to index
        %swap3A_78 = arith.index_cast %mul3A_75 : i32 to index
        %swap3A_79 = tpu.vector_load %arg7[%swap3A_77, %swap3A_78] {strides = array<i32>} : memref<8x1024xf32, #tpu.memory_space<vmem>>, vector<16xf32>,
        tpu.vector_store %arg7[%swap3A_77, %swap3A_78], %gather3A_73 {strides = array<i32>} : memref<8x1024xf32, #tpu.memory_space<vmem>>, vector<16xf32>,
        %gather3A_80 = tpu.vector_load_idx %arg5[%broadcast_in_dim3A_13, %get3A_39] : memref<8x10000xf32, #tpu.memory_space<vmem>>[vector<16xi32>, vector<16xi32>], vector<16xf32>,
        %mul3A_81 = arith.constant 16 : i32
        %mul3A_82 = arith.muli %add3A_36, %mul3A_81 : i32
        %swap3A_83 = arith.constant 6 : i32
        %swap3A_84 = arith.index_cast %swap3A_83 : i32 to index
        %swap3A_85 = arith.index_cast %mul3A_82 : i32 to index
        %swap3A_86 = tpu.vector_load %arg7[%swap3A_84, %swap3A_85] {strides = array<i32>} : memref<8x1024xf32, #tpu.memory_space<vmem>>, vector<16xf32>,
        tpu.vector_store %arg7[%swap3A_84, %swap3A_85], %gather3A_80 {strides = array<i32>} : memref<8x1024xf32, #tpu.memory_space<vmem>>, vector<16xf32>,
        %gather3A_87 = tpu.vector_load_idx %arg5[%broadcast_in_dim3A_15, %get3A_39] : memref<8x10000xf32, #tpu.memory_space<vmem>>[vector<16xi32>, vector<16xi32>], vector<16xf32>,
        %mul3A_88 = arith.constant 16 : i32
        %mul3A_89 = arith.muli %add3A_36, %mul3A_88 : i32
        %swap3A_90 = arith.constant 7 : i32
        %swap3A_91 = arith.index_cast %swap3A_90 : i32 to index
        %swap3A_92 = arith.index_cast %mul3A_89 : i32 to index
        %swap3A_93 = tpu.vector_load %arg7[%swap3A_91, %swap3A_92] {strides = array<i32>} : memref<8x1024xf32, #tpu.memory_space<vmem>>, vector<16xf32>,
        tpu.vector_store %arg7[%swap3A_91, %swap3A_92], %gather3A_87 {strides = array<i32>} : memref<8x1024xf32, #tpu.memory_space<vmem>>, vector<16xf32>,
      }
      %scan3A_31 = arith.constant 8 : i32
      "tpu.region"() ({
        %run_scoped3A = tpu.sem_alloc : memref<!tpu.dma_semaphore, #tpu.memory_space<semaphore_mem>>
        %dma_start3A = arith.constant 0 : i32
        %dma_start3A_32 = arith.constant 0 : i32
        %dma_start3A_33 = tpu.memref_slice %arg7[%dma_start3A, %dma_start3A_32] : memref<8x1024xf32, #tpu.memory_space<vmem>> -> memref<8x128xf32, #tpu.memory_space<vmem>>
        %dma_start3A_34 = arith.constant 0 : i32
        %dma_start3A_35 = arith.constant 159872 : i32
        %dma_start3A_36 = tpu.memref_slice %arg4[%dma_start3A_34, %dma_start3A_35] : memref<8x160000xf32, #tpu.memory_space<hbm>> -> memref<8x128xf32, #tpu.memory_space<hbm>>
        %dma_start3A_37 = arith.constant 0 : i32
        %dma_start3A_38 = arith.constant 159872 : i32
        %dma_start3A_39 = tpu.memref_slice %arg4[%dma_start3A_37, %dma_start3A_38] : memref<8x160000xf32, #tpu.memory_space<hbm>> -> memref<8x128xf32, #tpu.memory_space<hbm>>
        %dma_start3A_40 = arith.constant 0 : i32
        %dma_start3A_41 = arith.constant 0 : i32
        %dma_start3A_42 = tpu.memref_slice %arg7[%dma_start3A_40, %dma_start3A_41] : memref<8x1024xf32, #tpu.memory_space<vmem>> -> memref<8x128xf32, #tpu.memory_space<vmem>>
        tpu.enqueue_dma source(%dma_start3A_42 : memref<8x128xf32, #tpu.memory_space<vmem>>) target(%dma_start3A_39 : memref<8x128xf32, #tpu.memory_space<hbm>>) target_semaphore(%run_scoped3A : memref<!tpu.dma_semaphore, #tpu.memory_space<semaphore_mem>>)
        %dma_wait3A = arith.constant 0 : i32
        %dma_wait3A_43 = arith.constant 0 : i32
        %dma_wait3A_44 = tpu.memref_slice %arg7[%dma_wait3A, %dma_wait3A_43] : memref<8x1024xf32, #tpu.memory_space<vmem>> -> memref<8x128xf32, #tpu.memory_space<vmem>>
        %dma_wait3A_45 = arith.constant 0 : i32
        %dma_wait3A_46 = arith.constant 159872 : i32
        %dma_wait3A_47 = tpu.memref_slice %arg4[%dma_wait3A_45, %dma_wait3A_46] : memref<8x160000xf32, #tpu.memory_space<hbm>> -> memref<8x128xf32, #tpu.memory_space<hbm>>
        %dma_wait3A_48 = arith.constant 0 : i32
        %dma_wait3A_49 = arith.constant 159872 : i32
        %dma_wait3A_50 = tpu.memref_slice %arg4[%dma_wait3A_48, %dma_wait3A_49] : memref<8x160000xf32, #tpu.memory_space<hbm>> -> memref<8x128xf32, #tpu.memory_space<hbm>>
        %dma_wait3A_51 = arith.constant 0 : i32
        %dma_wait3A_52 = arith.constant 0 : i32
        %dma_wait3A_53 = tpu.memref_slice %arg7[%dma_wait3A_51, %dma_wait3A_52] : memref<8x1024xf32, #tpu.memory_space<vmem>> -> memref<8x128xf32, #tpu.memory_space<vmem>>
        tpu.wait_dma2 semaphore(%run_scoped3A : memref<!tpu.dma_semaphore, #tpu.memory_space<semaphore_mem>>) src(%dma_wait3A_53 : memref<8x128xf32, #tpu.memory_space<vmem>>) dst(%dma_wait3A_50 : memref<8x128xf32, #tpu.memory_space<hbm>>)
        tpu.yield
      }) : () -> ()
    } else {
    }
    return
  }
}

#map = affine_map<(d0, d1) -> (0, 0)>
#map1 = affine_map<(d0, d1) -> (0)>
module attributes {stable_mosaic.version = 14 : i64} {
  func.func @k(%arg0: i32, %arg1: i32, %arg2: memref<10000x128xf32, #tpu.memory_space<hbm>>, %arg3: memref<160000xi32, #tpu.memory_space<hbm>>, %arg4: memref<160000x128xf32, #tpu.memory_space<hbm>>, %arg5: memref<5000xi32, #tpu.memory_space<vmem>>, %arg6: memref<200x128xf32, #tpu.memory_space<vmem>>, %arg7: memref<200x128xf32, #tpu.memory_space<vmem>>, %arg8: memref<!tpu.dma_semaphore, #tpu.memory_space<semaphore_mem>>, %arg9: memref<!tpu.dma_semaphore, #tpu.memory_space<semaphore_mem>>, %arg10: memref<!tpu.dma_semaphore, #tpu.memory_space<semaphore_mem>>, %arg11: memref<!tpu.dma_semaphore, #tpu.memory_space<semaphore_mem>>) attributes {dimension_semantics = [#tpu.dimension_semantics<core_parallel>, #tpu.dimension_semantics<subcore_parallel>], iteration_bounds = array<i64: 2, 16>, scalar_prefetch = 0 : i64, scratch_operands = 7 : i64, tpu.core_type = #tpu.core_type<sc_vector_subcore>, window_params = [{transform_indices = #map}, {transform_indices = #map1}, {transform_indices = #map}]} {
    %mul3A = arith.constant 2 : i32
    %mul3A_0 = arith.muli %arg1, %mul3A : i32
    %add3A = arith.addi %mul3A_0, %arg0 : i32
    %mul3A_1 = arith.constant 5000 : i32
    %mul3A_2 = arith.muli %add3A, %mul3A_1 : i32
    "tpu.region"() ({
      %run_scoped3A = tpu.sem_alloc : memref<!tpu.dma_semaphore, #tpu.memory_space<semaphore_mem>>
      %dma_start3A_22 = tpu.memref_slice %arg3[%mul3A_2] : memref<160000xi32, #tpu.memory_space<hbm>> -> memref<5000xi32, #tpu.memory_space<hbm>>
      %dma_start3A_23 = tpu.memref_slice %arg3[%mul3A_2] : memref<160000xi32, #tpu.memory_space<hbm>> -> memref<5000xi32, #tpu.memory_space<hbm>>
      tpu.enqueue_dma source(%dma_start3A_23 : memref<5000xi32, #tpu.memory_space<hbm>>) target(%arg5 : memref<5000xi32, #tpu.memory_space<vmem>>) target_semaphore(%run_scoped3A : memref<!tpu.dma_semaphore, #tpu.memory_space<semaphore_mem>>)
      %dma_wait3A_24 = tpu.memref_slice %arg3[%mul3A_2] : memref<160000xi32, #tpu.memory_space<hbm>> -> memref<5000xi32, #tpu.memory_space<hbm>>
      %dma_wait3A_25 = tpu.memref_slice %arg3[%mul3A_2] : memref<160000xi32, #tpu.memory_space<hbm>> -> memref<5000xi32, #tpu.memory_space<hbm>>
      tpu.wait_dma2 semaphore(%run_scoped3A : memref<!tpu.dma_semaphore, #tpu.memory_space<semaphore_mem>>) src(%dma_wait3A_25 : memref<5000xi32, #tpu.memory_space<hbm>>) dst(%arg5 : memref<5000xi32, #tpu.memory_space<vmem>>)
      tpu.yield
    }) : () -> ()
    %dma_start3A = arith.constant 0 : i32
    %dma_start3A_3 = tpu.memref_slice %arg5[%dma_start3A] : memref<5000xi32, #tpu.memory_space<vmem>> -> memref<200xi32, #tpu.memory_space<vmem>>
    %dma_start3A_4 = arith.constant 0 : i32
    %dma_start3A_5 = arith.constant 0 : i32
    %dma_start3A_6 = tpu.memref_slice %arg2[%dma_start3A_4, %dma_start3A_5] : memref<10000x128xf32, #tpu.memory_space<hbm>> -> memref<10000x128xf32, #tpu.memory_space<hbm>>
    tpu.enqueue_indirect_dma source(%dma_start3A_6 : memref<10000x128xf32, #tpu.memory_space<hbm>>) target(%arg6 : memref<200x128xf32, #tpu.memory_space<vmem>>) offsets(%dma_start3A_3 : memref<200xi32, #tpu.memory_space<vmem>>) semaphore(%arg8 : memref<!tpu.dma_semaphore, #tpu.memory_space<semaphore_mem>>)
    %dma_start3A_7 = arith.constant 200 : i32
    %dma_start3A_8 = tpu.memref_slice %arg5[%dma_start3A_7] : memref<5000xi32, #tpu.memory_space<vmem>> -> memref<200xi32, #tpu.memory_space<vmem>>
    %dma_start3A_9 = arith.constant 0 : i32
    %dma_start3A_10 = arith.constant 0 : i32
    %dma_start3A_11 = tpu.memref_slice %arg2[%dma_start3A_9, %dma_start3A_10] : memref<10000x128xf32, #tpu.memory_space<hbm>> -> memref<10000x128xf32, #tpu.memory_space<hbm>>
    tpu.enqueue_indirect_dma source(%dma_start3A_11 : memref<10000x128xf32, #tpu.memory_space<hbm>>) target(%arg7 : memref<200x128xf32, #tpu.memory_space<vmem>>) offsets(%dma_start3A_8 : memref<200xi32, #tpu.memory_space<vmem>>) semaphore(%arg9 : memref<!tpu.dma_semaphore, #tpu.memory_space<semaphore_mem>>)
    %scan3A = arith.constant 0 : i32
    %scan3A_12 = arith.constant 12 : i32
    %scan3A_13 = arith.addi %scan3A, %scan3A_12 : i32
    %scan3A_14 = arith.constant 1 : i32
    scf.for %scan3A_22 = %scan3A to %scan3A_13 step %scan3A_14  : i32 {
      %mul3A_23 = arith.constant 1 : i32
      %mul3A_24 = arith.muli %scan3A_22, %mul3A_23 : i32
      %add3A_25 = arith.constant 0 : i32
      %add3A_26 = arith.addi %add3A_25, %mul3A_24 : i32
      %mul3A_27 = arith.constant 2 : i32
      %mul3A_28 = arith.muli %mul3A_27, %add3A_26 : i32
      %mul3A_29 = arith.constant 200 : i32
      %mul3A_30 = arith.muli %mul3A_28, %mul3A_29 : i32
      %dma_wait3A_31 = tpu.memref_slice %arg5[%mul3A_30] : memref<5000xi32, #tpu.memory_space<vmem>> -> memref<200xi32, #tpu.memory_space<vmem>>
      %dma_wait3A_32 = arith.constant 0 : i32
      %dma_wait3A_33 = arith.constant 0 : i32
      %dma_wait3A_34 = tpu.memref_slice %arg2[%dma_wait3A_32, %dma_wait3A_33] : memref<10000x128xf32, #tpu.memory_space<hbm>> -> memref<10000x128xf32, #tpu.memory_space<hbm>>
      tpu.wait_indirect_dma semaphore(%arg8 : memref<!tpu.dma_semaphore, #tpu.memory_space<semaphore_mem>>) src(%dma_wait3A_34 : memref<10000x128xf32, #tpu.memory_space<hbm>>) dst(%arg6 : memref<200x128xf32, #tpu.memory_space<vmem>>)
      %mul3A_35 = arith.constant 200 : i32
      %mul3A_36 = arith.muli %mul3A_28, %mul3A_35 : i32
      %add3A_37 = arith.addi %mul3A_2, %mul3A_36 : i32
      %dma_start3A_38 = arith.constant 0 : i32
      %dma_start3A_39 = tpu.memref_slice %arg4[%add3A_37, %dma_start3A_38] : memref<160000x128xf32, #tpu.memory_space<hbm>> -> memref<200x128xf32, #tpu.memory_space<hbm>>
      %dma_start3A_40 = arith.constant 0 : i32
      %dma_start3A_41 = tpu.memref_slice %arg4[%add3A_37, %dma_start3A_40] : memref<160000x128xf32, #tpu.memory_space<hbm>> -> memref<200x128xf32, #tpu.memory_space<hbm>>
      tpu.enqueue_dma source(%arg6 : memref<200x128xf32, #tpu.memory_space<vmem>>) target(%dma_start3A_41 : memref<200x128xf32, #tpu.memory_space<hbm>>) target_semaphore(%arg10 : memref<!tpu.dma_semaphore, #tpu.memory_space<semaphore_mem>>)
      %add3A_42 = arith.constant 1 : i32
      %add3A_43 = arith.addi %mul3A_28, %add3A_42 : i32
      %mul3A_44 = arith.constant 200 : i32
      %mul3A_45 = arith.muli %add3A_43, %mul3A_44 : i32
      %dma_wait3A_46 = tpu.memref_slice %arg5[%mul3A_45] : memref<5000xi32, #tpu.memory_space<vmem>> -> memref<200xi32, #tpu.memory_space<vmem>>
      %dma_wait3A_47 = arith.constant 0 : i32
      %dma_wait3A_48 = arith.constant 0 : i32
      %dma_wait3A_49 = tpu.memref_slice %arg2[%dma_wait3A_47, %dma_wait3A_48] : memref<10000x128xf32, #tpu.memory_space<hbm>> -> memref<10000x128xf32, #tpu.memory_space<hbm>>
      tpu.wait_indirect_dma semaphore(%arg9 : memref<!tpu.dma_semaphore, #tpu.memory_space<semaphore_mem>>) src(%dma_wait3A_49 : memref<10000x128xf32, #tpu.memory_space<hbm>>) dst(%arg7 : memref<200x128xf32, #tpu.memory_space<vmem>>)
      %add3A_50 = arith.constant 1 : i32
      %add3A_51 = arith.addi %mul3A_28, %add3A_50 : i32
      %mul3A_52 = arith.constant 200 : i32
      %mul3A_53 = arith.muli %add3A_51, %mul3A_52 : i32
      %add3A_54 = arith.addi %mul3A_2, %mul3A_53 : i32
      %dma_start3A_55 = arith.constant 0 : i32
      %dma_start3A_56 = tpu.memref_slice %arg4[%add3A_54, %dma_start3A_55] : memref<160000x128xf32, #tpu.memory_space<hbm>> -> memref<200x128xf32, #tpu.memory_space<hbm>>
      %dma_start3A_57 = arith.constant 0 : i32
      %dma_start3A_58 = tpu.memref_slice %arg4[%add3A_54, %dma_start3A_57] : memref<160000x128xf32, #tpu.memory_space<hbm>> -> memref<200x128xf32, #tpu.memory_space<hbm>>
      tpu.enqueue_dma source(%arg7 : memref<200x128xf32, #tpu.memory_space<vmem>>) target(%dma_start3A_58 : memref<200x128xf32, #tpu.memory_space<hbm>>) target_semaphore(%arg11 : memref<!tpu.dma_semaphore, #tpu.memory_space<semaphore_mem>>)
      %mul3A_59 = arith.constant 200 : i32
      %mul3A_60 = arith.muli %mul3A_28, %mul3A_59 : i32
      %add3A_61 = arith.addi %mul3A_2, %mul3A_60 : i32
      %dma_wait3A_62 = arith.constant 0 : i32
      %dma_wait3A_63 = tpu.memref_slice %arg4[%add3A_61, %dma_wait3A_62] : memref<160000x128xf32, #tpu.memory_space<hbm>> -> memref<200x128xf32, #tpu.memory_space<hbm>>
      %dma_wait3A_64 = arith.constant 0 : i32
      %dma_wait3A_65 = tpu.memref_slice %arg4[%add3A_61, %dma_wait3A_64] : memref<160000x128xf32, #tpu.memory_space<hbm>> -> memref<200x128xf32, #tpu.memory_space<hbm>>
      tpu.wait_dma2 semaphore(%arg10 : memref<!tpu.dma_semaphore, #tpu.memory_space<semaphore_mem>>) src(%arg6 : memref<200x128xf32, #tpu.memory_space<vmem>>) dst(%dma_wait3A_65 : memref<200x128xf32, #tpu.memory_space<hbm>>)
      %add3A_66 = arith.constant 2 : i32
      %add3A_67 = arith.addi %mul3A_28, %add3A_66 : i32
      %lt3A = arith.constant 25 : i32
      %lt3A_68 = arith.cmpi slt, %add3A_67, %lt3A : i32
      %convert_element_type3A = arith.extui %lt3A_68 : i1 to i32
      %cond3A = arith.constant 0 : i32
      %cond3A_69 = arith.cmpi ne, %convert_element_type3A, %cond3A : i32
      scf.if %cond3A_69 {
        %add3A_86 = arith.constant 2 : i32
        %add3A_87 = arith.addi %mul3A_28, %add3A_86 : i32
        %mul3A_88 = arith.constant 200 : i32
        %mul3A_89 = arith.muli %add3A_87, %mul3A_88 : i32
        %dma_start3A_90 = tpu.memref_slice %arg5[%mul3A_89] : memref<5000xi32, #tpu.memory_space<vmem>> -> memref<200xi32, #tpu.memory_space<vmem>>
        %dma_start3A_91 = arith.constant 0 : i32
        %dma_start3A_92 = arith.constant 0 : i32
        %dma_start3A_93 = tpu.memref_slice %arg2[%dma_start3A_91, %dma_start3A_92] : memref<10000x128xf32, #tpu.memory_space<hbm>> -> memref<10000x128xf32, #tpu.memory_space<hbm>>
        tpu.enqueue_indirect_dma source(%dma_start3A_93 : memref<10000x128xf32, #tpu.memory_space<hbm>>) target(%arg6 : memref<200x128xf32, #tpu.memory_space<vmem>>) offsets(%dma_start3A_90 : memref<200xi32, #tpu.memory_space<vmem>>) semaphore(%arg8 : memref<!tpu.dma_semaphore, #tpu.memory_space<semaphore_mem>>)
      } else {
      }
      %add3A_70 = arith.constant 1 : i32
      %add3A_71 = arith.addi %mul3A_28, %add3A_70 : i32
      %mul3A_72 = arith.constant 200 : i32
      %mul3A_73 = arith.muli %add3A_71, %mul3A_72 : i32
      %add3A_74 = arith.addi %mul3A_2, %mul3A_73 : i32
      %dma_wait3A_75 = arith.constant 0 : i32
      %dma_wait3A_76 = tpu.memref_slice %arg4[%add3A_74, %dma_wait3A_75] : memref<160000x128xf32, #tpu.memory_space<hbm>> -> memref<200x128xf32, #tpu.memory_space<hbm>>
      %dma_wait3A_77 = arith.constant 0 : i32
      %dma_wait3A_78 = tpu.memref_slice %arg4[%add3A_74, %dma_wait3A_77] : memref<160000x128xf32, #tpu.memory_space<hbm>> -> memref<200x128xf32, #tpu.memory_space<hbm>>
      tpu.wait_dma2 semaphore(%arg11 : memref<!tpu.dma_semaphore, #tpu.memory_space<semaphore_mem>>) src(%arg7 : memref<200x128xf32, #tpu.memory_space<vmem>>) dst(%dma_wait3A_78 : memref<200x128xf32, #tpu.memory_space<hbm>>)
      %add3A_79 = arith.constant 3 : i32
      %add3A_80 = arith.addi %mul3A_28, %add3A_79 : i32
      %lt3A_81 = arith.constant 25 : i32
      %lt3A_82 = arith.cmpi slt, %add3A_80, %lt3A_81 : i32
      %convert_element_type3A_83 = arith.extui %lt3A_82 : i1 to i32
      %cond3A_84 = arith.constant 0 : i32
      %cond3A_85 = arith.cmpi ne, %convert_element_type3A_83, %cond3A_84 : i32
      scf.if %cond3A_85 {
        %add3A_86 = arith.constant 3 : i32
        %add3A_87 = arith.addi %mul3A_28, %add3A_86 : i32
        %mul3A_88 = arith.constant 200 : i32
        %mul3A_89 = arith.muli %add3A_87, %mul3A_88 : i32
        %dma_start3A_90 = tpu.memref_slice %arg5[%mul3A_89] : memref<5000xi32, #tpu.memory_space<vmem>> -> memref<200xi32, #tpu.memory_space<vmem>>
        %dma_start3A_91 = arith.constant 0 : i32
        %dma_start3A_92 = arith.constant 0 : i32
        %dma_start3A_93 = tpu.memref_slice %arg2[%dma_start3A_91, %dma_start3A_92] : memref<10000x128xf32, #tpu.memory_space<hbm>> -> memref<10000x128xf32, #tpu.memory_space<hbm>>
        tpu.enqueue_indirect_dma source(%dma_start3A_93 : memref<10000x128xf32, #tpu.memory_space<hbm>>) target(%arg7 : memref<200x128xf32, #tpu.memory_space<vmem>>) offsets(%dma_start3A_90 : memref<200xi32, #tpu.memory_space<vmem>>) semaphore(%arg9 : memref<!tpu.dma_semaphore, #tpu.memory_space<semaphore_mem>>)
      } else {
      }
    }
    %scan3A_15 = arith.constant 12 : i32
    %dma_wait3A = arith.constant 4800 : i32
    %dma_wait3A_16 = tpu.memref_slice %arg5[%dma_wait3A] : memref<5000xi32, #tpu.memory_space<vmem>> -> memref<200xi32, #tpu.memory_space<vmem>>
    %dma_wait3A_17 = arith.constant 0 : i32
    %dma_wait3A_18 = arith.constant 0 : i32
    %dma_wait3A_19 = tpu.memref_slice %arg2[%dma_wait3A_17, %dma_wait3A_18] : memref<10000x128xf32, #tpu.memory_space<hbm>> -> memref<10000x128xf32, #tpu.memory_space<hbm>>
    tpu.wait_indirect_dma semaphore(%arg8 : memref<!tpu.dma_semaphore, #tpu.memory_space<semaphore_mem>>) src(%dma_wait3A_19 : memref<10000x128xf32, #tpu.memory_space<hbm>>) dst(%arg6 : memref<200x128xf32, #tpu.memory_space<vmem>>)
    %add3A_20 = arith.constant 4800 : i32
    %add3A_21 = arith.addi %mul3A_2, %add3A_20 : i32
    "tpu.region"() ({
      %run_scoped3A = tpu.sem_alloc : memref<!tpu.dma_semaphore, #tpu.memory_space<semaphore_mem>>
      %dma_start3A_22 = arith.constant 0 : i32
      %dma_start3A_23 = tpu.memref_slice %arg4[%add3A_21, %dma_start3A_22] : memref<160000x128xf32, #tpu.memory_space<hbm>> -> memref<200x128xf32, #tpu.memory_space<hbm>>
      %dma_start3A_24 = arith.constant 0 : i32
      %dma_start3A_25 = tpu.memref_slice %arg4[%add3A_21, %dma_start3A_24] : memref<160000x128xf32, #tpu.memory_space<hbm>> -> memref<200x128xf32, #tpu.memory_space<hbm>>
      tpu.enqueue_dma source(%arg6 : memref<200x128xf32, #tpu.memory_space<vmem>>) target(%dma_start3A_25 : memref<200x128xf32, #tpu.memory_space<hbm>>) target_semaphore(%run_scoped3A : memref<!tpu.dma_semaphore, #tpu.memory_space<semaphore_mem>>)
      %dma_wait3A_26 = arith.constant 0 : i32
      %dma_wait3A_27 = tpu.memref_slice %arg4[%add3A_21, %dma_wait3A_26] : memref<160000x128xf32, #tpu.memory_space<hbm>> -> memref<200x128xf32, #tpu.memory_space<hbm>>
      %dma_wait3A_28 = arith.constant 0 : i32
      %dma_wait3A_29 = tpu.memref_slice %arg4[%add3A_21, %dma_wait3A_28] : memref<160000x128xf32, #tpu.memory_space<hbm>> -> memref<200x128xf32, #tpu.memory_space<hbm>>
      tpu.wait_dma2 semaphore(%run_scoped3A : memref<!tpu.dma_semaphore, #tpu.memory_space<semaphore_mem>>) src(%arg6 : memref<200x128xf32, #tpu.memory_space<vmem>>) dst(%dma_wait3A_29 : memref<200x128xf32, #tpu.memory_space<hbm>>)
      tpu.yield
    }) : () -> ()
    return
  }
}

#map = affine_map<(d0, d1) -> (0, 0)>
#map1 = affine_map<(d0, d1) -> (0)>
#map2 = affine_map<(d0, d1) -> (0, 0, 0)>
module attributes {stable_mosaic.version = 14 : i64} {
  func.func @k(%arg0: i32, %arg1: i32, %arg2: memref<8x160000xf32, #tpu.memory_space<hbm>>, %arg3: memref<160000xi32, #tpu.memory_space<hbm>>, %arg4: memref<8x10000xf32, #tpu.memory_space<hbm>>, %arg5: memref<32x8x10000xf32, #tpu.memory_space<hbm>>, %arg6: memref<32x10000xf32, #tpu.memory_space<hbm>>, %arg7: memref<8x10000xf32, #tpu.memory_space<vmem>>, %arg8: memref<10000xf32, #tpu.memory_space<vmem>>, %arg9: memref<1024xi32, #tpu.memory_space<vmem>>, %arg10: memref<8x1024xf32, #tpu.memory_space<vmem>>) attributes {dimension_semantics = [#tpu.dimension_semantics<core_parallel>, #tpu.dimension_semantics<subcore_parallel>], iteration_bounds = array<i64: 2, 16>, scalar_prefetch = 0 : i64, scratch_operands = 4 : i64, tpu.core_type = #tpu.core_type<sc_vector_subcore>, window_params = [{transform_indices = #map}, {transform_indices = #map1}, {transform_indices = #map}, {transform_indices = #map2}, {transform_indices = #map}]} {
    %mul3A = arith.constant 2 : i32
    %mul3A_0 = arith.muli %arg1, %mul3A : i32
    %add3A = arith.addi %mul3A_0, %arg0 : i32
    "tpu.region"() ({
      %run_scoped3A_29 = tpu.sem_alloc : memref<!tpu.dma_semaphore, #tpu.memory_space<semaphore_mem>>
      tpu.enqueue_dma source(%arg4 : memref<8x10000xf32, #tpu.memory_space<hbm>>) target(%arg7 : memref<8x10000xf32, #tpu.memory_space<vmem>>) target_semaphore(%run_scoped3A_29 : memref<!tpu.dma_semaphore, #tpu.memory_space<semaphore_mem>>)
      tpu.wait_dma2 semaphore(%run_scoped3A_29 : memref<!tpu.dma_semaphore, #tpu.memory_space<semaphore_mem>>) src(%arg4 : memref<8x10000xf32, #tpu.memory_space<hbm>>) dst(%arg7 : memref<8x10000xf32, #tpu.memory_space<vmem>>)
      tpu.yield
    }) : () -> ()
    %run_scoped3A = arith.constant 0 : i32
    "tpu.region"() ({
      %run_scoped3A_29 = tpu.sem_alloc : memref<!tpu.dma_semaphore, #tpu.memory_space<semaphore_mem>>
      %dma_start3A = arith.constant 0 : i32
      %dma_start3A_30 = tpu.memref_slice %arg4[%run_scoped3A, %dma_start3A] : memref<8x10000xf32, #tpu.memory_space<hbm>> -> memref<1x10000xf32, #tpu.memory_space<hbm>>
      %dma_start3A_31 = tpu.memref_squeeze %dma_start3A_30 : memref<1x10000xf32, #tpu.memory_space<hbm>> -> memref<10000xf32, #tpu.memory_space<hbm>>
      %dma_start3A_32 = arith.constant 0 : i32
      %dma_start3A_33 = tpu.memref_slice %arg4[%run_scoped3A, %dma_start3A_32] : memref<8x10000xf32, #tpu.memory_space<hbm>> -> memref<1x10000xf32, #tpu.memory_space<hbm>>
      %dma_start3A_34 = tpu.memref_squeeze %dma_start3A_33 : memref<1x10000xf32, #tpu.memory_space<hbm>> -> memref<10000xf32, #tpu.memory_space<hbm>>
      tpu.enqueue_dma source(%dma_start3A_34 : memref<10000xf32, #tpu.memory_space<hbm>>) target(%arg8 : memref<10000xf32, #tpu.memory_space<vmem>>) target_semaphore(%run_scoped3A_29 : memref<!tpu.dma_semaphore, #tpu.memory_space<semaphore_mem>>)
      %dma_wait3A = arith.constant 0 : i32
      %dma_wait3A_35 = tpu.memref_slice %arg4[%run_scoped3A, %dma_wait3A] : memref<8x10000xf32, #tpu.memory_space<hbm>> -> memref<1x10000xf32, #tpu.memory_space<hbm>>
      %dma_wait3A_36 = tpu.memref_squeeze %dma_wait3A_35 : memref<1x10000xf32, #tpu.memory_space<hbm>> -> memref<10000xf32, #tpu.memory_space<hbm>>
      %dma_wait3A_37 = arith.constant 0 : i32
      %dma_wait3A_38 = tpu.memref_slice %arg4[%run_scoped3A, %dma_wait3A_37] : memref<8x10000xf32, #tpu.memory_space<hbm>> -> memref<1x10000xf32, #tpu.memory_space<hbm>>
      %dma_wait3A_39 = tpu.memref_squeeze %dma_wait3A_38 : memref<1x10000xf32, #tpu.memory_space<hbm>> -> memref<10000xf32, #tpu.memory_space<hbm>>
      tpu.wait_dma2 semaphore(%run_scoped3A_29 : memref<!tpu.dma_semaphore, #tpu.memory_space<semaphore_mem>>) src(%dma_wait3A_39 : memref<10000xf32, #tpu.memory_space<hbm>>) dst(%arg8 : memref<10000xf32, #tpu.memory_space<vmem>>)
      tpu.yield
    }) : () -> ()
    %broadcast_in_dim3A = arith.constant 0 : i32
    %broadcast_in_dim3A_1 = vector.broadcast %broadcast_in_dim3A : i32 to vector<16xi32>
    %broadcast_in_dim3A_2 = arith.constant 1 : i32
    %broadcast_in_dim3A_3 = vector.broadcast %broadcast_in_dim3A_2 : i32 to vector<16xi32>
    %broadcast_in_dim3A_4 = arith.constant 2 : i32
    %broadcast_in_dim3A_5 = vector.broadcast %broadcast_in_dim3A_4 : i32 to vector<16xi32>
    %broadcast_in_dim3A_6 = arith.constant 3 : i32
    %broadcast_in_dim3A_7 = vector.broadcast %broadcast_in_dim3A_6 : i32 to vector<16xi32>
    %broadcast_in_dim3A_8 = arith.constant 4 : i32
    %broadcast_in_dim3A_9 = vector.broadcast %broadcast_in_dim3A_8 : i32 to vector<16xi32>
    %broadcast_in_dim3A_10 = arith.constant 5 : i32
    %broadcast_in_dim3A_11 = vector.broadcast %broadcast_in_dim3A_10 : i32 to vector<16xi32>
    %broadcast_in_dim3A_12 = arith.constant 6 : i32
    %broadcast_in_dim3A_13 = vector.broadcast %broadcast_in_dim3A_12 : i32 to vector<16xi32>
    %broadcast_in_dim3A_14 = arith.constant 7 : i32
    %broadcast_in_dim3A_15 = vector.broadcast %broadcast_in_dim3A_14 : i32 to vector<16xi32>
    %broadcast_in_dim3A_16 = arith.constant 1.000000e+00 : f32
    %broadcast_in_dim3A_17 = vector.broadcast %broadcast_in_dim3A_16 : f32 to vector<16xf32>
    %scan3A = arith.constant 0 : i32
    %scan3A_18 = arith.constant 5 : i32
    %scan3A_19 = arith.addi %scan3A, %scan3A_18 : i32
    %scan3A_20 = arith.constant 1 : i32
    scf.for %scan3A_29 = %scan3A to %scan3A_19 step %scan3A_20  : i32 {
      %mul3A_30 = arith.constant 1 : i32
      %mul3A_31 = arith.muli %scan3A_29, %mul3A_30 : i32
      %add3A_32 = arith.constant 0 : i32
      %add3A_33 = arith.addi %add3A_32, %mul3A_31 : i32
      %mul3A_34 = arith.constant 32 : i32
      %mul3A_35 = arith.muli %add3A_33, %mul3A_34 : i32
      %add3A_36 = arith.addi %add3A, %mul3A_35 : i32
      %lt3A = arith.constant 156 : i32
      %lt3A_37 = arith.cmpi slt, %add3A_36, %lt3A : i32
      %convert_element_type3A_38 = arith.extui %lt3A_37 : i1 to i32
      %cond3A_39 = arith.constant 0 : i32
      %cond3A_40 = arith.cmpi ne, %convert_element_type3A_38, %cond3A_39 : i32
      scf.if %cond3A_40 {
        %mul3A_41 = arith.constant 1024 : i32
        %mul3A_42 = arith.muli %add3A_36, %mul3A_41 : i32
        "tpu.region"() ({
          %run_scoped3A_48 = tpu.sem_alloc : memref<!tpu.dma_semaphore, #tpu.memory_space<semaphore_mem>>
          %dma_start3A = arith.constant 0 : i32
          %dma_start3A_49 = tpu.memref_slice %arg9[%dma_start3A] : memref<1024xi32, #tpu.memory_space<vmem>> -> memref<1024xi32, #tpu.memory_space<vmem>>
          %dma_start3A_50 = tpu.memref_slice %arg3[%mul3A_42] : memref<160000xi32, #tpu.memory_space<hbm>> -> memref<1024xi32, #tpu.memory_space<hbm>>
          %dma_start3A_51 = arith.constant 0 : i32
          %dma_start3A_52 = tpu.memref_slice %arg9[%dma_start3A_51] : memref<1024xi32, #tpu.memory_space<vmem>> -> memref<1024xi32, #tpu.memory_space<vmem>>
          %dma_start3A_53 = tpu.memref_slice %arg3[%mul3A_42] : memref<160000xi32, #tpu.memory_space<hbm>> -> memref<1024xi32, #tpu.memory_space<hbm>>
          tpu.enqueue_dma source(%dma_start3A_53 : memref<1024xi32, #tpu.memory_space<hbm>>) target(%dma_start3A_52 : memref<1024xi32, #tpu.memory_space<vmem>>) target_semaphore(%run_scoped3A_48 : memref<!tpu.dma_semaphore, #tpu.memory_space<semaphore_mem>>)
          %dma_wait3A = arith.constant 0 : i32
          %dma_wait3A_54 = tpu.memref_slice %arg9[%dma_wait3A] : memref<1024xi32, #tpu.memory_space<vmem>> -> memref<1024xi32, #tpu.memory_space<vmem>>
          %dma_wait3A_55 = tpu.memref_slice %arg3[%mul3A_42] : memref<160000xi32, #tpu.memory_space<hbm>> -> memref<1024xi32, #tpu.memory_space<hbm>>
          %dma_wait3A_56 = arith.constant 0 : i32
          %dma_wait3A_57 = tpu.memref_slice %arg9[%dma_wait3A_56] : memref<1024xi32, #tpu.memory_space<vmem>> -> memref<1024xi32, #tpu.memory_space<vmem>>
          %dma_wait3A_58 = tpu.memref_slice %arg3[%mul3A_42] : memref<160000xi32, #tpu.memory_space<hbm>> -> memref<1024xi32, #tpu.memory_space<hbm>>
          tpu.wait_dma2 semaphore(%run_scoped3A_48 : memref<!tpu.dma_semaphore, #tpu.memory_space<semaphore_mem>>) src(%dma_wait3A_58 : memref<1024xi32, #tpu.memory_space<hbm>>) dst(%dma_wait3A_57 : memref<1024xi32, #tpu.memory_space<vmem>>)
          tpu.yield
        }) : () -> ()
        "tpu.region"() ({
          %run_scoped3A_48 = tpu.sem_alloc : memref<!tpu.dma_semaphore, #tpu.memory_space<semaphore_mem>>
          %dma_start3A = arith.constant 0 : i32
          %dma_start3A_49 = arith.constant 0 : i32
          %dma_start3A_50 = tpu.memref_slice %arg10[%dma_start3A, %dma_start3A_49] : memref<8x1024xf32, #tpu.memory_space<vmem>> -> memref<8x1024xf32, #tpu.memory_space<vmem>>
          %dma_start3A_51 = arith.constant 0 : i32
          %dma_start3A_52 = tpu.memref_slice %arg2[%dma_start3A_51, %mul3A_42] : memref<8x160000xf32, #tpu.memory_space<hbm>> -> memref<8x1024xf32, #tpu.memory_space<hbm>>
          %dma_start3A_53 = arith.constant 0 : i32
          %dma_start3A_54 = arith.constant 0 : i32
          %dma_start3A_55 = tpu.memref_slice %arg10[%dma_start3A_53, %dma_start3A_54] : memref<8x1024xf32, #tpu.memory_space<vmem>> -> memref<8x1024xf32, #tpu.memory_space<vmem>>
          %dma_start3A_56 = arith.constant 0 : i32
          %dma_start3A_57 = tpu.memref_slice %arg2[%dma_start3A_56, %mul3A_42] : memref<8x160000xf32, #tpu.memory_space<hbm>> -> memref<8x1024xf32, #tpu.memory_space<hbm>>
          tpu.enqueue_dma source(%dma_start3A_57 : memref<8x1024xf32, #tpu.memory_space<hbm>>) target(%dma_start3A_55 : memref<8x1024xf32, #tpu.memory_space<vmem>>) target_semaphore(%run_scoped3A_48 : memref<!tpu.dma_semaphore, #tpu.memory_space<semaphore_mem>>)
          %dma_wait3A = arith.constant 0 : i32
          %dma_wait3A_58 = arith.constant 0 : i32
          %dma_wait3A_59 = tpu.memref_slice %arg10[%dma_wait3A, %dma_wait3A_58] : memref<8x1024xf32, #tpu.memory_space<vmem>> -> memref<8x1024xf32, #tpu.memory_space<vmem>>
          %dma_wait3A_60 = arith.constant 0 : i32
          %dma_wait3A_61 = tpu.memref_slice %arg2[%dma_wait3A_60, %mul3A_42] : memref<8x160000xf32, #tpu.memory_space<hbm>> -> memref<8x1024xf32, #tpu.memory_space<hbm>>
          %dma_wait3A_62 = arith.constant 0 : i32
          %dma_wait3A_63 = arith.constant 0 : i32
          %dma_wait3A_64 = tpu.memref_slice %arg10[%dma_wait3A_62, %dma_wait3A_63] : memref<8x1024xf32, #tpu.memory_space<vmem>> -> memref<8x1024xf32, #tpu.memory_space<vmem>>
          %dma_wait3A_65 = arith.constant 0 : i32
          %dma_wait3A_66 = tpu.memref_slice %arg2[%dma_wait3A_65, %mul3A_42] : memref<8x160000xf32, #tpu.memory_space<hbm>> -> memref<8x1024xf32, #tpu.memory_space<hbm>>
          tpu.wait_dma2 semaphore(%run_scoped3A_48 : memref<!tpu.dma_semaphore, #tpu.memory_space<semaphore_mem>>) src(%dma_wait3A_66 : memref<8x1024xf32, #tpu.memory_space<hbm>>) dst(%dma_wait3A_64 : memref<8x1024xf32, #tpu.memory_space<vmem>>)
          tpu.yield
        }) : () -> ()
        %scan3A_43 = arith.constant 0 : i32
        %scan3A_44 = arith.constant 64 : i32
        %scan3A_45 = arith.addi %scan3A_43, %scan3A_44 : i32
        %scan3A_46 = arith.constant 1 : i32
        scf.for %scan3A_48 = %scan3A_43 to %scan3A_45 step %scan3A_46  : i32 {
          %mul3A_49 = arith.constant 1 : i32
          %mul3A_50 = arith.muli %scan3A_48, %mul3A_49 : i32
          %add3A_51 = arith.constant 0 : i32
          %add3A_52 = arith.addi %add3A_51, %mul3A_50 : i32
          %mul3A_53 = arith.constant 16 : i32
          %mul3A_54 = arith.muli %add3A_52, %mul3A_53 : i32
          %get3A = arith.index_cast %mul3A_54 : i32 to index
          %get3A_55 = tpu.vector_load %arg9[%get3A] {strides = array<i32>} : memref<1024xi32, #tpu.memory_space<vmem>>, vector<16xi32>,
          tpu.vector_store_idx %arg8[%get3A_55], %broadcast_in_dim3A_17 {add = true} : memref<10000xf32, #tpu.memory_space<vmem>>[vector<16xi32>], vector<16xf32>,
          %mul3A_56 = arith.constant 16 : i32
          %mul3A_57 = arith.muli %add3A_52, %mul3A_56 : i32
          %get3A_58 = arith.constant 0 : i32
          %get3A_59 = arith.index_cast %get3A_58 : i32 to index
          %get3A_60 = arith.index_cast %mul3A_57 : i32 to index
          %get3A_61 = tpu.vector_load %arg10[%get3A_59, %get3A_60] {strides = array<i32>} : memref<8x1024xf32, #tpu.memory_space<vmem>>, vector<16xf32>,
          tpu.vector_store_idx %arg7[%broadcast_in_dim3A_1, %get3A_55], %get3A_61 {add = true} : memref<8x10000xf32, #tpu.memory_space<vmem>>[vector<16xi32>, vector<16xi32>], vector<16xf32>,
          %mul3A_62 = arith.constant 16 : i32
          %mul3A_63 = arith.muli %add3A_52, %mul3A_62 : i32
          %get3A_64 = arith.constant 1 : i32
          %get3A_65 = arith.index_cast %get3A_64 : i32 to index
          %get3A_66 = arith.index_cast %mul3A_63 : i32 to index
          %get3A_67 = tpu.vector_load %arg10[%get3A_65, %get3A_66] {strides = array<i32>} : memref<8x1024xf32, #tpu.memory_space<vmem>>, vector<16xf32>,
          tpu.vector_store_idx %arg7[%broadcast_in_dim3A_3, %get3A_55], %get3A_67 {add = true} : memref<8x10000xf32, #tpu.memory_space<vmem>>[vector<16xi32>, vector<16xi32>], vector<16xf32>,
          %mul3A_68 = arith.constant 16 : i32
          %mul3A_69 = arith.muli %add3A_52, %mul3A_68 : i32
          %get3A_70 = arith.constant 2 : i32
          %get3A_71 = arith.index_cast %get3A_70 : i32 to index
          %get3A_72 = arith.index_cast %mul3A_69 : i32 to index
          %get3A_73 = tpu.vector_load %arg10[%get3A_71, %get3A_72] {strides = array<i32>} : memref<8x1024xf32, #tpu.memory_space<vmem>>, vector<16xf32>,
          tpu.vector_store_idx %arg7[%broadcast_in_dim3A_5, %get3A_55], %get3A_73 {add = true} : memref<8x10000xf32, #tpu.memory_space<vmem>>[vector<16xi32>, vector<16xi32>], vector<16xf32>,
          %mul3A_74 = arith.constant 16 : i32
          %mul3A_75 = arith.muli %add3A_52, %mul3A_74 : i32
          %get3A_76 = arith.constant 3 : i32
          %get3A_77 = arith.index_cast %get3A_76 : i32 to index
          %get3A_78 = arith.index_cast %mul3A_75 : i32 to index
          %get3A_79 = tpu.vector_load %arg10[%get3A_77, %get3A_78] {strides = array<i32>} : memref<8x1024xf32, #tpu.memory_space<vmem>>, vector<16xf32>,
          tpu.vector_store_idx %arg7[%broadcast_in_dim3A_7, %get3A_55], %get3A_79 {add = true} : memref<8x10000xf32, #tpu.memory_space<vmem>>[vector<16xi32>, vector<16xi32>], vector<16xf32>,
          %mul3A_80 = arith.constant 16 : i32
          %mul3A_81 = arith.muli %add3A_52, %mul3A_80 : i32
          %get3A_82 = arith.constant 4 : i32
          %get3A_83 = arith.index_cast %get3A_82 : i32 to index
          %get3A_84 = arith.index_cast %mul3A_81 : i32 to index
          %get3A_85 = tpu.vector_load %arg10[%get3A_83, %get3A_84] {strides = array<i32>} : memref<8x1024xf32, #tpu.memory_space<vmem>>, vector<16xf32>,
          tpu.vector_store_idx %arg7[%broadcast_in_dim3A_9, %get3A_55], %get3A_85 {add = true} : memref<8x10000xf32, #tpu.memory_space<vmem>>[vector<16xi32>, vector<16xi32>], vector<16xf32>,
          %mul3A_86 = arith.constant 16 : i32
          %mul3A_87 = arith.muli %add3A_52, %mul3A_86 : i32
          %get3A_88 = arith.constant 5 : i32
          %get3A_89 = arith.index_cast %get3A_88 : i32 to index
          %get3A_90 = arith.index_cast %mul3A_87 : i32 to index
          %get3A_91 = tpu.vector_load %arg10[%get3A_89, %get3A_90] {strides = array<i32>} : memref<8x1024xf32, #tpu.memory_space<vmem>>, vector<16xf32>,
          tpu.vector_store_idx %arg7[%broadcast_in_dim3A_11, %get3A_55], %get3A_91 {add = true} : memref<8x10000xf32, #tpu.memory_space<vmem>>[vector<16xi32>, vector<16xi32>], vector<16xf32>,
          %mul3A_92 = arith.constant 16 : i32
          %mul3A_93 = arith.muli %add3A_52, %mul3A_92 : i32
          %get3A_94 = arith.constant 6 : i32
          %get3A_95 = arith.index_cast %get3A_94 : i32 to index
          %get3A_96 = arith.index_cast %mul3A_93 : i32 to index
          %get3A_97 = tpu.vector_load %arg10[%get3A_95, %get3A_96] {strides = array<i32>} : memref<8x1024xf32, #tpu.memory_space<vmem>>, vector<16xf32>,
          tpu.vector_store_idx %arg7[%broadcast_in_dim3A_13, %get3A_55], %get3A_97 {add = true} : memref<8x10000xf32, #tpu.memory_space<vmem>>[vector<16xi32>, vector<16xi32>], vector<16xf32>,
          %mul3A_98 = arith.constant 16 : i32
          %mul3A_99 = arith.muli %add3A_52, %mul3A_98 : i32
          %get3A_100 = arith.constant 7 : i32
          %get3A_101 = arith.index_cast %get3A_100 : i32 to index
          %get3A_102 = arith.index_cast %mul3A_99 : i32 to index
          %get3A_103 = tpu.vector_load %arg10[%get3A_101, %get3A_102] {strides = array<i32>} : memref<8x1024xf32, #tpu.memory_space<vmem>>, vector<16xf32>,
          tpu.vector_store_idx %arg7[%broadcast_in_dim3A_15, %get3A_55], %get3A_103 {add = true} : memref<8x10000xf32, #tpu.memory_space<vmem>>[vector<16xi32>, vector<16xi32>], vector<16xf32>,
        }
        %scan3A_47 = arith.constant 64 : i32
      } else {
      }
    }
    %scan3A_21 = arith.constant 5 : i32
    %eq3A = arith.constant 28 : i32
    %eq3A_22 = arith.cmpi eq, %add3A, %eq3A : i32
    %convert_element_type3A = arith.extui %eq3A_22 : i1 to i32
    %cond3A = arith.constant 0 : i32
    %cond3A_23 = arith.cmpi ne, %convert_element_type3A, %cond3A : i32
    scf.if %cond3A_23 {
      "tpu.region"() ({
        %run_scoped3A_34 = tpu.sem_alloc : memref<!tpu.dma_semaphore, #tpu.memory_space<semaphore_mem>>
        %dma_start3A = arith.constant 0 : i32
        %dma_start3A_35 = tpu.memref_slice %arg9[%dma_start3A] : memref<1024xi32, #tpu.memory_space<vmem>> -> memref<128xi32, #tpu.memory_space<vmem>>
        %dma_start3A_36 = arith.constant 159744 : i32
        %dma_start3A_37 = tpu.memref_slice %arg3[%dma_start3A_36] : memref<160000xi32, #tpu.memory_space<hbm>> -> memref<128xi32, #tpu.memory_space<hbm>>
        %dma_start3A_38 = arith.constant 0 : i32
        %dma_start3A_39 = tpu.memref_slice %arg9[%dma_start3A_38] : memref<1024xi32, #tpu.memory_space<vmem>> -> memref<128xi32, #tpu.memory_space<vmem>>
        %dma_start3A_40 = arith.constant 159744 : i32
        %dma_start3A_41 = tpu.memref_slice %arg3[%dma_start3A_40] : memref<160000xi32, #tpu.memory_space<hbm>> -> memref<128xi32, #tpu.memory_space<hbm>>
        tpu.enqueue_dma source(%dma_start3A_41 : memref<128xi32, #tpu.memory_space<hbm>>) target(%dma_start3A_39 : memref<128xi32, #tpu.memory_space<vmem>>) target_semaphore(%run_scoped3A_34 : memref<!tpu.dma_semaphore, #tpu.memory_space<semaphore_mem>>)
        %dma_wait3A = arith.constant 0 : i32
        %dma_wait3A_42 = tpu.memref_slice %arg9[%dma_wait3A] : memref<1024xi32, #tpu.memory_space<vmem>> -> memref<128xi32, #tpu.memory_space<vmem>>
        %dma_wait3A_43 = arith.constant 159744 : i32
        %dma_wait3A_44 = tpu.memref_slice %arg3[%dma_wait3A_43] : memref<160000xi32, #tpu.memory_space<hbm>> -> memref<128xi32, #tpu.memory_space<hbm>>
        %dma_wait3A_45 = arith.constant 0 : i32
        %dma_wait3A_46 = tpu.memref_slice %arg9[%dma_wait3A_45] : memref<1024xi32, #tpu.memory_space<vmem>> -> memref<128xi32, #tpu.memory_space<vmem>>
        %dma_wait3A_47 = arith.constant 159744 : i32
        %dma_wait3A_48 = tpu.memref_slice %arg3[%dma_wait3A_47] : memref<160000xi32, #tpu.memory_space<hbm>> -> memref<128xi32, #tpu.memory_space<hbm>>
        tpu.wait_dma2 semaphore(%run_scoped3A_34 : memref<!tpu.dma_semaphore, #tpu.memory_space<semaphore_mem>>) src(%dma_wait3A_48 : memref<128xi32, #tpu.memory_space<hbm>>) dst(%dma_wait3A_46 : memref<128xi32, #tpu.memory_space<vmem>>)
        tpu.yield
      }) : () -> ()
      "tpu.region"() ({
        %run_scoped3A_34 = tpu.sem_alloc : memref<!tpu.dma_semaphore, #tpu.memory_space<semaphore_mem>>
        %dma_start3A = arith.constant 0 : i32
        %dma_start3A_35 = arith.constant 0 : i32
        %dma_start3A_36 = tpu.memref_slice %arg10[%dma_start3A, %dma_start3A_35] : memref<8x1024xf32, #tpu.memory_space<vmem>> -> memref<8x128xf32, #tpu.memory_space<vmem>>
        %dma_start3A_37 = arith.constant 0 : i32
        %dma_start3A_38 = arith.constant 159744 : i32
        %dma_start3A_39 = tpu.memref_slice %arg2[%dma_start3A_37, %dma_start3A_38] : memref<8x160000xf32, #tpu.memory_space<hbm>> -> memref<8x128xf32, #tpu.memory_space<hbm>>
        %dma_start3A_40 = arith.constant 0 : i32
        %dma_start3A_41 = arith.constant 0 : i32
        %dma_start3A_42 = tpu.memref_slice %arg10[%dma_start3A_40, %dma_start3A_41] : memref<8x1024xf32, #tpu.memory_space<vmem>> -> memref<8x128xf32, #tpu.memory_space<vmem>>
        %dma_start3A_43 = arith.constant 0 : i32
        %dma_start3A_44 = arith.constant 159744 : i32
        %dma_start3A_45 = tpu.memref_slice %arg2[%dma_start3A_43, %dma_start3A_44] : memref<8x160000xf32, #tpu.memory_space<hbm>> -> memref<8x128xf32, #tpu.memory_space<hbm>>
        tpu.enqueue_dma source(%dma_start3A_45 : memref<8x128xf32, #tpu.memory_space<hbm>>) target(%dma_start3A_42 : memref<8x128xf32, #tpu.memory_space<vmem>>) target_semaphore(%run_scoped3A_34 : memref<!tpu.dma_semaphore, #tpu.memory_space<semaphore_mem>>)
        %dma_wait3A = arith.constant 0 : i32
        %dma_wait3A_46 = arith.constant 0 : i32
        %dma_wait3A_47 = tpu.memref_slice %arg10[%dma_wait3A, %dma_wait3A_46] : memref<8x1024xf32, #tpu.memory_space<vmem>> -> memref<8x128xf32, #tpu.memory_space<vmem>>
        %dma_wait3A_48 = arith.constant 0 : i32
        %dma_wait3A_49 = arith.constant 159744 : i32
        %dma_wait3A_50 = tpu.memref_slice %arg2[%dma_wait3A_48, %dma_wait3A_49] : memref<8x160000xf32, #tpu.memory_space<hbm>> -> memref<8x128xf32, #tpu.memory_space<hbm>>
        %dma_wait3A_51 = arith.constant 0 : i32
        %dma_wait3A_52 = arith.constant 0 : i32
        %dma_wait3A_53 = tpu.memref_slice %arg10[%dma_wait3A_51, %dma_wait3A_52] : memref<8x1024xf32, #tpu.memory_space<vmem>> -> memref<8x128xf32, #tpu.memory_space<vmem>>
        %dma_wait3A_54 = arith.constant 0 : i32
        %dma_wait3A_55 = arith.constant 159744 : i32
        %dma_wait3A_56 = tpu.memref_slice %arg2[%dma_wait3A_54, %dma_wait3A_55] : memref<8x160000xf32, #tpu.memory_space<hbm>> -> memref<8x128xf32, #tpu.memory_space<hbm>>
        tpu.wait_dma2 semaphore(%run_scoped3A_34 : memref<!tpu.dma_semaphore, #tpu.memory_space<semaphore_mem>>) src(%dma_wait3A_56 : memref<8x128xf32, #tpu.memory_space<hbm>>) dst(%dma_wait3A_53 : memref<8x128xf32, #tpu.memory_space<vmem>>)
        tpu.yield
      }) : () -> ()
      %scan3A_29 = arith.constant 0 : i32
      %scan3A_30 = arith.constant 8 : i32
      %scan3A_31 = arith.addi %scan3A_29, %scan3A_30 : i32
      %scan3A_32 = arith.constant 1 : i32
      scf.for %scan3A_34 = %scan3A_29 to %scan3A_31 step %scan3A_32  : i32 {
        %mul3A_35 = arith.constant 1 : i32
        %mul3A_36 = arith.muli %scan3A_34, %mul3A_35 : i32
        %add3A_37 = arith.constant 0 : i32
        %add3A_38 = arith.addi %add3A_37, %mul3A_36 : i32
        %mul3A_39 = arith.constant 16 : i32
        %mul3A_40 = arith.muli %add3A_38, %mul3A_39 : i32
        %get3A = arith.index_cast %mul3A_40 : i32 to index
        %get3A_41 = tpu.vector_load %arg9[%get3A] {strides = array<i32>} : memref<1024xi32, #tpu.memory_space<vmem>>, vector<16xi32>,
        tpu.vector_store_idx %arg8[%get3A_41], %broadcast_in_dim3A_17 {add = true} : memref<10000xf32, #tpu.memory_space<vmem>>[vector<16xi32>], vector<16xf32>,
        %mul3A_42 = arith.constant 16 : i32
        %mul3A_43 = arith.muli %add3A_38, %mul3A_42 : i32
        %get3A_44 = arith.constant 0 : i32
        %get3A_45 = arith.index_cast %get3A_44 : i32 to index
        %get3A_46 = arith.index_cast %mul3A_43 : i32 to index
        %get3A_47 = tpu.vector_load %arg10[%get3A_45, %get3A_46] {strides = array<i32>} : memref<8x1024xf32, #tpu.memory_space<vmem>>, vector<16xf32>,
        tpu.vector_store_idx %arg7[%broadcast_in_dim3A_1, %get3A_41], %get3A_47 {add = true} : memref<8x10000xf32, #tpu.memory_space<vmem>>[vector<16xi32>, vector<16xi32>], vector<16xf32>,
        %mul3A_48 = arith.constant 16 : i32
        %mul3A_49 = arith.muli %add3A_38, %mul3A_48 : i32
        %get3A_50 = arith.constant 1 : i32
        %get3A_51 = arith.index_cast %get3A_50 : i32 to index
        %get3A_52 = arith.index_cast %mul3A_49 : i32 to index
        %get3A_53 = tpu.vector_load %arg10[%get3A_51, %get3A_52] {strides = array<i32>} : memref<8x1024xf32, #tpu.memory_space<vmem>>, vector<16xf32>,
        tpu.vector_store_idx %arg7[%broadcast_in_dim3A_3, %get3A_41], %get3A_53 {add = true} : memref<8x10000xf32, #tpu.memory_space<vmem>>[vector<16xi32>, vector<16xi32>], vector<16xf32>,
        %mul3A_54 = arith.constant 16 : i32
        %mul3A_55 = arith.muli %add3A_38, %mul3A_54 : i32
        %get3A_56 = arith.constant 2 : i32
        %get3A_57 = arith.index_cast %get3A_56 : i32 to index
        %get3A_58 = arith.index_cast %mul3A_55 : i32 to index
        %get3A_59 = tpu.vector_load %arg10[%get3A_57, %get3A_58] {strides = array<i32>} : memref<8x1024xf32, #tpu.memory_space<vmem>>, vector<16xf32>,
        tpu.vector_store_idx %arg7[%broadcast_in_dim3A_5, %get3A_41], %get3A_59 {add = true} : memref<8x10000xf32, #tpu.memory_space<vmem>>[vector<16xi32>, vector<16xi32>], vector<16xf32>,
        %mul3A_60 = arith.constant 16 : i32
        %mul3A_61 = arith.muli %add3A_38, %mul3A_60 : i32
        %get3A_62 = arith.constant 3 : i32
        %get3A_63 = arith.index_cast %get3A_62 : i32 to index
        %get3A_64 = arith.index_cast %mul3A_61 : i32 to index
        %get3A_65 = tpu.vector_load %arg10[%get3A_63, %get3A_64] {strides = array<i32>} : memref<8x1024xf32, #tpu.memory_space<vmem>>, vector<16xf32>,
        tpu.vector_store_idx %arg7[%broadcast_in_dim3A_7, %get3A_41], %get3A_65 {add = true} : memref<8x10000xf32, #tpu.memory_space<vmem>>[vector<16xi32>, vector<16xi32>], vector<16xf32>,
        %mul3A_66 = arith.constant 16 : i32
        %mul3A_67 = arith.muli %add3A_38, %mul3A_66 : i32
        %get3A_68 = arith.constant 4 : i32
        %get3A_69 = arith.index_cast %get3A_68 : i32 to index
        %get3A_70 = arith.index_cast %mul3A_67 : i32 to index
        %get3A_71 = tpu.vector_load %arg10[%get3A_69, %get3A_70] {strides = array<i32>} : memref<8x1024xf32, #tpu.memory_space<vmem>>, vector<16xf32>,
        tpu.vector_store_idx %arg7[%broadcast_in_dim3A_9, %get3A_41], %get3A_71 {add = true} : memref<8x10000xf32, #tpu.memory_space<vmem>>[vector<16xi32>, vector<16xi32>], vector<16xf32>,
        %mul3A_72 = arith.constant 16 : i32
        %mul3A_73 = arith.muli %add3A_38, %mul3A_72 : i32
        %get3A_74 = arith.constant 5 : i32
        %get3A_75 = arith.index_cast %get3A_74 : i32 to index
        %get3A_76 = arith.index_cast %mul3A_73 : i32 to index
        %get3A_77 = tpu.vector_load %arg10[%get3A_75, %get3A_76] {strides = array<i32>} : memref<8x1024xf32, #tpu.memory_space<vmem>>, vector<16xf32>,
        tpu.vector_store_idx %arg7[%broadcast_in_dim3A_11, %get3A_41], %get3A_77 {add = true} : memref<8x10000xf32, #tpu.memory_space<vmem>>[vector<16xi32>, vector<16xi32>], vector<16xf32>,
        %mul3A_78 = arith.constant 16 : i32
        %mul3A_79 = arith.muli %add3A_38, %mul3A_78 : i32
        %get3A_80 = arith.constant 6 : i32
        %get3A_81 = arith.index_cast %get3A_80 : i32 to index
        %get3A_82 = arith.index_cast %mul3A_79 : i32 to index
        %get3A_83 = tpu.vector_load %arg10[%get3A_81, %get3A_82] {strides = array<i32>} : memref<8x1024xf32, #tpu.memory_space<vmem>>, vector<16xf32>,
        tpu.vector_store_idx %arg7[%broadcast_in_dim3A_13, %get3A_41], %get3A_83 {add = true} : memref<8x10000xf32, #tpu.memory_space<vmem>>[vector<16xi32>, vector<16xi32>], vector<16xf32>,
        %mul3A_84 = arith.constant 16 : i32
        %mul3A_85 = arith.muli %add3A_38, %mul3A_84 : i32
        %get3A_86 = arith.constant 7 : i32
        %get3A_87 = arith.index_cast %get3A_86 : i32 to index
        %get3A_88 = arith.index_cast %mul3A_85 : i32 to index
        %get3A_89 = tpu.vector_load %arg10[%get3A_87, %get3A_88] {strides = array<i32>} : memref<8x1024xf32, #tpu.memory_space<vmem>>, vector<16xf32>,
        tpu.vector_store_idx %arg7[%broadcast_in_dim3A_15, %get3A_41], %get3A_89 {add = true} : memref<8x10000xf32, #tpu.memory_space<vmem>>[vector<16xi32>, vector<16xi32>], vector<16xf32>,
      }
      %scan3A_33 = arith.constant 8 : i32
    } else {
    }
    %eq3A_24 = arith.constant 29 : i32
    %eq3A_25 = arith.cmpi eq, %add3A, %eq3A_24 : i32
    %convert_element_type3A_26 = arith.extui %eq3A_25 : i1 to i32
    %cond3A_27 = arith.constant 0 : i32
    %cond3A_28 = arith.cmpi ne, %convert_element_type3A_26, %cond3A_27 : i32
    scf.if %cond3A_28 {
      "tpu.region"() ({
        %run_scoped3A_34 = tpu.sem_alloc : memref<!tpu.dma_semaphore, #tpu.memory_space<semaphore_mem>>
        %dma_start3A = arith.constant 0 : i32
        %dma_start3A_35 = tpu.memref_slice %arg9[%dma_start3A] : memref<1024xi32, #tpu.memory_space<vmem>> -> memref<128xi32, #tpu.memory_space<vmem>>
        %dma_start3A_36 = arith.constant 159872 : i32
        %dma_start3A_37 = tpu.memref_slice %arg3[%dma_start3A_36] : memref<160000xi32, #tpu.memory_space<hbm>> -> memref<128xi32, #tpu.memory_space<hbm>>
        %dma_start3A_38 = arith.constant 0 : i32
        %dma_start3A_39 = tpu.memref_slice %arg9[%dma_start3A_38] : memref<1024xi32, #tpu.memory_space<vmem>> -> memref<128xi32, #tpu.memory_space<vmem>>
        %dma_start3A_40 = arith.constant 159872 : i32
        %dma_start3A_41 = tpu.memref_slice %arg3[%dma_start3A_40] : memref<160000xi32, #tpu.memory_space<hbm>> -> memref<128xi32, #tpu.memory_space<hbm>>
        tpu.enqueue_dma source(%dma_start3A_41 : memref<128xi32, #tpu.memory_space<hbm>>) target(%dma_start3A_39 : memref<128xi32, #tpu.memory_space<vmem>>) target_semaphore(%run_scoped3A_34 : memref<!tpu.dma_semaphore, #tpu.memory_space<semaphore_mem>>)
        %dma_wait3A = arith.constant 0 : i32
        %dma_wait3A_42 = tpu.memref_slice %arg9[%dma_wait3A] : memref<1024xi32, #tpu.memory_space<vmem>> -> memref<128xi32, #tpu.memory_space<vmem>>
        %dma_wait3A_43 = arith.constant 159872 : i32
        %dma_wait3A_44 = tpu.memref_slice %arg3[%dma_wait3A_43] : memref<160000xi32, #tpu.memory_space<hbm>> -> memref<128xi32, #tpu.memory_space<hbm>>
        %dma_wait3A_45 = arith.constant 0 : i32
        %dma_wait3A_46 = tpu.memref_slice %arg9[%dma_wait3A_45] : memref<1024xi32, #tpu.memory_space<vmem>> -> memref<128xi32, #tpu.memory_space<vmem>>
        %dma_wait3A_47 = arith.constant 159872 : i32
        %dma_wait3A_48 = tpu.memref_slice %arg3[%dma_wait3A_47] : memref<160000xi32, #tpu.memory_space<hbm>> -> memref<128xi32, #tpu.memory_space<hbm>>
        tpu.wait_dma2 semaphore(%run_scoped3A_34 : memref<!tpu.dma_semaphore, #tpu.memory_space<semaphore_mem>>) src(%dma_wait3A_48 : memref<128xi32, #tpu.memory_space<hbm>>) dst(%dma_wait3A_46 : memref<128xi32, #tpu.memory_space<vmem>>)
        tpu.yield
      }) : () -> ()
      "tpu.region"() ({
        %run_scoped3A_34 = tpu.sem_alloc : memref<!tpu.dma_semaphore, #tpu.memory_space<semaphore_mem>>
        %dma_start3A = arith.constant 0 : i32
        %dma_start3A_35 = arith.constant 0 : i32
        %dma_start3A_36 = tpu.memref_slice %arg10[%dma_start3A, %dma_start3A_35] : memref<8x1024xf32, #tpu.memory_space<vmem>> -> memref<8x128xf32, #tpu.memory_space<vmem>>
        %dma_start3A_37 = arith.constant 0 : i32
        %dma_start3A_38 = arith.constant 159872 : i32
        %dma_start3A_39 = tpu.memref_slice %arg2[%dma_start3A_37, %dma_start3A_38] : memref<8x160000xf32, #tpu.memory_space<hbm>> -> memref<8x128xf32, #tpu.memory_space<hbm>>
        %dma_start3A_40 = arith.constant 0 : i32
        %dma_start3A_41 = arith.constant 0 : i32
        %dma_start3A_42 = tpu.memref_slice %arg10[%dma_start3A_40, %dma_start3A_41] : memref<8x1024xf32, #tpu.memory_space<vmem>> -> memref<8x128xf32, #tpu.memory_space<vmem>>
        %dma_start3A_43 = arith.constant 0 : i32
        %dma_start3A_44 = arith.constant 159872 : i32
        %dma_start3A_45 = tpu.memref_slice %arg2[%dma_start3A_43, %dma_start3A_44] : memref<8x160000xf32, #tpu.memory_space<hbm>> -> memref<8x128xf32, #tpu.memory_space<hbm>>
        tpu.enqueue_dma source(%dma_start3A_45 : memref<8x128xf32, #tpu.memory_space<hbm>>) target(%dma_start3A_42 : memref<8x128xf32, #tpu.memory_space<vmem>>) target_semaphore(%run_scoped3A_34 : memref<!tpu.dma_semaphore, #tpu.memory_space<semaphore_mem>>)
        %dma_wait3A = arith.constant 0 : i32
        %dma_wait3A_46 = arith.constant 0 : i32
        %dma_wait3A_47 = tpu.memref_slice %arg10[%dma_wait3A, %dma_wait3A_46] : memref<8x1024xf32, #tpu.memory_space<vmem>> -> memref<8x128xf32, #tpu.memory_space<vmem>>
        %dma_wait3A_48 = arith.constant 0 : i32
        %dma_wait3A_49 = arith.constant 159872 : i32
        %dma_wait3A_50 = tpu.memref_slice %arg2[%dma_wait3A_48, %dma_wait3A_49] : memref<8x160000xf32, #tpu.memory_space<hbm>> -> memref<8x128xf32, #tpu.memory_space<hbm>>
        %dma_wait3A_51 = arith.constant 0 : i32
        %dma_wait3A_52 = arith.constant 0 : i32
        %dma_wait3A_53 = tpu.memref_slice %arg10[%dma_wait3A_51, %dma_wait3A_52] : memref<8x1024xf32, #tpu.memory_space<vmem>> -> memref<8x128xf32, #tpu.memory_space<vmem>>
        %dma_wait3A_54 = arith.constant 0 : i32
        %dma_wait3A_55 = arith.constant 159872 : i32
        %dma_wait3A_56 = tpu.memref_slice %arg2[%dma_wait3A_54, %dma_wait3A_55] : memref<8x160000xf32, #tpu.memory_space<hbm>> -> memref<8x128xf32, #tpu.memory_space<hbm>>
        tpu.wait_dma2 semaphore(%run_scoped3A_34 : memref<!tpu.dma_semaphore, #tpu.memory_space<semaphore_mem>>) src(%dma_wait3A_56 : memref<8x128xf32, #tpu.memory_space<hbm>>) dst(%dma_wait3A_53 : memref<8x128xf32, #tpu.memory_space<vmem>>)
        tpu.yield
      }) : () -> ()
      %scan3A_29 = arith.constant 0 : i32
      %scan3A_30 = arith.constant 8 : i32
      %scan3A_31 = arith.addi %scan3A_29, %scan3A_30 : i32
      %scan3A_32 = arith.constant 1 : i32
      scf.for %scan3A_34 = %scan3A_29 to %scan3A_31 step %scan3A_32  : i32 {
        %mul3A_35 = arith.constant 1 : i32
        %mul3A_36 = arith.muli %scan3A_34, %mul3A_35 : i32
        %add3A_37 = arith.constant 0 : i32
        %add3A_38 = arith.addi %add3A_37, %mul3A_36 : i32
        %mul3A_39 = arith.constant 16 : i32
        %mul3A_40 = arith.muli %add3A_38, %mul3A_39 : i32
        %get3A = arith.index_cast %mul3A_40 : i32 to index
        %get3A_41 = tpu.vector_load %arg9[%get3A] {strides = array<i32>} : memref<1024xi32, #tpu.memory_space<vmem>>, vector<16xi32>,
        tpu.vector_store_idx %arg8[%get3A_41], %broadcast_in_dim3A_17 {add = true} : memref<10000xf32, #tpu.memory_space<vmem>>[vector<16xi32>], vector<16xf32>,
        %mul3A_42 = arith.constant 16 : i32
        %mul3A_43 = arith.muli %add3A_38, %mul3A_42 : i32
        %get3A_44 = arith.constant 0 : i32
        %get3A_45 = arith.index_cast %get3A_44 : i32 to index
        %get3A_46 = arith.index_cast %mul3A_43 : i32 to index
        %get3A_47 = tpu.vector_load %arg10[%get3A_45, %get3A_46] {strides = array<i32>} : memref<8x1024xf32, #tpu.memory_space<vmem>>, vector<16xf32>,
        tpu.vector_store_idx %arg7[%broadcast_in_dim3A_1, %get3A_41], %get3A_47 {add = true} : memref<8x10000xf32, #tpu.memory_space<vmem>>[vector<16xi32>, vector<16xi32>], vector<16xf32>,
        %mul3A_48 = arith.constant 16 : i32
        %mul3A_49 = arith.muli %add3A_38, %mul3A_48 : i32
        %get3A_50 = arith.constant 1 : i32
        %get3A_51 = arith.index_cast %get3A_50 : i32 to index
        %get3A_52 = arith.index_cast %mul3A_49 : i32 to index
        %get3A_53 = tpu.vector_load %arg10[%get3A_51, %get3A_52] {strides = array<i32>} : memref<8x1024xf32, #tpu.memory_space<vmem>>, vector<16xf32>,
        tpu.vector_store_idx %arg7[%broadcast_in_dim3A_3, %get3A_41], %get3A_53 {add = true} : memref<8x10000xf32, #tpu.memory_space<vmem>>[vector<16xi32>, vector<16xi32>], vector<16xf32>,
        %mul3A_54 = arith.constant 16 : i32
        %mul3A_55 = arith.muli %add3A_38, %mul3A_54 : i32
        %get3A_56 = arith.constant 2 : i32
        %get3A_57 = arith.index_cast %get3A_56 : i32 to index
        %get3A_58 = arith.index_cast %mul3A_55 : i32 to index
        %get3A_59 = tpu.vector_load %arg10[%get3A_57, %get3A_58] {strides = array<i32>} : memref<8x1024xf32, #tpu.memory_space<vmem>>, vector<16xf32>,
        tpu.vector_store_idx %arg7[%broadcast_in_dim3A_5, %get3A_41], %get3A_59 {add = true} : memref<8x10000xf32, #tpu.memory_space<vmem>>[vector<16xi32>, vector<16xi32>], vector<16xf32>,
        %mul3A_60 = arith.constant 16 : i32
        %mul3A_61 = arith.muli %add3A_38, %mul3A_60 : i32
        %get3A_62 = arith.constant 3 : i32
        %get3A_63 = arith.index_cast %get3A_62 : i32 to index
        %get3A_64 = arith.index_cast %mul3A_61 : i32 to index
        %get3A_65 = tpu.vector_load %arg10[%get3A_63, %get3A_64] {strides = array<i32>} : memref<8x1024xf32, #tpu.memory_space<vmem>>, vector<16xf32>,
        tpu.vector_store_idx %arg7[%broadcast_in_dim3A_7, %get3A_41], %get3A_65 {add = true} : memref<8x10000xf32, #tpu.memory_space<vmem>>[vector<16xi32>, vector<16xi32>], vector<16xf32>,
        %mul3A_66 = arith.constant 16 : i32
        %mul3A_67 = arith.muli %add3A_38, %mul3A_66 : i32
        %get3A_68 = arith.constant 4 : i32
        %get3A_69 = arith.index_cast %get3A_68 : i32 to index
        %get3A_70 = arith.index_cast %mul3A_67 : i32 to index
        %get3A_71 = tpu.vector_load %arg10[%get3A_69, %get3A_70] {strides = array<i32>} : memref<8x1024xf32, #tpu.memory_space<vmem>>, vector<16xf32>,
        tpu.vector_store_idx %arg7[%broadcast_in_dim3A_9, %get3A_41], %get3A_71 {add = true} : memref<8x10000xf32, #tpu.memory_space<vmem>>[vector<16xi32>, vector<16xi32>], vector<16xf32>,
        %mul3A_72 = arith.constant 16 : i32
        %mul3A_73 = arith.muli %add3A_38, %mul3A_72 : i32
        %get3A_74 = arith.constant 5 : i32
        %get3A_75 = arith.index_cast %get3A_74 : i32 to index
        %get3A_76 = arith.index_cast %mul3A_73 : i32 to index
        %get3A_77 = tpu.vector_load %arg10[%get3A_75, %get3A_76] {strides = array<i32>} : memref<8x1024xf32, #tpu.memory_space<vmem>>, vector<16xf32>,
        tpu.vector_store_idx %arg7[%broadcast_in_dim3A_11, %get3A_41], %get3A_77 {add = true} : memref<8x10000xf32, #tpu.memory_space<vmem>>[vector<16xi32>, vector<16xi32>], vector<16xf32>,
        %mul3A_78 = arith.constant 16 : i32
        %mul3A_79 = arith.muli %add3A_38, %mul3A_78 : i32
        %get3A_80 = arith.constant 6 : i32
        %get3A_81 = arith.index_cast %get3A_80 : i32 to index
        %get3A_82 = arith.index_cast %mul3A_79 : i32 to index
        %get3A_83 = tpu.vector_load %arg10[%get3A_81, %get3A_82] {strides = array<i32>} : memref<8x1024xf32, #tpu.memory_space<vmem>>, vector<16xf32>,
        tpu.vector_store_idx %arg7[%broadcast_in_dim3A_13, %get3A_41], %get3A_83 {add = true} : memref<8x10000xf32, #tpu.memory_space<vmem>>[vector<16xi32>, vector<16xi32>], vector<16xf32>,
        %mul3A_84 = arith.constant 16 : i32
        %mul3A_85 = arith.muli %add3A_38, %mul3A_84 : i32
        %get3A_86 = arith.constant 7 : i32
        %get3A_87 = arith.index_cast %get3A_86 : i32 to index
        %get3A_88 = arith.index_cast %mul3A_85 : i32 to index
        %get3A_89 = tpu.vector_load %arg10[%get3A_87, %get3A_88] {strides = array<i32>} : memref<8x1024xf32, #tpu.memory_space<vmem>>, vector<16xf32>,
        tpu.vector_store_idx %arg7[%broadcast_in_dim3A_15, %get3A_41], %get3A_89 {add = true} : memref<8x10000xf32, #tpu.memory_space<vmem>>[vector<16xi32>, vector<16xi32>], vector<16xf32>,
      }
      %scan3A_33 = arith.constant 8 : i32
    } else {
    }
    "tpu.region"() ({
      %run_scoped3A_29 = tpu.sem_alloc : memref<!tpu.dma_semaphore, #tpu.memory_space<semaphore_mem>>
      %dma_start3A = arith.constant 0 : i32
      %dma_start3A_30 = arith.constant 0 : i32
      %dma_start3A_31 = tpu.memref_slice %arg5[%add3A, %dma_start3A, %dma_start3A_30] : memref<32x8x10000xf32, #tpu.memory_space<hbm>> -> memref<1x8x10000xf32, #tpu.memory_space<hbm>>
      %dma_start3A_32 = tpu.memref_squeeze %dma_start3A_31 : memref<1x8x10000xf32, #tpu.memory_space<hbm>> -> memref<8x10000xf32, #tpu.memory_space<hbm>>
      %dma_start3A_33 = arith.constant 0 : i32
      %dma_start3A_34 = arith.constant 0 : i32
      %dma_start3A_35 = tpu.memref_slice %arg5[%add3A, %dma_start3A_33, %dma_start3A_34] : memref<32x8x10000xf32, #tpu.memory_space<hbm>> -> memref<1x8x10000xf32, #tpu.memory_space<hbm>>
      %dma_start3A_36 = tpu.memref_squeeze %dma_start3A_35 : memref<1x8x10000xf32, #tpu.memory_space<hbm>> -> memref<8x10000xf32, #tpu.memory_space<hbm>>
      tpu.enqueue_dma source(%arg7 : memref<8x10000xf32, #tpu.memory_space<vmem>>) target(%dma_start3A_36 : memref<8x10000xf32, #tpu.memory_space<hbm>>) target_semaphore(%run_scoped3A_29 : memref<!tpu.dma_semaphore, #tpu.memory_space<semaphore_mem>>)
      %dma_wait3A = arith.constant 0 : i32
      %dma_wait3A_37 = arith.constant 0 : i32
      %dma_wait3A_38 = tpu.memref_slice %arg5[%add3A, %dma_wait3A, %dma_wait3A_37] : memref<32x8x10000xf32, #tpu.memory_space<hbm>> -> memref<1x8x10000xf32, #tpu.memory_space<hbm>>
      %dma_wait3A_39 = tpu.memref_squeeze %dma_wait3A_38 : memref<1x8x10000xf32, #tpu.memory_space<hbm>> -> memref<8x10000xf32, #tpu.memory_space<hbm>>
      %dma_wait3A_40 = arith.constant 0 : i32
      %dma_wait3A_41 = arith.constant 0 : i32
      %dma_wait3A_42 = tpu.memref_slice %arg5[%add3A, %dma_wait3A_40, %dma_wait3A_41] : memref<32x8x10000xf32, #tpu.memory_space<hbm>> -> memref<1x8x10000xf32, #tpu.memory_space<hbm>>
      %dma_wait3A_43 = tpu.memref_squeeze %dma_wait3A_42 : memref<1x8x10000xf32, #tpu.memory_space<hbm>> -> memref<8x10000xf32, #tpu.memory_space<hbm>>
      tpu.wait_dma2 semaphore(%run_scoped3A_29 : memref<!tpu.dma_semaphore, #tpu.memory_space<semaphore_mem>>) src(%arg7 : memref<8x10000xf32, #tpu.memory_space<vmem>>) dst(%dma_wait3A_43 : memref<8x10000xf32, #tpu.memory_space<hbm>>)
      tpu.yield
    }) : () -> ()
    "tpu.region"() ({
      %run_scoped3A_29 = tpu.sem_alloc : memref<!tpu.dma_semaphore, #tpu.memory_space<semaphore_mem>>
      %dma_start3A = arith.constant 0 : i32
      %dma_start3A_30 = tpu.memref_slice %arg6[%add3A, %dma_start3A] : memref<32x10000xf32, #tpu.memory_space<hbm>> -> memref<1x10000xf32, #tpu.memory_space<hbm>>
      %dma_start3A_31 = tpu.memref_squeeze %dma_start3A_30 : memref<1x10000xf32, #tpu.memory_space<hbm>> -> memref<10000xf32, #tpu.memory_space<hbm>>
      %dma_start3A_32 = arith.constant 0 : i32
      %dma_start3A_33 = tpu.memref_slice %arg6[%add3A, %dma_start3A_32] : memref<32x10000xf32, #tpu.memory_space<hbm>> -> memref<1x10000xf32, #tpu.memory_space<hbm>>
      %dma_start3A_34 = tpu.memref_squeeze %dma_start3A_33 : memref<1x10000xf32, #tpu.memory_space<hbm>> -> memref<10000xf32, #tpu.memory_space<hbm>>
      tpu.enqueue_dma source(%arg8 : memref<10000xf32, #tpu.memory_space<vmem>>) target(%dma_start3A_34 : memref<10000xf32, #tpu.memory_space<hbm>>) target_semaphore(%run_scoped3A_29 : memref<!tpu.dma_semaphore, #tpu.memory_space<semaphore_mem>>)
      %dma_wait3A = arith.constant 0 : i32
      %dma_wait3A_35 = tpu.memref_slice %arg6[%add3A, %dma_wait3A] : memref<32x10000xf32, #tpu.memory_space<hbm>> -> memref<1x10000xf32, #tpu.memory_space<hbm>>
      %dma_wait3A_36 = tpu.memref_squeeze %dma_wait3A_35 : memref<1x10000xf32, #tpu.memory_space<hbm>> -> memref<10000xf32, #tpu.memory_space<hbm>>
      %dma_wait3A_37 = arith.constant 0 : i32
      %dma_wait3A_38 = tpu.memref_slice %arg6[%add3A, %dma_wait3A_37] : memref<32x10000xf32, #tpu.memory_space<hbm>> -> memref<1x10000xf32, #tpu.memory_space<hbm>>
      %dma_wait3A_39 = tpu.memref_squeeze %dma_wait3A_38 : memref<1x10000xf32, #tpu.memory_space<hbm>> -> memref<10000xf32, #tpu.memory_space<hbm>>
      tpu.wait_dma2 semaphore(%run_scoped3A_29 : memref<!tpu.dma_semaphore, #tpu.memory_space<semaphore_mem>>) src(%arg8 : memref<10000xf32, #tpu.memory_space<vmem>>) dst(%dma_wait3A_39 : memref<10000xf32, #tpu.memory_space<hbm>>)
      tpu.yield
    }) : () -> ()
    return
  }
}

#map = affine_map<(d0, d1) -> (0, 0)>
#map1 = affine_map<(d0, d1) -> (0)>
#map2 = affine_map<(d0, d1) -> (0, 0, 0)>
module attributes {stable_mosaic.version = 14 : i64} {
  func.func @k(%arg0: i32, %arg1: i32, %arg2: memref<8x160000xf32, #tpu.memory_space<hbm>>, %arg3: memref<160000xi32, #tpu.memory_space<hbm>>, %arg4: memref<8x10000xf32, #tpu.memory_space<hbm>>, %arg5: memref<32x8x10000xf32, #tpu.memory_space<hbm>>, %arg6: memref<8x10000xf32, #tpu.memory_space<vmem>>, %arg7: memref<10000xf32, #tpu.memory_space<vmem>>, %arg8: memref<1024xi32, #tpu.memory_space<vmem>>, %arg9: memref<8x1024xf32, #tpu.memory_space<vmem>>) attributes {dimension_semantics = [#tpu.dimension_semantics<core_parallel>, #tpu.dimension_semantics<subcore_parallel>], iteration_bounds = array<i64: 2, 16>, scalar_prefetch = 0 : i64, scratch_operands = 4 : i64, tpu.core_type = #tpu.core_type<sc_vector_subcore>, window_params = [{transform_indices = #map}, {transform_indices = #map1}, {transform_indices = #map}, {transform_indices = #map2}]} {
    %mul3A = arith.constant 2 : i32
    %mul3A_0 = arith.muli %arg1, %mul3A : i32
    %add3A = arith.addi %mul3A_0, %arg0 : i32
    "tpu.region"() ({
      %run_scoped3A = tpu.sem_alloc : memref<!tpu.dma_semaphore, #tpu.memory_space<semaphore_mem>>
      tpu.enqueue_dma source(%arg4 : memref<8x10000xf32, #tpu.memory_space<hbm>>) target(%arg6 : memref<8x10000xf32, #tpu.memory_space<vmem>>) target_semaphore(%run_scoped3A : memref<!tpu.dma_semaphore, #tpu.memory_space<semaphore_mem>>)
      tpu.wait_dma2 semaphore(%run_scoped3A : memref<!tpu.dma_semaphore, #tpu.memory_space<semaphore_mem>>) src(%arg4 : memref<8x10000xf32, #tpu.memory_space<hbm>>) dst(%arg6 : memref<8x10000xf32, #tpu.memory_space<vmem>>)
      tpu.yield
    }) : () -> ()
    %broadcast_in_dim3A = arith.constant 0 : i32
    %broadcast_in_dim3A_1 = vector.broadcast %broadcast_in_dim3A : i32 to vector<16xi32>
    %broadcast_in_dim3A_2 = arith.constant 1 : i32
    %broadcast_in_dim3A_3 = vector.broadcast %broadcast_in_dim3A_2 : i32 to vector<16xi32>
    %broadcast_in_dim3A_4 = arith.constant 2 : i32
    %broadcast_in_dim3A_5 = vector.broadcast %broadcast_in_dim3A_4 : i32 to vector<16xi32>
    %broadcast_in_dim3A_6 = arith.constant 3 : i32
    %broadcast_in_dim3A_7 = vector.broadcast %broadcast_in_dim3A_6 : i32 to vector<16xi32>
    %broadcast_in_dim3A_8 = arith.constant 4 : i32
    %broadcast_in_dim3A_9 = vector.broadcast %broadcast_in_dim3A_8 : i32 to vector<16xi32>
    %broadcast_in_dim3A_10 = arith.constant 5 : i32
    %broadcast_in_dim3A_11 = vector.broadcast %broadcast_in_dim3A_10 : i32 to vector<16xi32>
    %broadcast_in_dim3A_12 = arith.constant 6 : i32
    %broadcast_in_dim3A_13 = vector.broadcast %broadcast_in_dim3A_12 : i32 to vector<16xi32>
    %broadcast_in_dim3A_14 = arith.constant 7 : i32
    %broadcast_in_dim3A_15 = vector.broadcast %broadcast_in_dim3A_14 : i32 to vector<16xi32>
    %broadcast_in_dim3A_16 = arith.constant 1.000000e+00 : f32
    %broadcast_in_dim3A_17 = vector.broadcast %broadcast_in_dim3A_16 : f32 to vector<16xf32>
    %scan3A = arith.constant 0 : i32
    %scan3A_18 = arith.constant 5 : i32
    %scan3A_19 = arith.addi %scan3A, %scan3A_18 : i32
    %scan3A_20 = arith.constant 1 : i32
    scf.for %scan3A_29 = %scan3A to %scan3A_19 step %scan3A_20  : i32 {
      %mul3A_30 = arith.constant 1 : i32
      %mul3A_31 = arith.muli %scan3A_29, %mul3A_30 : i32
      %add3A_32 = arith.constant 0 : i32
      %add3A_33 = arith.addi %add3A_32, %mul3A_31 : i32
      %mul3A_34 = arith.constant 32 : i32
      %mul3A_35 = arith.muli %add3A_33, %mul3A_34 : i32
      %add3A_36 = arith.addi %add3A, %mul3A_35 : i32
      %lt3A = arith.constant 156 : i32
      %lt3A_37 = arith.cmpi slt, %add3A_36, %lt3A : i32
      %convert_element_type3A_38 = arith.extui %lt3A_37 : i1 to i32
      %cond3A_39 = arith.constant 0 : i32
      %cond3A_40 = arith.cmpi ne, %convert_element_type3A_38, %cond3A_39 : i32
      scf.if %cond3A_40 {
        %mul3A_41 = arith.constant 1024 : i32
        %mul3A_42 = arith.muli %add3A_36, %mul3A_41 : i32
        "tpu.region"() ({
          %run_scoped3A = tpu.sem_alloc : memref<!tpu.dma_semaphore, #tpu.memory_space<semaphore_mem>>
          %dma_start3A = arith.constant 0 : i32
          %dma_start3A_48 = tpu.memref_slice %arg8[%dma_start3A] : memref<1024xi32, #tpu.memory_space<vmem>> -> memref<1024xi32, #tpu.memory_space<vmem>>
          %dma_start3A_49 = tpu.memref_slice %arg3[%mul3A_42] : memref<160000xi32, #tpu.memory_space<hbm>> -> memref<1024xi32, #tpu.memory_space<hbm>>
          %dma_start3A_50 = arith.constant 0 : i32
          %dma_start3A_51 = tpu.memref_slice %arg8[%dma_start3A_50] : memref<1024xi32, #tpu.memory_space<vmem>> -> memref<1024xi32, #tpu.memory_space<vmem>>
          %dma_start3A_52 = tpu.memref_slice %arg3[%mul3A_42] : memref<160000xi32, #tpu.memory_space<hbm>> -> memref<1024xi32, #tpu.memory_space<hbm>>
          tpu.enqueue_dma source(%dma_start3A_52 : memref<1024xi32, #tpu.memory_space<hbm>>) target(%dma_start3A_51 : memref<1024xi32, #tpu.memory_space<vmem>>) target_semaphore(%run_scoped3A : memref<!tpu.dma_semaphore, #tpu.memory_space<semaphore_mem>>)
          %dma_wait3A = arith.constant 0 : i32
          %dma_wait3A_53 = tpu.memref_slice %arg8[%dma_wait3A] : memref<1024xi32, #tpu.memory_space<vmem>> -> memref<1024xi32, #tpu.memory_space<vmem>>
          %dma_wait3A_54 = tpu.memref_slice %arg3[%mul3A_42] : memref<160000xi32, #tpu.memory_space<hbm>> -> memref<1024xi32, #tpu.memory_space<hbm>>
          %dma_wait3A_55 = arith.constant 0 : i32
          %dma_wait3A_56 = tpu.memref_slice %arg8[%dma_wait3A_55] : memref<1024xi32, #tpu.memory_space<vmem>> -> memref<1024xi32, #tpu.memory_space<vmem>>
          %dma_wait3A_57 = tpu.memref_slice %arg3[%mul3A_42] : memref<160000xi32, #tpu.memory_space<hbm>> -> memref<1024xi32, #tpu.memory_space<hbm>>
          tpu.wait_dma2 semaphore(%run_scoped3A : memref<!tpu.dma_semaphore, #tpu.memory_space<semaphore_mem>>) src(%dma_wait3A_57 : memref<1024xi32, #tpu.memory_space<hbm>>) dst(%dma_wait3A_56 : memref<1024xi32, #tpu.memory_space<vmem>>)
          tpu.yield
        }) : () -> ()
        "tpu.region"() ({
          %run_scoped3A = tpu.sem_alloc : memref<!tpu.dma_semaphore, #tpu.memory_space<semaphore_mem>>
          %dma_start3A = arith.constant 0 : i32
          %dma_start3A_48 = arith.constant 0 : i32
          %dma_start3A_49 = tpu.memref_slice %arg9[%dma_start3A, %dma_start3A_48] : memref<8x1024xf32, #tpu.memory_space<vmem>> -> memref<8x1024xf32, #tpu.memory_space<vmem>>
          %dma_start3A_50 = arith.constant 0 : i32
          %dma_start3A_51 = tpu.memref_slice %arg2[%dma_start3A_50, %mul3A_42] : memref<8x160000xf32, #tpu.memory_space<hbm>> -> memref<8x1024xf32, #tpu.memory_space<hbm>>
          %dma_start3A_52 = arith.constant 0 : i32
          %dma_start3A_53 = arith.constant 0 : i32
          %dma_start3A_54 = tpu.memref_slice %arg9[%dma_start3A_52, %dma_start3A_53] : memref<8x1024xf32, #tpu.memory_space<vmem>> -> memref<8x1024xf32, #tpu.memory_space<vmem>>
          %dma_start3A_55 = arith.constant 0 : i32
          %dma_start3A_56 = tpu.memref_slice %arg2[%dma_start3A_55, %mul3A_42] : memref<8x160000xf32, #tpu.memory_space<hbm>> -> memref<8x1024xf32, #tpu.memory_space<hbm>>
          tpu.enqueue_dma source(%dma_start3A_56 : memref<8x1024xf32, #tpu.memory_space<hbm>>) target(%dma_start3A_54 : memref<8x1024xf32, #tpu.memory_space<vmem>>) target_semaphore(%run_scoped3A : memref<!tpu.dma_semaphore, #tpu.memory_space<semaphore_mem>>)
          %dma_wait3A = arith.constant 0 : i32
          %dma_wait3A_57 = arith.constant 0 : i32
          %dma_wait3A_58 = tpu.memref_slice %arg9[%dma_wait3A, %dma_wait3A_57] : memref<8x1024xf32, #tpu.memory_space<vmem>> -> memref<8x1024xf32, #tpu.memory_space<vmem>>
          %dma_wait3A_59 = arith.constant 0 : i32
          %dma_wait3A_60 = tpu.memref_slice %arg2[%dma_wait3A_59, %mul3A_42] : memref<8x160000xf32, #tpu.memory_space<hbm>> -> memref<8x1024xf32, #tpu.memory_space<hbm>>
          %dma_wait3A_61 = arith.constant 0 : i32
          %dma_wait3A_62 = arith.constant 0 : i32
          %dma_wait3A_63 = tpu.memref_slice %arg9[%dma_wait3A_61, %dma_wait3A_62] : memref<8x1024xf32, #tpu.memory_space<vmem>> -> memref<8x1024xf32, #tpu.memory_space<vmem>>
          %dma_wait3A_64 = arith.constant 0 : i32
          %dma_wait3A_65 = tpu.memref_slice %arg2[%dma_wait3A_64, %mul3A_42] : memref<8x160000xf32, #tpu.memory_space<hbm>> -> memref<8x1024xf32, #tpu.memory_space<hbm>>
          tpu.wait_dma2 semaphore(%run_scoped3A : memref<!tpu.dma_semaphore, #tpu.memory_space<semaphore_mem>>) src(%dma_wait3A_65 : memref<8x1024xf32, #tpu.memory_space<hbm>>) dst(%dma_wait3A_63 : memref<8x1024xf32, #tpu.memory_space<vmem>>)
          tpu.yield
        }) : () -> ()
        %scan3A_43 = arith.constant 0 : i32
        %scan3A_44 = arith.constant 64 : i32
        %scan3A_45 = arith.addi %scan3A_43, %scan3A_44 : i32
        %scan3A_46 = arith.constant 1 : i32
        scf.for %scan3A_48 = %scan3A_43 to %scan3A_45 step %scan3A_46  : i32 {
          %mul3A_49 = arith.constant 1 : i32
          %mul3A_50 = arith.muli %scan3A_48, %mul3A_49 : i32
          %add3A_51 = arith.constant 0 : i32
          %add3A_52 = arith.addi %add3A_51, %mul3A_50 : i32
          %mul3A_53 = arith.constant 16 : i32
          %mul3A_54 = arith.muli %add3A_52, %mul3A_53 : i32
          %get3A = arith.index_cast %mul3A_54 : i32 to index
          %get3A_55 = tpu.vector_load %arg8[%get3A] {strides = array<i32>} : memref<1024xi32, #tpu.memory_space<vmem>>, vector<16xi32>,
          %mul3A_56 = arith.constant 16 : i32
          %mul3A_57 = arith.muli %add3A_52, %mul3A_56 : i32
          %get3A_58 = arith.constant 0 : i32
          %get3A_59 = arith.index_cast %get3A_58 : i32 to index
          %get3A_60 = arith.index_cast %mul3A_57 : i32 to index
          %get3A_61 = tpu.vector_load %arg9[%get3A_59, %get3A_60] {strides = array<i32>} : memref<8x1024xf32, #tpu.memory_space<vmem>>, vector<16xf32>,
          tpu.vector_store_idx %arg6[%broadcast_in_dim3A_1, %get3A_55], %get3A_61 {add = true} : memref<8x10000xf32, #tpu.memory_space<vmem>>[vector<16xi32>, vector<16xi32>], vector<16xf32>,
          %mul3A_62 = arith.constant 16 : i32
          %mul3A_63 = arith.muli %add3A_52, %mul3A_62 : i32
          %get3A_64 = arith.constant 1 : i32
          %get3A_65 = arith.index_cast %get3A_64 : i32 to index
          %get3A_66 = arith.index_cast %mul3A_63 : i32 to index
          %get3A_67 = tpu.vector_load %arg9[%get3A_65, %get3A_66] {strides = array<i32>} : memref<8x1024xf32, #tpu.memory_space<vmem>>, vector<16xf32>,
          tpu.vector_store_idx %arg6[%broadcast_in_dim3A_3, %get3A_55], %get3A_67 {add = true} : memref<8x10000xf32, #tpu.memory_space<vmem>>[vector<16xi32>, vector<16xi32>], vector<16xf32>,
          %mul3A_68 = arith.constant 16 : i32
          %mul3A_69 = arith.muli %add3A_52, %mul3A_68 : i32
          %get3A_70 = arith.constant 2 : i32
          %get3A_71 = arith.index_cast %get3A_70 : i32 to index
          %get3A_72 = arith.index_cast %mul3A_69 : i32 to index
          %get3A_73 = tpu.vector_load %arg9[%get3A_71, %get3A_72] {strides = array<i32>} : memref<8x1024xf32, #tpu.memory_space<vmem>>, vector<16xf32>,
          tpu.vector_store_idx %arg6[%broadcast_in_dim3A_5, %get3A_55], %get3A_73 {add = true} : memref<8x10000xf32, #tpu.memory_space<vmem>>[vector<16xi32>, vector<16xi32>], vector<16xf32>,
          %mul3A_74 = arith.constant 16 : i32
          %mul3A_75 = arith.muli %add3A_52, %mul3A_74 : i32
          %get3A_76 = arith.constant 3 : i32
          %get3A_77 = arith.index_cast %get3A_76 : i32 to index
          %get3A_78 = arith.index_cast %mul3A_75 : i32 to index
          %get3A_79 = tpu.vector_load %arg9[%get3A_77, %get3A_78] {strides = array<i32>} : memref<8x1024xf32, #tpu.memory_space<vmem>>, vector<16xf32>,
          tpu.vector_store_idx %arg6[%broadcast_in_dim3A_7, %get3A_55], %get3A_79 {add = true} : memref<8x10000xf32, #tpu.memory_space<vmem>>[vector<16xi32>, vector<16xi32>], vector<16xf32>,
          %mul3A_80 = arith.constant 16 : i32
          %mul3A_81 = arith.muli %add3A_52, %mul3A_80 : i32
          %get3A_82 = arith.constant 4 : i32
          %get3A_83 = arith.index_cast %get3A_82 : i32 to index
          %get3A_84 = arith.index_cast %mul3A_81 : i32 to index
          %get3A_85 = tpu.vector_load %arg9[%get3A_83, %get3A_84] {strides = array<i32>} : memref<8x1024xf32, #tpu.memory_space<vmem>>, vector<16xf32>,
          tpu.vector_store_idx %arg6[%broadcast_in_dim3A_9, %get3A_55], %get3A_85 {add = true} : memref<8x10000xf32, #tpu.memory_space<vmem>>[vector<16xi32>, vector<16xi32>], vector<16xf32>,
          %mul3A_86 = arith.constant 16 : i32
          %mul3A_87 = arith.muli %add3A_52, %mul3A_86 : i32
          %get3A_88 = arith.constant 5 : i32
          %get3A_89 = arith.index_cast %get3A_88 : i32 to index
          %get3A_90 = arith.index_cast %mul3A_87 : i32 to index
          %get3A_91 = tpu.vector_load %arg9[%get3A_89, %get3A_90] {strides = array<i32>} : memref<8x1024xf32, #tpu.memory_space<vmem>>, vector<16xf32>,
          tpu.vector_store_idx %arg6[%broadcast_in_dim3A_11, %get3A_55], %get3A_91 {add = true} : memref<8x10000xf32, #tpu.memory_space<vmem>>[vector<16xi32>, vector<16xi32>], vector<16xf32>,
          %mul3A_92 = arith.constant 16 : i32
          %mul3A_93 = arith.muli %add3A_52, %mul3A_92 : i32
          %get3A_94 = arith.constant 6 : i32
          %get3A_95 = arith.index_cast %get3A_94 : i32 to index
          %get3A_96 = arith.index_cast %mul3A_93 : i32 to index
          %get3A_97 = tpu.vector_load %arg9[%get3A_95, %get3A_96] {strides = array<i32>} : memref<8x1024xf32, #tpu.memory_space<vmem>>, vector<16xf32>,
          tpu.vector_store_idx %arg6[%broadcast_in_dim3A_13, %get3A_55], %get3A_97 {add = true} : memref<8x10000xf32, #tpu.memory_space<vmem>>[vector<16xi32>, vector<16xi32>], vector<16xf32>,
          %mul3A_98 = arith.constant 16 : i32
          %mul3A_99 = arith.muli %add3A_52, %mul3A_98 : i32
          %get3A_100 = arith.constant 7 : i32
          %get3A_101 = arith.index_cast %get3A_100 : i32 to index
          %get3A_102 = arith.index_cast %mul3A_99 : i32 to index
          %get3A_103 = tpu.vector_load %arg9[%get3A_101, %get3A_102] {strides = array<i32>} : memref<8x1024xf32, #tpu.memory_space<vmem>>, vector<16xf32>,
          tpu.vector_store_idx %arg6[%broadcast_in_dim3A_15, %get3A_55], %get3A_103 {add = true} : memref<8x10000xf32, #tpu.memory_space<vmem>>[vector<16xi32>, vector<16xi32>], vector<16xf32>,
        }
        %scan3A_47 = arith.constant 64 : i32
      } else {
      }
    }
    %scan3A_21 = arith.constant 5 : i32
    %eq3A = arith.constant 28 : i32
    %eq3A_22 = arith.cmpi eq, %add3A, %eq3A : i32
    %convert_element_type3A = arith.extui %eq3A_22 : i1 to i32
    %cond3A = arith.constant 0 : i32
    %cond3A_23 = arith.cmpi ne, %convert_element_type3A, %cond3A : i32
    scf.if %cond3A_23 {
      "tpu.region"() ({
        %run_scoped3A = tpu.sem_alloc : memref<!tpu.dma_semaphore, #tpu.memory_space<semaphore_mem>>
        %dma_start3A = arith.constant 0 : i32
        %dma_start3A_34 = tpu.memref_slice %arg8[%dma_start3A] : memref<1024xi32, #tpu.memory_space<vmem>> -> memref<128xi32, #tpu.memory_space<vmem>>
        %dma_start3A_35 = arith.constant 159744 : i32
        %dma_start3A_36 = tpu.memref_slice %arg3[%dma_start3A_35] : memref<160000xi32, #tpu.memory_space<hbm>> -> memref<128xi32, #tpu.memory_space<hbm>>
        %dma_start3A_37 = arith.constant 0 : i32
        %dma_start3A_38 = tpu.memref_slice %arg8[%dma_start3A_37] : memref<1024xi32, #tpu.memory_space<vmem>> -> memref<128xi32, #tpu.memory_space<vmem>>
        %dma_start3A_39 = arith.constant 159744 : i32
        %dma_start3A_40 = tpu.memref_slice %arg3[%dma_start3A_39] : memref<160000xi32, #tpu.memory_space<hbm>> -> memref<128xi32, #tpu.memory_space<hbm>>
        tpu.enqueue_dma source(%dma_start3A_40 : memref<128xi32, #tpu.memory_space<hbm>>) target(%dma_start3A_38 : memref<128xi32, #tpu.memory_space<vmem>>) target_semaphore(%run_scoped3A : memref<!tpu.dma_semaphore, #tpu.memory_space<semaphore_mem>>)
        %dma_wait3A = arith.constant 0 : i32
        %dma_wait3A_41 = tpu.memref_slice %arg8[%dma_wait3A] : memref<1024xi32, #tpu.memory_space<vmem>> -> memref<128xi32, #tpu.memory_space<vmem>>
        %dma_wait3A_42 = arith.constant 159744 : i32
        %dma_wait3A_43 = tpu.memref_slice %arg3[%dma_wait3A_42] : memref<160000xi32, #tpu.memory_space<hbm>> -> memref<128xi32, #tpu.memory_space<hbm>>
        %dma_wait3A_44 = arith.constant 0 : i32
        %dma_wait3A_45 = tpu.memref_slice %arg8[%dma_wait3A_44] : memref<1024xi32, #tpu.memory_space<vmem>> -> memref<128xi32, #tpu.memory_space<vmem>>
        %dma_wait3A_46 = arith.constant 159744 : i32
        %dma_wait3A_47 = tpu.memref_slice %arg3[%dma_wait3A_46] : memref<160000xi32, #tpu.memory_space<hbm>> -> memref<128xi32, #tpu.memory_space<hbm>>
        tpu.wait_dma2 semaphore(%run_scoped3A : memref<!tpu.dma_semaphore, #tpu.memory_space<semaphore_mem>>) src(%dma_wait3A_47 : memref<128xi32, #tpu.memory_space<hbm>>) dst(%dma_wait3A_45 : memref<128xi32, #tpu.memory_space<vmem>>)
        tpu.yield
      }) : () -> ()
      "tpu.region"() ({
        %run_scoped3A = tpu.sem_alloc : memref<!tpu.dma_semaphore, #tpu.memory_space<semaphore_mem>>
        %dma_start3A = arith.constant 0 : i32
        %dma_start3A_34 = arith.constant 0 : i32
        %dma_start3A_35 = tpu.memref_slice %arg9[%dma_start3A, %dma_start3A_34] : memref<8x1024xf32, #tpu.memory_space<vmem>> -> memref<8x128xf32, #tpu.memory_space<vmem>>
        %dma_start3A_36 = arith.constant 0 : i32
        %dma_start3A_37 = arith.constant 159744 : i32
        %dma_start3A_38 = tpu.memref_slice %arg2[%dma_start3A_36, %dma_start3A_37] : memref<8x160000xf32, #tpu.memory_space<hbm>> -> memref<8x128xf32, #tpu.memory_space<hbm>>
        %dma_start3A_39 = arith.constant 0 : i32
        %dma_start3A_40 = arith.constant 0 : i32
        %dma_start3A_41 = tpu.memref_slice %arg9[%dma_start3A_39, %dma_start3A_40] : memref<8x1024xf32, #tpu.memory_space<vmem>> -> memref<8x128xf32, #tpu.memory_space<vmem>>
        %dma_start3A_42 = arith.constant 0 : i32
        %dma_start3A_43 = arith.constant 159744 : i32
        %dma_start3A_44 = tpu.memref_slice %arg2[%dma_start3A_42, %dma_start3A_43] : memref<8x160000xf32, #tpu.memory_space<hbm>> -> memref<8x128xf32, #tpu.memory_space<hbm>>
        tpu.enqueue_dma source(%dma_start3A_44 : memref<8x128xf32, #tpu.memory_space<hbm>>) target(%dma_start3A_41 : memref<8x128xf32, #tpu.memory_space<vmem>>) target_semaphore(%run_scoped3A : memref<!tpu.dma_semaphore, #tpu.memory_space<semaphore_mem>>)
        %dma_wait3A = arith.constant 0 : i32
        %dma_wait3A_45 = arith.constant 0 : i32
        %dma_wait3A_46 = tpu.memref_slice %arg9[%dma_wait3A, %dma_wait3A_45] : memref<8x1024xf32, #tpu.memory_space<vmem>> -> memref<8x128xf32, #tpu.memory_space<vmem>>
        %dma_wait3A_47 = arith.constant 0 : i32
        %dma_wait3A_48 = arith.constant 159744 : i32
        %dma_wait3A_49 = tpu.memref_slice %arg2[%dma_wait3A_47, %dma_wait3A_48] : memref<8x160000xf32, #tpu.memory_space<hbm>> -> memref<8x128xf32, #tpu.memory_space<hbm>>
        %dma_wait3A_50 = arith.constant 0 : i32
        %dma_wait3A_51 = arith.constant 0 : i32
        %dma_wait3A_52 = tpu.memref_slice %arg9[%dma_wait3A_50, %dma_wait3A_51] : memref<8x1024xf32, #tpu.memory_space<vmem>> -> memref<8x128xf32, #tpu.memory_space<vmem>>
        %dma_wait3A_53 = arith.constant 0 : i32
        %dma_wait3A_54 = arith.constant 159744 : i32
        %dma_wait3A_55 = tpu.memref_slice %arg2[%dma_wait3A_53, %dma_wait3A_54] : memref<8x160000xf32, #tpu.memory_space<hbm>> -> memref<8x128xf32, #tpu.memory_space<hbm>>
        tpu.wait_dma2 semaphore(%run_scoped3A : memref<!tpu.dma_semaphore, #tpu.memory_space<semaphore_mem>>) src(%dma_wait3A_55 : memref<8x128xf32, #tpu.memory_space<hbm>>) dst(%dma_wait3A_52 : memref<8x128xf32, #tpu.memory_space<vmem>>)
        tpu.yield
      }) : () -> ()
      %scan3A_29 = arith.constant 0 : i32
      %scan3A_30 = arith.constant 8 : i32
      %scan3A_31 = arith.addi %scan3A_29, %scan3A_30 : i32
      %scan3A_32 = arith.constant 1 : i32
      scf.for %scan3A_34 = %scan3A_29 to %scan3A_31 step %scan3A_32  : i32 {
        %mul3A_35 = arith.constant 1 : i32
        %mul3A_36 = arith.muli %scan3A_34, %mul3A_35 : i32
        %add3A_37 = arith.constant 0 : i32
        %add3A_38 = arith.addi %add3A_37, %mul3A_36 : i32
        %mul3A_39 = arith.constant 16 : i32
        %mul3A_40 = arith.muli %add3A_38, %mul3A_39 : i32
        %get3A = arith.index_cast %mul3A_40 : i32 to index
        %get3A_41 = tpu.vector_load %arg8[%get3A] {strides = array<i32>} : memref<1024xi32, #tpu.memory_space<vmem>>, vector<16xi32>,
        %mul3A_42 = arith.constant 16 : i32
        %mul3A_43 = arith.muli %add3A_38, %mul3A_42 : i32
        %get3A_44 = arith.constant 0 : i32
        %get3A_45 = arith.index_cast %get3A_44 : i32 to index
        %get3A_46 = arith.index_cast %mul3A_43 : i32 to index
        %get3A_47 = tpu.vector_load %arg9[%get3A_45, %get3A_46] {strides = array<i32>} : memref<8x1024xf32, #tpu.memory_space<vmem>>, vector<16xf32>,
        tpu.vector_store_idx %arg6[%broadcast_in_dim3A_1, %get3A_41], %get3A_47 {add = true} : memref<8x10000xf32, #tpu.memory_space<vmem>>[vector<16xi32>, vector<16xi32>], vector<16xf32>,
        %mul3A_48 = arith.constant 16 : i32
        %mul3A_49 = arith.muli %add3A_38, %mul3A_48 : i32
        %get3A_50 = arith.constant 1 : i32
        %get3A_51 = arith.index_cast %get3A_50 : i32 to index
        %get3A_52 = arith.index_cast %mul3A_49 : i32 to index
        %get3A_53 = tpu.vector_load %arg9[%get3A_51, %get3A_52] {strides = array<i32>} : memref<8x1024xf32, #tpu.memory_space<vmem>>, vector<16xf32>,
        tpu.vector_store_idx %arg6[%broadcast_in_dim3A_3, %get3A_41], %get3A_53 {add = true} : memref<8x10000xf32, #tpu.memory_space<vmem>>[vector<16xi32>, vector<16xi32>], vector<16xf32>,
        %mul3A_54 = arith.constant 16 : i32
        %mul3A_55 = arith.muli %add3A_38, %mul3A_54 : i32
        %get3A_56 = arith.constant 2 : i32
        %get3A_57 = arith.index_cast %get3A_56 : i32 to index
        %get3A_58 = arith.index_cast %mul3A_55 : i32 to index
        %get3A_59 = tpu.vector_load %arg9[%get3A_57, %get3A_58] {strides = array<i32>} : memref<8x1024xf32, #tpu.memory_space<vmem>>, vector<16xf32>,
        tpu.vector_store_idx %arg6[%broadcast_in_dim3A_5, %get3A_41], %get3A_59 {add = true} : memref<8x10000xf32, #tpu.memory_space<vmem>>[vector<16xi32>, vector<16xi32>], vector<16xf32>,
        %mul3A_60 = arith.constant 16 : i32
        %mul3A_61 = arith.muli %add3A_38, %mul3A_60 : i32
        %get3A_62 = arith.constant 3 : i32
        %get3A_63 = arith.index_cast %get3A_62 : i32 to index
        %get3A_64 = arith.index_cast %mul3A_61 : i32 to index
        %get3A_65 = tpu.vector_load %arg9[%get3A_63, %get3A_64] {strides = array<i32>} : memref<8x1024xf32, #tpu.memory_space<vmem>>, vector<16xf32>,
        tpu.vector_store_idx %arg6[%broadcast_in_dim3A_7, %get3A_41], %get3A_65 {add = true} : memref<8x10000xf32, #tpu.memory_space<vmem>>[vector<16xi32>, vector<16xi32>], vector<16xf32>,
        %mul3A_66 = arith.constant 16 : i32
        %mul3A_67 = arith.muli %add3A_38, %mul3A_66 : i32
        %get3A_68 = arith.constant 4 : i32
        %get3A_69 = arith.index_cast %get3A_68 : i32 to index
        %get3A_70 = arith.index_cast %mul3A_67 : i32 to index
        %get3A_71 = tpu.vector_load %arg9[%get3A_69, %get3A_70] {strides = array<i32>} : memref<8x1024xf32, #tpu.memory_space<vmem>>, vector<16xf32>,
        tpu.vector_store_idx %arg6[%broadcast_in_dim3A_9, %get3A_41], %get3A_71 {add = true} : memref<8x10000xf32, #tpu.memory_space<vmem>>[vector<16xi32>, vector<16xi32>], vector<16xf32>,
        %mul3A_72 = arith.constant 16 : i32
        %mul3A_73 = arith.muli %add3A_38, %mul3A_72 : i32
        %get3A_74 = arith.constant 5 : i32
        %get3A_75 = arith.index_cast %get3A_74 : i32 to index
        %get3A_76 = arith.index_cast %mul3A_73 : i32 to index
        %get3A_77 = tpu.vector_load %arg9[%get3A_75, %get3A_76] {strides = array<i32>} : memref<8x1024xf32, #tpu.memory_space<vmem>>, vector<16xf32>,
        tpu.vector_store_idx %arg6[%broadcast_in_dim3A_11, %get3A_41], %get3A_77 {add = true} : memref<8x10000xf32, #tpu.memory_space<vmem>>[vector<16xi32>, vector<16xi32>], vector<16xf32>,
        %mul3A_78 = arith.constant 16 : i32
        %mul3A_79 = arith.muli %add3A_38, %mul3A_78 : i32
        %get3A_80 = arith.constant 6 : i32
        %get3A_81 = arith.index_cast %get3A_80 : i32 to index
        %get3A_82 = arith.index_cast %mul3A_79 : i32 to index
        %get3A_83 = tpu.vector_load %arg9[%get3A_81, %get3A_82] {strides = array<i32>} : memref<8x1024xf32, #tpu.memory_space<vmem>>, vector<16xf32>,
        tpu.vector_store_idx %arg6[%broadcast_in_dim3A_13, %get3A_41], %get3A_83 {add = true} : memref<8x10000xf32, #tpu.memory_space<vmem>>[vector<16xi32>, vector<16xi32>], vector<16xf32>,
        %mul3A_84 = arith.constant 16 : i32
        %mul3A_85 = arith.muli %add3A_38, %mul3A_84 : i32
        %get3A_86 = arith.constant 7 : i32
        %get3A_87 = arith.index_cast %get3A_86 : i32 to index
        %get3A_88 = arith.index_cast %mul3A_85 : i32 to index
        %get3A_89 = tpu.vector_load %arg9[%get3A_87, %get3A_88] {strides = array<i32>} : memref<8x1024xf32, #tpu.memory_space<vmem>>, vector<16xf32>,
        tpu.vector_store_idx %arg6[%broadcast_in_dim3A_15, %get3A_41], %get3A_89 {add = true} : memref<8x10000xf32, #tpu.memory_space<vmem>>[vector<16xi32>, vector<16xi32>], vector<16xf32>,
      }
      %scan3A_33 = arith.constant 8 : i32
    } else {
    }
    %eq3A_24 = arith.constant 29 : i32
    %eq3A_25 = arith.cmpi eq, %add3A, %eq3A_24 : i32
    %convert_element_type3A_26 = arith.extui %eq3A_25 : i1 to i32
    %cond3A_27 = arith.constant 0 : i32
    %cond3A_28 = arith.cmpi ne, %convert_element_type3A_26, %cond3A_27 : i32
    scf.if %cond3A_28 {
      "tpu.region"() ({
        %run_scoped3A = tpu.sem_alloc : memref<!tpu.dma_semaphore, #tpu.memory_space<semaphore_mem>>
        %dma_start3A = arith.constant 0 : i32
        %dma_start3A_34 = tpu.memref_slice %arg8[%dma_start3A] : memref<1024xi32, #tpu.memory_space<vmem>> -> memref<128xi32, #tpu.memory_space<vmem>>
        %dma_start3A_35 = arith.constant 159872 : i32
        %dma_start3A_36 = tpu.memref_slice %arg3[%dma_start3A_35] : memref<160000xi32, #tpu.memory_space<hbm>> -> memref<128xi32, #tpu.memory_space<hbm>>
        %dma_start3A_37 = arith.constant 0 : i32
        %dma_start3A_38 = tpu.memref_slice %arg8[%dma_start3A_37] : memref<1024xi32, #tpu.memory_space<vmem>> -> memref<128xi32, #tpu.memory_space<vmem>>
        %dma_start3A_39 = arith.constant 159872 : i32
        %dma_start3A_40 = tpu.memref_slice %arg3[%dma_start3A_39] : memref<160000xi32, #tpu.memory_space<hbm>> -> memref<128xi32, #tpu.memory_space<hbm>>
        tpu.enqueue_dma source(%dma_start3A_40 : memref<128xi32, #tpu.memory_space<hbm>>) target(%dma_start3A_38 : memref<128xi32, #tpu.memory_space<vmem>>) target_semaphore(%run_scoped3A : memref<!tpu.dma_semaphore, #tpu.memory_space<semaphore_mem>>)
        %dma_wait3A = arith.constant 0 : i32
        %dma_wait3A_41 = tpu.memref_slice %arg8[%dma_wait3A] : memref<1024xi32, #tpu.memory_space<vmem>> -> memref<128xi32, #tpu.memory_space<vmem>>
        %dma_wait3A_42 = arith.constant 159872 : i32
        %dma_wait3A_43 = tpu.memref_slice %arg3[%dma_wait3A_42] : memref<160000xi32, #tpu.memory_space<hbm>> -> memref<128xi32, #tpu.memory_space<hbm>>
        %dma_wait3A_44 = arith.constant 0 : i32
        %dma_wait3A_45 = tpu.memref_slice %arg8[%dma_wait3A_44] : memref<1024xi32, #tpu.memory_space<vmem>> -> memref<128xi32, #tpu.memory_space<vmem>>
        %dma_wait3A_46 = arith.constant 159872 : i32
        %dma_wait3A_47 = tpu.memref_slice %arg3[%dma_wait3A_46] : memref<160000xi32, #tpu.memory_space<hbm>> -> memref<128xi32, #tpu.memory_space<hbm>>
        tpu.wait_dma2 semaphore(%run_scoped3A : memref<!tpu.dma_semaphore, #tpu.memory_space<semaphore_mem>>) src(%dma_wait3A_47 : memref<128xi32, #tpu.memory_space<hbm>>) dst(%dma_wait3A_45 : memref<128xi32, #tpu.memory_space<vmem>>)
        tpu.yield
      }) : () -> ()
      "tpu.region"() ({
        %run_scoped3A = tpu.sem_alloc : memref<!tpu.dma_semaphore, #tpu.memory_space<semaphore_mem>>
        %dma_start3A = arith.constant 0 : i32
        %dma_start3A_34 = arith.constant 0 : i32
        %dma_start3A_35 = tpu.memref_slice %arg9[%dma_start3A, %dma_start3A_34] : memref<8x1024xf32, #tpu.memory_space<vmem>> -> memref<8x128xf32, #tpu.memory_space<vmem>>
        %dma_start3A_36 = arith.constant 0 : i32
        %dma_start3A_37 = arith.constant 159872 : i32
        %dma_start3A_38 = tpu.memref_slice %arg2[%dma_start3A_36, %dma_start3A_37] : memref<8x160000xf32, #tpu.memory_space<hbm>> -> memref<8x128xf32, #tpu.memory_space<hbm>>
        %dma_start3A_39 = arith.constant 0 : i32
        %dma_start3A_40 = arith.constant 0 : i32
        %dma_start3A_41 = tpu.memref_slice %arg9[%dma_start3A_39, %dma_start3A_40] : memref<8x1024xf32, #tpu.memory_space<vmem>> -> memref<8x128xf32, #tpu.memory_space<vmem>>
        %dma_start3A_42 = arith.constant 0 : i32
        %dma_start3A_43 = arith.constant 159872 : i32
        %dma_start3A_44 = tpu.memref_slice %arg2[%dma_start3A_42, %dma_start3A_43] : memref<8x160000xf32, #tpu.memory_space<hbm>> -> memref<8x128xf32, #tpu.memory_space<hbm>>
        tpu.enqueue_dma source(%dma_start3A_44 : memref<8x128xf32, #tpu.memory_space<hbm>>) target(%dma_start3A_41 : memref<8x128xf32, #tpu.memory_space<vmem>>) target_semaphore(%run_scoped3A : memref<!tpu.dma_semaphore, #tpu.memory_space<semaphore_mem>>)
        %dma_wait3A = arith.constant 0 : i32
        %dma_wait3A_45 = arith.constant 0 : i32
        %dma_wait3A_46 = tpu.memref_slice %arg9[%dma_wait3A, %dma_wait3A_45] : memref<8x1024xf32, #tpu.memory_space<vmem>> -> memref<8x128xf32, #tpu.memory_space<vmem>>
        %dma_wait3A_47 = arith.constant 0 : i32
        %dma_wait3A_48 = arith.constant 159872 : i32
        %dma_wait3A_49 = tpu.memref_slice %arg2[%dma_wait3A_47, %dma_wait3A_48] : memref<8x160000xf32, #tpu.memory_space<hbm>> -> memref<8x128xf32, #tpu.memory_space<hbm>>
        %dma_wait3A_50 = arith.constant 0 : i32
        %dma_wait3A_51 = arith.constant 0 : i32
        %dma_wait3A_52 = tpu.memref_slice %arg9[%dma_wait3A_50, %dma_wait3A_51] : memref<8x1024xf32, #tpu.memory_space<vmem>> -> memref<8x128xf32, #tpu.memory_space<vmem>>
        %dma_wait3A_53 = arith.constant 0 : i32
        %dma_wait3A_54 = arith.constant 159872 : i32
        %dma_wait3A_55 = tpu.memref_slice %arg2[%dma_wait3A_53, %dma_wait3A_54] : memref<8x160000xf32, #tpu.memory_space<hbm>> -> memref<8x128xf32, #tpu.memory_space<hbm>>
        tpu.wait_dma2 semaphore(%run_scoped3A : memref<!tpu.dma_semaphore, #tpu.memory_space<semaphore_mem>>) src(%dma_wait3A_55 : memref<8x128xf32, #tpu.memory_space<hbm>>) dst(%dma_wait3A_52 : memref<8x128xf32, #tpu.memory_space<vmem>>)
        tpu.yield
      }) : () -> ()
      %scan3A_29 = arith.constant 0 : i32
      %scan3A_30 = arith.constant 8 : i32
      %scan3A_31 = arith.addi %scan3A_29, %scan3A_30 : i32
      %scan3A_32 = arith.constant 1 : i32
      scf.for %scan3A_34 = %scan3A_29 to %scan3A_31 step %scan3A_32  : i32 {
        %mul3A_35 = arith.constant 1 : i32
        %mul3A_36 = arith.muli %scan3A_34, %mul3A_35 : i32
        %add3A_37 = arith.constant 0 : i32
        %add3A_38 = arith.addi %add3A_37, %mul3A_36 : i32
        %mul3A_39 = arith.constant 16 : i32
        %mul3A_40 = arith.muli %add3A_38, %mul3A_39 : i32
        %get3A = arith.index_cast %mul3A_40 : i32 to index
        %get3A_41 = tpu.vector_load %arg8[%get3A] {strides = array<i32>} : memref<1024xi32, #tpu.memory_space<vmem>>, vector<16xi32>,
        %mul3A_42 = arith.constant 16 : i32
        %mul3A_43 = arith.muli %add3A_38, %mul3A_42 : i32
        %get3A_44 = arith.constant 0 : i32
        %get3A_45 = arith.index_cast %get3A_44 : i32 to index
        %get3A_46 = arith.index_cast %mul3A_43 : i32 to index
        %get3A_47 = tpu.vector_load %arg9[%get3A_45, %get3A_46] {strides = array<i32>} : memref<8x1024xf32, #tpu.memory_space<vmem>>, vector<16xf32>,
        tpu.vector_store_idx %arg6[%broadcast_in_dim3A_1, %get3A_41], %get3A_47 {add = true} : memref<8x10000xf32, #tpu.memory_space<vmem>>[vector<16xi32>, vector<16xi32>], vector<16xf32>,
        %mul3A_48 = arith.constant 16 : i32
        %mul3A_49 = arith.muli %add3A_38, %mul3A_48 : i32
        %get3A_50 = arith.constant 1 : i32
        %get3A_51 = arith.index_cast %get3A_50 : i32 to index
        %get3A_52 = arith.index_cast %mul3A_49 : i32 to index
        %get3A_53 = tpu.vector_load %arg9[%get3A_51, %get3A_52] {strides = array<i32>} : memref<8x1024xf32, #tpu.memory_space<vmem>>, vector<16xf32>,
        tpu.vector_store_idx %arg6[%broadcast_in_dim3A_3, %get3A_41], %get3A_53 {add = true} : memref<8x10000xf32, #tpu.memory_space<vmem>>[vector<16xi32>, vector<16xi32>], vector<16xf32>,
        %mul3A_54 = arith.constant 16 : i32
        %mul3A_55 = arith.muli %add3A_38, %mul3A_54 : i32
        %get3A_56 = arith.constant 2 : i32
        %get3A_57 = arith.index_cast %get3A_56 : i32 to index
        %get3A_58 = arith.index_cast %mul3A_55 : i32 to index
        %get3A_59 = tpu.vector_load %arg9[%get3A_57, %get3A_58] {strides = array<i32>} : memref<8x1024xf32, #tpu.memory_space<vmem>>, vector<16xf32>,
        tpu.vector_store_idx %arg6[%broadcast_in_dim3A_5, %get3A_41], %get3A_59 {add = true} : memref<8x10000xf32, #tpu.memory_space<vmem>>[vector<16xi32>, vector<16xi32>], vector<16xf32>,
        %mul3A_60 = arith.constant 16 : i32
        %mul3A_61 = arith.muli %add3A_38, %mul3A_60 : i32
        %get3A_62 = arith.constant 3 : i32
        %get3A_63 = arith.index_cast %get3A_62 : i32 to index
        %get3A_64 = arith.index_cast %mul3A_61 : i32 to index
        %get3A_65 = tpu.vector_load %arg9[%get3A_63, %get3A_64] {strides = array<i32>} : memref<8x1024xf32, #tpu.memory_space<vmem>>, vector<16xf32>,
        tpu.vector_store_idx %arg6[%broadcast_in_dim3A_7, %get3A_41], %get3A_65 {add = true} : memref<8x10000xf32, #tpu.memory_space<vmem>>[vector<16xi32>, vector<16xi32>], vector<16xf32>,
        %mul3A_66 = arith.constant 16 : i32
        %mul3A_67 = arith.muli %add3A_38, %mul3A_66 : i32
        %get3A_68 = arith.constant 4 : i32
        %get3A_69 = arith.index_cast %get3A_68 : i32 to index
        %get3A_70 = arith.index_cast %mul3A_67 : i32 to index
        %get3A_71 = tpu.vector_load %arg9[%get3A_69, %get3A_70] {strides = array<i32>} : memref<8x1024xf32, #tpu.memory_space<vmem>>, vector<16xf32>,
        tpu.vector_store_idx %arg6[%broadcast_in_dim3A_9, %get3A_41], %get3A_71 {add = true} : memref<8x10000xf32, #tpu.memory_space<vmem>>[vector<16xi32>, vector<16xi32>], vector<16xf32>,
        %mul3A_72 = arith.constant 16 : i32
        %mul3A_73 = arith.muli %add3A_38, %mul3A_72 : i32
        %get3A_74 = arith.constant 5 : i32
        %get3A_75 = arith.index_cast %get3A_74 : i32 to index
        %get3A_76 = arith.index_cast %mul3A_73 : i32 to index
        %get3A_77 = tpu.vector_load %arg9[%get3A_75, %get3A_76] {strides = array<i32>} : memref<8x1024xf32, #tpu.memory_space<vmem>>, vector<16xf32>,
        tpu.vector_store_idx %arg6[%broadcast_in_dim3A_11, %get3A_41], %get3A_77 {add = true} : memref<8x10000xf32, #tpu.memory_space<vmem>>[vector<16xi32>, vector<16xi32>], vector<16xf32>,
        %mul3A_78 = arith.constant 16 : i32
        %mul3A_79 = arith.muli %add3A_38, %mul3A_78 : i32
        %get3A_80 = arith.constant 6 : i32
        %get3A_81 = arith.index_cast %get3A_80 : i32 to index
        %get3A_82 = arith.index_cast %mul3A_79 : i32 to index
        %get3A_83 = tpu.vector_load %arg9[%get3A_81, %get3A_82] {strides = array<i32>} : memref<8x1024xf32, #tpu.memory_space<vmem>>, vector<16xf32>,
        tpu.vector_store_idx %arg6[%broadcast_in_dim3A_13, %get3A_41], %get3A_83 {add = true} : memref<8x10000xf32, #tpu.memory_space<vmem>>[vector<16xi32>, vector<16xi32>], vector<16xf32>,
        %mul3A_84 = arith.constant 16 : i32
        %mul3A_85 = arith.muli %add3A_38, %mul3A_84 : i32
        %get3A_86 = arith.constant 7 : i32
        %get3A_87 = arith.index_cast %get3A_86 : i32 to index
        %get3A_88 = arith.index_cast %mul3A_85 : i32 to index
        %get3A_89 = tpu.vector_load %arg9[%get3A_87, %get3A_88] {strides = array<i32>} : memref<8x1024xf32, #tpu.memory_space<vmem>>, vector<16xf32>,
        tpu.vector_store_idx %arg6[%broadcast_in_dim3A_15, %get3A_41], %get3A_89 {add = true} : memref<8x10000xf32, #tpu.memory_space<vmem>>[vector<16xi32>, vector<16xi32>], vector<16xf32>,
      }
      %scan3A_33 = arith.constant 8 : i32
    } else {
    }
    "tpu.region"() ({
      %run_scoped3A = tpu.sem_alloc : memref<!tpu.dma_semaphore, #tpu.memory_space<semaphore_mem>>
      %dma_start3A = arith.constant 0 : i32
      %dma_start3A_29 = arith.constant 0 : i32
      %dma_start3A_30 = tpu.memref_slice %arg5[%add3A, %dma_start3A, %dma_start3A_29] : memref<32x8x10000xf32, #tpu.memory_space<hbm>> -> memref<1x8x10000xf32, #tpu.memory_space<hbm>>
      %dma_start3A_31 = tpu.memref_squeeze %dma_start3A_30 : memref<1x8x10000xf32, #tpu.memory_space<hbm>> -> memref<8x10000xf32, #tpu.memory_space<hbm>>
      %dma_start3A_32 = arith.constant 0 : i32
      %dma_start3A_33 = arith.constant 0 : i32
      %dma_start3A_34 = tpu.memref_slice %arg5[%add3A, %dma_start3A_32, %dma_start3A_33] : memref<32x8x10000xf32, #tpu.memory_space<hbm>> -> memref<1x8x10000xf32, #tpu.memory_space<hbm>>
      %dma_start3A_35 = tpu.memref_squeeze %dma_start3A_34 : memref<1x8x10000xf32, #tpu.memory_space<hbm>> -> memref<8x10000xf32, #tpu.memory_space<hbm>>
      tpu.enqueue_dma source(%arg6 : memref<8x10000xf32, #tpu.memory_space<vmem>>) target(%dma_start3A_35 : memref<8x10000xf32, #tpu.memory_space<hbm>>) target_semaphore(%run_scoped3A : memref<!tpu.dma_semaphore, #tpu.memory_space<semaphore_mem>>)
      %dma_wait3A = arith.constant 0 : i32
      %dma_wait3A_36 = arith.constant 0 : i32
      %dma_wait3A_37 = tpu.memref_slice %arg5[%add3A, %dma_wait3A, %dma_wait3A_36] : memref<32x8x10000xf32, #tpu.memory_space<hbm>> -> memref<1x8x10000xf32, #tpu.memory_space<hbm>>
      %dma_wait3A_38 = tpu.memref_squeeze %dma_wait3A_37 : memref<1x8x10000xf32, #tpu.memory_space<hbm>> -> memref<8x10000xf32, #tpu.memory_space<hbm>>
      %dma_wait3A_39 = arith.constant 0 : i32
      %dma_wait3A_40 = arith.constant 0 : i32
      %dma_wait3A_41 = tpu.memref_slice %arg5[%add3A, %dma_wait3A_39, %dma_wait3A_40] : memref<32x8x10000xf32, #tpu.memory_space<hbm>> -> memref<1x8x10000xf32, #tpu.memory_space<hbm>>
      %dma_wait3A_42 = tpu.memref_squeeze %dma_wait3A_41 : memref<1x8x10000xf32, #tpu.memory_space<hbm>> -> memref<8x10000xf32, #tpu.memory_space<hbm>>
      tpu.wait_dma2 semaphore(%run_scoped3A : memref<!tpu.dma_semaphore, #tpu.memory_space<semaphore_mem>>) src(%arg6 : memref<8x10000xf32, #tpu.memory_space<vmem>>) dst(%dma_wait3A_42 : memref<8x10000xf32, #tpu.memory_space<hbm>>)
      tpu.yield
    }) : () -> ()
    return
  }
}

module attributes {stable_mosaic.version = 14 : i64} {
  func.func @_node1_body(%arg0: memref<32x8x10000xf32, #tpu.memory_space<vmem>>, %arg1: memref<32x10000xf32, #tpu.memory_space<vmem>>, %arg2: memref<128x10000xf32, #tpu.memory_space<vmem>>, %arg3: memref<8x128xf32, #tpu.memory_space<vmem>>, %arg4: memref<8x1xf32, #tpu.memory_space<vmem>>, %arg5: memref<8x10000xf32, #tpu.memory_space<vmem>>) attributes {dimension_semantics = [], scalar_prefetch = 0 : i64, scratch_operands = 0 : i64, tpu.core_type = #tpu.core_type<tc>} {
    %get3A = arith.constant 0 : index
    %get3A_0 = arith.constant 0 : index
    %get3A_1 = arith.constant 0 : index
    %get3A_2 = vector.load %arg0[%get3A, %get3A_0, %get3A_1] : memref<32x8x10000xf32, #tpu.memory_space<vmem>>, vector<32x8x10000xf32>
    %reduce_sum3A = arith.constant dense<0.000000e+00> : vector<8x10000xf32>
    %reduce_sum3A_3 = vector.multi_reduction <add>, %get3A_2, %reduce_sum3A [0] : vector<32x8x10000xf32> to vector<8x10000xf32>
    %get3A_4 = arith.constant 0 : index
    %get3A_5 = arith.constant 0 : index
    %get3A_6 = vector.load %arg1[%get3A_4, %get3A_5] : memref<32x10000xf32, #tpu.memory_space<vmem>>, vector<32x10000xf32>
    %reduce_sum3A_7 = arith.constant dense<0.000000e+00> : vector<10000xf32>
    %reduce_sum3A_8 = vector.multi_reduction <add>, %get3A_6, %reduce_sum3A_7 [0] : vector<32x10000xf32> to vector<10000xf32>
    %max3A = arith.constant 1.000000e+00 : f32
    %max3A_9 = vector.broadcast %max3A : f32 to vector<10000xf32>
    %max3A_10 = arith.maximumf %reduce_sum3A_8, %max3A_9 : vector<10000xf32>
    %broadcast_in_dim3A = vector.shape_cast %max3A_10 : vector<10000xf32> to vector<1x10000xf32>
    %div3A = vector.broadcast %broadcast_in_dim3A : vector<1x10000xf32> to vector<8x10000xf32>
    %div3A_11 = arith.divf %reduce_sum3A_3, %div3A : vector<8x10000xf32>
    %get3A_12 = arith.constant 0 : index
    %get3A_13 = arith.constant 0 : index
    %get3A_14 = vector.load %arg3[%get3A_12, %get3A_13] : memref<8x128xf32, #tpu.memory_space<vmem>>, vector<8x128xf32>
    %get3A_15 = arith.constant 0 : index
    %get3A_16 = arith.constant 0 : index
    %get3A_17 = vector.load %arg2[%get3A_15, %get3A_16] : memref<128x10000xf32, #tpu.memory_space<vmem>>, vector<128x10000xf32>
    %dot_general3A = arith.constant dense<0.000000e+00> : vector<8x10000xf32>
    %dot_general3A_18 = tpu.matmul %get3A_14, %get3A_17, %dot_general3A {dimension_numbers = #tpu.dot_dimension_numbers<[1], [0], [0], [1], [0, 0, 1, 1], [], []>, transpose_lhs_hint = false} : vector<8x128xf32>, vector<128x10000xf32>, vector<8x10000xf32> -> vector<8x10000xf32>
    %add3A = arith.addf %div3A_11, %dot_general3A_18 : vector<8x10000xf32>
    %get3A_19 = arith.constant 0 : index
    %get3A_20 = arith.constant 0 : index
    %get3A_21 = vector.load %arg4[%get3A_19, %get3A_20] : memref<8x1xf32, #tpu.memory_space<vmem>>, vector<8x1xf32>
    %add3A_22 = vector.broadcast %get3A_21 : vector<8x1xf32> to vector<8x10000xf32>
    %add3A_23 = arith.addf %add3A, %add3A_22 : vector<8x10000xf32>
    %max3A_24 = arith.constant 0.000000e+00 : f32
    %max3A_25 = vector.broadcast %max3A_24 : f32 to vector<8x10000xf32>
    %max3A_26 = arith.maximumf %add3A_23, %max3A_25 : vector<8x10000xf32>
    %swap3A = arith.constant 0 : index
    %swap3A_27 = arith.constant 0 : index
    %swap3A_28 = vector.load %arg5[%swap3A, %swap3A_27] : memref<8x10000xf32, #tpu.memory_space<vmem>>, vector<8x10000xf32>
    tpu.vector_store %arg5[%swap3A, %swap3A_27], %max3A_26 {strides = array<i32>} : memref<8x10000xf32, #tpu.memory_space<vmem>>, vector<8x10000xf32>,
    return
  }
}

module attributes {stable_mosaic.version = 14 : i64} {
  func.func @_msg1_body(%arg0: i32, %arg1: memref<3200x4xf32, #tpu.memory_space<vmem>>, %arg2: memref<3200x128xf32, #tpu.memory_space<vmem>>, %arg3: memref<4x64xf32, #tpu.memory_space<vmem>>, %arg4: memref<1x64xf32, #tpu.memory_space<vmem>>, %arg5: memref<128x512xbf16, #tpu.memory_space<vmem>>, %arg6: memref<8x512xbf16, #tpu.memory_space<vmem>>, %arg7: memref<8x128xf32, #tpu.memory_space<vmem>>, %arg8: memref<8x3200xf32, #tpu.memory_space<vmem>>) attributes {dimension_semantics = [#tpu.dimension_semantics<arbitrary>], iteration_bounds = array<i64: 50>, scalar_prefetch = 0 : i64, scratch_operands = 0 : i64, tpu.core_type = #tpu.core_type<tc>, window_params = [{transform_indices = @transform_0, window_bounds = array<i64: 3200, 4>}, {transform_indices = @transform_1, window_bounds = array<i64: 3200, 128>}, {pipeline_mode = #tpu.pipeline_mode<synchronous>, transform_indices = @transform_2, window_bounds = array<i64: 4, 64>}, {pipeline_mode = #tpu.pipeline_mode<synchronous>, transform_indices = @transform_3, window_bounds = array<i64: 1, 64>}, {pipeline_mode = #tpu.pipeline_mode<synchronous>, transform_indices = @transform_4, window_bounds = array<i64: 128, 512>}, {pipeline_mode = #tpu.pipeline_mode<synchronous>, transform_indices = @transform_5, window_bounds = array<i64: 8, 512>}, {pipeline_mode = #tpu.pipeline_mode<synchronous>, transform_indices = @transform_6, window_bounds = array<i64: 8, 128>}, {transform_indices = @transform_7, window_bounds = array<i64: 8, 3200>}]} {
    %get3A = arith.constant 0 : index
    %get3A_0 = arith.constant 0 : index
    %get3A_1 = vector.load %arg1[%get3A, %get3A_0] : memref<3200x4xf32, #tpu.memory_space<vmem>>, vector<3200x4xf32>
    %get3A_2 = arith.constant 0 : index
    %get3A_3 = arith.constant 0 : index
    %get3A_4 = vector.load %arg3[%get3A_2, %get3A_3] : memref<4x64xf32, #tpu.memory_space<vmem>>, vector<4x64xf32>
    %dot_general3A = arith.constant dense<0.000000e+00> : vector<3200x64xf32>
    %dot_general3A_5 = tpu.matmul %get3A_1, %get3A_4, %dot_general3A {dimension_numbers = #tpu.dot_dimension_numbers<[1], [0], [0], [1], [0, 0, 1, 1], [], []>, transpose_lhs_hint = false} : vector<3200x4xf32>, vector<4x64xf32>, vector<3200x64xf32> -> vector<3200x64xf32>
    %get3A_6 = arith.constant 0 : index
    %get3A_7 = arith.constant 0 : index
    %get3A_8 = vector.load %arg4[%get3A_6, %get3A_7] : memref<1x64xf32, #tpu.memory_space<vmem>>, vector<1x64xf32>
    %add3A = vector.broadcast %get3A_8 : vector<1x64xf32> to vector<3200x64xf32>
    %add3A_9 = arith.addf %dot_general3A_5, %add3A : vector<3200x64xf32>
    %max3A = arith.constant 0.000000e+00 : f32
    %max3A_10 = vector.broadcast %max3A : f32 to vector<3200x64xf32>
    %max3A_11 = arith.maximumf %add3A_9, %max3A_10 : vector<3200x64xf32>
    %get3A_12 = arith.constant 0 : index
    %get3A_13 = arith.constant 0 : index
    %get3A_14 = vector.load %arg2[%get3A_12, %get3A_13] : memref<3200x128xf32, #tpu.memory_space<vmem>>, vector<3200x128xf32>
    %convert_element_type3A = arith.truncf %get3A_14 : vector<3200x128xf32> to vector<3200x128xbf16>
    %get3A_15 = arith.constant 0 : index
    %get3A_16 = arith.constant 0 : index
    %get3A_17 = vector.load %arg5[%get3A_15, %get3A_16] : memref<128x512xbf16, #tpu.memory_space<vmem>>, vector<128x512xbf16>
    %dot_general3A_18 = arith.constant dense<0.000000e+00> : vector<3200x512xf32>
    %dot_general3A_19 = tpu.matmul %convert_element_type3A, %get3A_17, %dot_general3A_18 {dimension_numbers = #tpu.dot_dimension_numbers<[1], [0], [0], [1], [0, 0, 1, 1], [], []>, transpose_lhs_hint = false} : vector<3200x128xbf16>, vector<128x512xbf16>, vector<3200x512xf32> -> vector<3200x512xf32>
    %tile3A = tpu.concatenate %max3A_11, %max3A_11, %max3A_11, %max3A_11, %max3A_11, %max3A_11, %max3A_11, %max3A_11 in 1 : vector<3200x64xf32>, vector<3200x64xf32>, vector<3200x64xf32>, vector<3200x64xf32>, vector<3200x64xf32>, vector<3200x64xf32>, vector<3200x64xf32>, vector<3200x64xf32> -> vector<3200x512xf32>
    %mul3A = arith.mulf %dot_general3A_19, %tile3A : vector<3200x512xf32>
    %convert_element_type3A_20 = arith.truncf %mul3A : vector<3200x512xf32> to vector<3200x512xbf16>
    %get3A_21 = arith.constant 0 : index
    %get3A_22 = arith.constant 0 : index
    %get3A_23 = vector.load %arg6[%get3A_21, %get3A_22] : memref<8x512xbf16, #tpu.memory_space<vmem>>, vector<8x512xbf16>
    %dot_general3A_24 = arith.constant dense<0.000000e+00> : vector<8x3200xf32>
    %dot_general3A_25 = tpu.matmul %get3A_23, %convert_element_type3A_20, %dot_general3A_24 {dimension_numbers = #tpu.dot_dimension_numbers<[1], [1], [0], [0], [0, 0, 1, 0], [], []>, transpose_lhs_hint = false} : vector<8x512xbf16>, vector<3200x512xbf16>, vector<8x3200xf32> -> vector<8x3200xf32>
    %get3A_26 = arith.constant 0 : index
    %get3A_27 = arith.constant 0 : index
    %get3A_28 = vector.load %arg7[%get3A_26, %get3A_27] : memref<8x128xf32, #tpu.memory_space<vmem>>, vector<8x128xf32>
    %dot_general3A_29 = arith.constant dense<0.000000e+00> : vector<8x3200xf32>
    %dot_general3A_30 = tpu.matmul %get3A_28, %get3A_14, %dot_general3A_29 {dimension_numbers = #tpu.dot_dimension_numbers<[1], [1], [0], [0], [0, 0, 1, 0], [], []>, transpose_lhs_hint = false} : vector<8x128xf32>, vector<3200x128xf32>, vector<8x3200xf32> -> vector<8x3200xf32>
    %add3A_31 = arith.addf %dot_general3A_25, %dot_general3A_30 : vector<8x3200xf32>
    %swap3A = arith.constant 0 : index
    %swap3A_32 = arith.constant 0 : index
    %swap3A_33 = vector.load %arg8[%swap3A, %swap3A_32] : memref<8x3200xf32, #tpu.memory_space<vmem>>, vector<8x3200xf32>
    tpu.vector_store %arg8[%swap3A, %swap3A_32], %add3A_31 {strides = array<i32>} : memref<8x3200xf32, #tpu.memory_space<vmem>>, vector<8x3200xf32>,
    return
  }
  func.func @transform_0(%arg0: i32) -> (i32, i32) {
    %c0_i32 = arith.constant 0 : i32
    %c0_i32_0 = arith.constant 0 : i32
    return %arg0, %c0_i32 : i32, i32
  }
  func.func @transform_1(%arg0: i32) -> (i32, i32) {
    %c0_i32 = arith.constant 0 : i32
    %c0_i32_0 = arith.constant 0 : i32
    return %arg0, %c0_i32 : i32, i32
  }
  func.func @transform_2(%arg0: i32) -> (i32, i32) {
    %c0_i32 = arith.constant 0 : i32
    %c0_i32_0 = arith.constant 0 : i32
    %c0_i32_1 = arith.constant 0 : i32
    return %c0_i32, %c0_i32_0 : i32, i32
  }
  func.func @transform_3(%arg0: i32) -> (i32, i32) {
    %c0_i32 = arith.constant 0 : i32
    %c0_i32_0 = arith.constant 0 : i32
    %c0_i32_1 = arith.constant 0 : i32
    return %c0_i32, %c0_i32_0 : i32, i32
  }
  func.func @transform_4(%arg0: i32) -> (i32, i32) {
    %c0_i32 = arith.constant 0 : i32
    %c0_i32_0 = arith.constant 0 : i32
    %c0_i32_1 = arith.constant 0 : i32
    return %c0_i32, %c0_i32_0 : i32, i32
  }
  func.func @transform_5(%arg0: i32) -> (i32, i32) {
    %c0_i32 = arith.constant 0 : i32
    %c0_i32_0 = arith.constant 0 : i32
    %c0_i32_1 = arith.constant 0 : i32
    return %c0_i32, %c0_i32_0 : i32, i32
  }
  func.func @transform_6(%arg0: i32) -> (i32, i32) {
    %c0_i32 = arith.constant 0 : i32
    %c0_i32_0 = arith.constant 0 : i32
    %c0_i32_1 = arith.constant 0 : i32
    return %c0_i32, %c0_i32_0 : i32, i32
  }
  func.func @transform_7(%arg0: i32) -> (i32, i32) {
    %c0_i32 = arith.constant 0 : i32
    %c0_i32_0 = arith.constant 0 : i32
    return %c0_i32, %arg0 : i32, i32
  }
}

module attributes {stable_mosaic.version = 14 : i64} {
  func.func @_msg2_body(%arg0: i32, %arg1: memref<3200x4xf32, #tpu.memory_space<vmem>>, %arg2: memref<8x3200xf32, #tpu.memory_space<vmem>>, %arg3: memref<4x64xf32, #tpu.memory_space<vmem>>, %arg4: memref<1x64xf32, #tpu.memory_space<vmem>>, %arg5: memref<8x512xbf16, #tpu.memory_space<vmem>>, %arg6: memref<8x512xbf16, #tpu.memory_space<vmem>>, %arg7: memref<8x8xf32, #tpu.memory_space<vmem>>, %arg8: memref<8x3200xf32, #tpu.memory_space<vmem>>) attributes {dimension_semantics = [#tpu.dimension_semantics<arbitrary>], iteration_bounds = array<i64: 50>, scalar_prefetch = 0 : i64, scratch_operands = 0 : i64, tpu.core_type = #tpu.core_type<tc>, window_params = [{transform_indices = @transform_0, window_bounds = array<i64: 3200, 4>}, {transform_indices = @transform_1, window_bounds = array<i64: 8, 3200>}, {pipeline_mode = #tpu.pipeline_mode<synchronous>, transform_indices = @transform_2, window_bounds = array<i64: 4, 64>}, {pipeline_mode = #tpu.pipeline_mode<synchronous>, transform_indices = @transform_3, window_bounds = array<i64: 1, 64>}, {pipeline_mode = #tpu.pipeline_mode<synchronous>, transform_indices = @transform_4, window_bounds = array<i64: 8, 512>}, {pipeline_mode = #tpu.pipeline_mode<synchronous>, transform_indices = @transform_5, window_bounds = array<i64: 8, 512>}, {pipeline_mode = #tpu.pipeline_mode<synchronous>, transform_indices = @transform_6, window_bounds = array<i64: 8, 8>}, {transform_indices = @transform_7, window_bounds = array<i64: 8, 3200>}]} {
    %get3A = arith.constant 0 : index
    %get3A_0 = arith.constant 0 : index
    %get3A_1 = vector.load %arg1[%get3A, %get3A_0] : memref<3200x4xf32, #tpu.memory_space<vmem>>, vector<3200x4xf32>
    %get3A_2 = arith.constant 0 : index
    %get3A_3 = arith.constant 0 : index
    %get3A_4 = vector.load %arg3[%get3A_2, %get3A_3] : memref<4x64xf32, #tpu.memory_space<vmem>>, vector<4x64xf32>
    %dot_general3A = arith.constant dense<0.000000e+00> : vector<3200x64xf32>
    %dot_general3A_5 = tpu.matmul %get3A_1, %get3A_4, %dot_general3A {dimension_numbers = #tpu.dot_dimension_numbers<[1], [0], [0], [1], [0, 0, 1, 1], [], []>, transpose_lhs_hint = false} : vector<3200x4xf32>, vector<4x64xf32>, vector<3200x64xf32> -> vector<3200x64xf32>
    %get3A_6 = arith.constant 0 : index
    %get3A_7 = arith.constant 0 : index
    %get3A_8 = vector.load %arg4[%get3A_6, %get3A_7] : memref<1x64xf32, #tpu.memory_space<vmem>>, vector<1x64xf32>
    %add3A = vector.broadcast %get3A_8 : vector<1x64xf32> to vector<3200x64xf32>
    %add3A_9 = arith.addf %dot_general3A_5, %add3A : vector<3200x64xf32>
    %max3A = arith.constant 0.000000e+00 : f32
    %max3A_10 = vector.broadcast %max3A : f32 to vector<3200x64xf32>
    %max3A_11 = arith.maximumf %add3A_9, %max3A_10 : vector<3200x64xf32>
    %get3A_12 = arith.constant 0 : index
    %get3A_13 = arith.constant 0 : index
    %get3A_14 = vector.load %arg2[%get3A_12, %get3A_13] : memref<8x3200xf32, #tpu.memory_space<vmem>>, vector<8x3200xf32>
    %convert_element_type3A = arith.truncf %get3A_14 : vector<8x3200xf32> to vector<8x3200xbf16>
    %get3A_15 = arith.constant 0 : index
    %get3A_16 = arith.constant 0 : index
    %get3A_17 = vector.load %arg5[%get3A_15, %get3A_16] : memref<8x512xbf16, #tpu.memory_space<vmem>>, vector<8x512xbf16>
    %dot_general3A_18 = arith.constant dense<0.000000e+00> : vector<3200x512xf32>
    %dot_general3A_19 = tpu.matmul %convert_element_type3A, %get3A_17, %dot_general3A_18 {dimension_numbers = #tpu.dot_dimension_numbers<[0], [0], [1], [1], [0, 1, 1, 1], [], []>, transpose_lhs_hint = false} : vector<8x3200xbf16>, vector<8x512xbf16>, vector<3200x512xf32> -> vector<3200x512xf32>
    %tile3A = tpu.concatenate %max3A_11, %max3A_11, %max3A_11, %max3A_11, %max3A_11, %max3A_11, %max3A_11, %max3A_11 in 1 : vector<3200x64xf32>, vector<3200x64xf32>, vector<3200x64xf32>, vector<3200x64xf32>, vector<3200x64xf32>, vector<3200x64xf32>, vector<3200x64xf32>, vector<3200x64xf32> -> vector<3200x512xf32>
    %mul3A = arith.mulf %dot_general3A_19, %tile3A : vector<3200x512xf32>
    %convert_element_type3A_20 = arith.truncf %mul3A : vector<3200x512xf32> to vector<3200x512xbf16>
    %get3A_21 = arith.constant 0 : index
    %get3A_22 = arith.constant 0 : index
    %get3A_23 = vector.load %arg6[%get3A_21, %get3A_22] : memref<8x512xbf16, #tpu.memory_space<vmem>>, vector<8x512xbf16>
    %dot_general3A_24 = arith.constant dense<0.000000e+00> : vector<8x3200xf32>
    %dot_general3A_25 = tpu.matmul %get3A_23, %convert_element_type3A_20, %dot_general3A_24 {dimension_numbers = #tpu.dot_dimension_numbers<[1], [1], [0], [0], [0, 0, 1, 0], [], []>, transpose_lhs_hint = false} : vector<8x512xbf16>, vector<3200x512xbf16>, vector<8x3200xf32> -> vector<8x3200xf32>
    %get3A_26 = arith.constant 0 : index
    %get3A_27 = arith.constant 0 : index
    %get3A_28 = vector.load %arg7[%get3A_26, %get3A_27] : memref<8x8xf32, #tpu.memory_space<vmem>>, vector<8x8xf32>
    %dot_general3A_29 = arith.constant dense<0.000000e+00> : vector<8x3200xf32>
    %dot_general3A_30 = tpu.matmul %get3A_28, %get3A_14, %dot_general3A_29 {dimension_numbers = #tpu.dot_dimension_numbers<[1], [0], [0], [1], [0, 0, 1, 1], [], []>, transpose_lhs_hint = false} : vector<8x8xf32>, vector<8x3200xf32>, vector<8x3200xf32> -> vector<8x3200xf32>
    %add3A_31 = arith.addf %dot_general3A_25, %dot_general3A_30 : vector<8x3200xf32>
    %swap3A = arith.constant 0 : index
    %swap3A_32 = arith.constant 0 : index
    %swap3A_33 = vector.load %arg8[%swap3A, %swap3A_32] : memref<8x3200xf32, #tpu.memory_space<vmem>>, vector<8x3200xf32>
    tpu.vector_store %arg8[%swap3A, %swap3A_32], %add3A_31 {strides = array<i32>} : memref<8x3200xf32, #tpu.memory_space<vmem>>, vector<8x3200xf32>,
    return
  }
  func.func @transform_0(%arg0: i32) -> (i32, i32) {
    %c0_i32 = arith.constant 0 : i32
    %c0_i32_0 = arith.constant 0 : i32
    return %arg0, %c0_i32 : i32, i32
  }
  func.func @transform_1(%arg0: i32) -> (i32, i32) {
    %c0_i32 = arith.constant 0 : i32
    %c0_i32_0 = arith.constant 0 : i32
    return %c0_i32, %arg0 : i32, i32
  }
  func.func @transform_2(%arg0: i32) -> (i32, i32) {
    %c0_i32 = arith.constant 0 : i32
    %c0_i32_0 = arith.constant 0 : i32
    %c0_i32_1 = arith.constant 0 : i32
    return %c0_i32, %c0_i32_0 : i32, i32
  }
  func.func @transform_3(%arg0: i32) -> (i32, i32) {
    %c0_i32 = arith.constant 0 : i32
    %c0_i32_0 = arith.constant 0 : i32
    %c0_i32_1 = arith.constant 0 : i32
    return %c0_i32, %c0_i32_0 : i32, i32
  }
  func.func @transform_4(%arg0: i32) -> (i32, i32) {
    %c0_i32 = arith.constant 0 : i32
    %c0_i32_0 = arith.constant 0 : i32
    %c0_i32_1 = arith.constant 0 : i32
    return %c0_i32, %c0_i32_0 : i32, i32
  }
  func.func @transform_5(%arg0: i32) -> (i32, i32) {
    %c0_i32 = arith.constant 0 : i32
    %c0_i32_0 = arith.constant 0 : i32
    %c0_i32_1 = arith.constant 0 : i32
    return %c0_i32, %c0_i32_0 : i32, i32
  }
  func.func @transform_6(%arg0: i32) -> (i32, i32) {
    %c0_i32 = arith.constant 0 : i32
    %c0_i32_0 = arith.constant 0 : i32
    %c0_i32_1 = arith.constant 0 : i32
    return %c0_i32, %c0_i32_0 : i32, i32
  }
  func.func @transform_7(%arg0: i32) -> (i32, i32) {
    %c0_i32 = arith.constant 0 : i32
    %c0_i32_0 = arith.constant 0 : i32
    return %c0_i32, %arg0 : i32, i32
  }
}

module attributes {stable_mosaic.version = 14 : i64} {
  func.func @_node2_body(%arg0: memref<32x8x10000xf32, #tpu.memory_space<vmem>>, %arg1: memref<32x10000xf32, #tpu.memory_space<vmem>>, %arg2: memref<8x10000xf32, #tpu.memory_space<vmem>>, %arg3: memref<8x8xf32, #tpu.memory_space<vmem>>, %arg4: memref<8x1xf32, #tpu.memory_space<vmem>>, %arg5: memref<8x8xf32, #tpu.memory_space<vmem>>, %arg6: memref<8x1xf32, #tpu.memory_space<vmem>>, %arg7: memref<1x8xf32, #tpu.memory_space<vmem>>, %arg8: memref<1x1xf32, #tpu.memory_space<vmem>>, %arg9: memref<1x10000xf32, #tpu.memory_space<vmem>>) attributes {dimension_semantics = [], scalar_prefetch = 0 : i64, scratch_operands = 0 : i64, tpu.core_type = #tpu.core_type<tc>} {
    %get3A = arith.constant 0 : index
    %get3A_0 = arith.constant 0 : index
    %get3A_1 = arith.constant 0 : index
    %get3A_2 = vector.load %arg0[%get3A, %get3A_0, %get3A_1] : memref<32x8x10000xf32, #tpu.memory_space<vmem>>, vector<32x8x10000xf32>
    %reduce_sum3A = arith.constant dense<0.000000e+00> : vector<8x10000xf32>
    %reduce_sum3A_3 = vector.multi_reduction <add>, %get3A_2, %reduce_sum3A [0] : vector<32x8x10000xf32> to vector<8x10000xf32>
    %get3A_4 = arith.constant 0 : index
    %get3A_5 = arith.constant 0 : index
    %get3A_6 = vector.load %arg1[%get3A_4, %get3A_5] : memref<32x10000xf32, #tpu.memory_space<vmem>>, vector<32x10000xf32>
    %reduce_sum3A_7 = arith.constant dense<0.000000e+00> : vector<10000xf32>
    %reduce_sum3A_8 = vector.multi_reduction <add>, %get3A_6, %reduce_sum3A_7 [0] : vector<32x10000xf32> to vector<10000xf32>
    %max3A = arith.constant 1.000000e+00 : f32
    %max3A_9 = vector.broadcast %max3A : f32 to vector<10000xf32>
    %max3A_10 = arith.maximumf %reduce_sum3A_8, %max3A_9 : vector<10000xf32>
    %broadcast_in_dim3A = vector.shape_cast %max3A_10 : vector<10000xf32> to vector<1x10000xf32>
    %div3A = vector.broadcast %broadcast_in_dim3A : vector<1x10000xf32> to vector<8x10000xf32>
    %div3A_11 = arith.divf %reduce_sum3A_3, %div3A : vector<8x10000xf32>
    %get3A_12 = arith.constant 0 : index
    %get3A_13 = arith.constant 0 : index
    %get3A_14 = vector.load %arg3[%get3A_12, %get3A_13] : memref<8x8xf32, #tpu.memory_space<vmem>>, vector<8x8xf32>
    %get3A_15 = arith.constant 0 : index
    %get3A_16 = arith.constant 0 : index
    %get3A_17 = vector.load %arg2[%get3A_15, %get3A_16] : memref<8x10000xf32, #tpu.memory_space<vmem>>, vector<8x10000xf32>
    %dot_general3A = arith.constant dense<0.000000e+00> : vector<8x10000xf32>
    %dot_general3A_18 = tpu.matmul %get3A_14, %get3A_17, %dot_general3A {dimension_numbers = #tpu.dot_dimension_numbers<[1], [0], [0], [1], [0, 0, 1, 1], [], []>, transpose_lhs_hint = false} : vector<8x8xf32>, vector<8x10000xf32>, vector<8x10000xf32> -> vector<8x10000xf32>
    %add3A = arith.addf %div3A_11, %dot_general3A_18 : vector<8x10000xf32>
    %get3A_19 = arith.constant 0 : index
    %get3A_20 = arith.constant 0 : index
    %get3A_21 = vector.load %arg4[%get3A_19, %get3A_20] : memref<8x1xf32, #tpu.memory_space<vmem>>, vector<8x1xf32>
    %add3A_22 = vector.broadcast %get3A_21 : vector<8x1xf32> to vector<8x10000xf32>
    %add3A_23 = arith.addf %add3A, %add3A_22 : vector<8x10000xf32>
    %max3A_24 = arith.constant 0.000000e+00 : f32
    %max3A_25 = vector.broadcast %max3A_24 : f32 to vector<8x10000xf32>
    %max3A_26 = arith.maximumf %add3A_23, %max3A_25 : vector<8x10000xf32>
    %get3A_27 = arith.constant 0 : index
    %get3A_28 = arith.constant 0 : index
    %get3A_29 = vector.load %arg5[%get3A_27, %get3A_28] : memref<8x8xf32, #tpu.memory_space<vmem>>, vector<8x8xf32>
    %dot_general3A_30 = arith.constant dense<0.000000e+00> : vector<8x10000xf32>
    %dot_general3A_31 = tpu.matmul %get3A_29, %max3A_26, %dot_general3A_30 {dimension_numbers = #tpu.dot_dimension_numbers<[1], [0], [0], [1], [0, 0, 1, 1], [], []>, transpose_lhs_hint = false} : vector<8x8xf32>, vector<8x10000xf32>, vector<8x10000xf32> -> vector<8x10000xf32>
    %get3A_32 = arith.constant 0 : index
    %get3A_33 = arith.constant 0 : index
    %get3A_34 = vector.load %arg6[%get3A_32, %get3A_33] : memref<8x1xf32, #tpu.memory_space<vmem>>, vector<8x1xf32>
    %add3A_35 = vector.broadcast %get3A_34 : vector<8x1xf32> to vector<8x10000xf32>
    %add3A_36 = arith.addf %dot_general3A_31, %add3A_35 : vector<8x10000xf32>
    %max3A_37 = arith.constant 0.000000e+00 : f32
    %max3A_38 = vector.broadcast %max3A_37 : f32 to vector<8x10000xf32>
    %max3A_39 = arith.maximumf %add3A_36, %max3A_38 : vector<8x10000xf32>
    %get3A_40 = arith.constant 0 : index
    %get3A_41 = arith.constant 0 : index
    %get3A_42 = vector.load %arg7[%get3A_40, %get3A_41] : memref<1x8xf32, #tpu.memory_space<vmem>>, vector<1x8xf32>
    %dot_general3A_43 = arith.constant dense<0.000000e+00> : vector<1x10000xf32>
    %dot_general3A_44 = tpu.matmul %get3A_42, %max3A_39, %dot_general3A_43 {dimension_numbers = #tpu.dot_dimension_numbers<[1], [0], [0], [1], [0, 0, 1, 1], [], []>, transpose_lhs_hint = false} : vector<1x8xf32>, vector<8x10000xf32>, vector<1x10000xf32> -> vector<1x10000xf32>
    %get3A_45 = arith.constant 0 : index
    %get3A_46 = arith.constant 0 : index
    %get3A_47 = vector.load %arg8[%get3A_45, %get3A_46] : memref<1x1xf32, #tpu.memory_space<vmem>>, vector<1x1xf32>
    %add3A_48 = vector.broadcast %get3A_47 : vector<1x1xf32> to vector<1x10000xf32>
    %add3A_49 = arith.addf %dot_general3A_44, %add3A_48 : vector<1x10000xf32>
    %swap3A = arith.constant 0 : index
    %swap3A_50 = arith.constant 0 : index
    %swap3A_51 = vector.load %arg9[%swap3A, %swap3A_50] : memref<1x10000xf32, #tpu.memory_space<vmem>>, vector<1x10000xf32>
    tpu.vector_store %arg9[%swap3A, %swap3A_50], %add3A_49 {strides = array<i32>} : memref<1x10000xf32, #tpu.memory_space<vmem>>, vector<1x10000xf32>,
    return
  }
}

</mosaic_0001>

<sc_bundles>
// kernel: kernel.10.cloned.1.call-start
scs
__scs_entry_jumppad:
0x0: {  	(pc) =	sbr.rel $0x88, $3  }
0x1: {  	(tag) =	ssettag $0x0;
	lr =	simm.s32 $0x1  }
0x2: {  	[smem:$0x3F8E] =	sst lr;
	_ =	strace $0xD0000000  }
0x3: {  	_ = 	snop  }
0x4: {  	_ = 	snop  }
0x5: {  	_ = 	snop  }
0x6: {  	_ = 	snop  }
0x7: {  	_ = 	snop  }
__scs_overlays_trampoline_lowered:
0x8: {  	[smem:$0x3F9D] =	sst s0  }
0x9: {  	[smem:$0x3F9E] =	sst s1  }
0xa: {  	[smem:$0x3F9F] =	sst s2  }
0xb: {  	[smem:$0x3FA0] =	sst s3  }
0xc: {  	[smem:$0x3FA1] =	sst s4  }
0xd: {  	[smem:$0x3FA2] =	sst s5  }
0xe: {  	[smem:$0x3FA3] =	sst s6  }
0xf: {  	[smem:$0x3FA4] =	sst s7  }
0x10: {  	[smem:$0x3FA5] =	sst s8  }
0x11: {  	[smem:$0x3FA6] =	sst s9;
	s0 =	simm.s32 @!p0 $0x0  }
0x12: {  	s1 =	sld [smem:$0x3F8C];
	s0 =	simm.s32 @p0 $0x1  }
0x13: {  	[smem:$0x3FA7] =	sst s0;
	s0 =	simm.s32 @!p1 $0x0  }
0x14: {  	s2 =	sld [smem:$0x3F8B];
	s0 =	simm.s32 @p1 $0x1  }
0x15: {  	[smem:$0x3FA8] =	sst s0;
	s0 =	simm.s32 @!p2 $0x0  }
0x16: {  	s3 =	sld [smem:$0x3FDB];
	s0 =	simm.s32 @p2 $0x1  }
0x17: {  	s4 =	simm.s32 $0x1BF5;
	[smem:$0x3FAA] =	sst s0  }
0x18: {  	s0 =	sld [smem:$0x3F8D];
	_ =	swait.ge [sflag:s4], $0x0  }
0x19: {  	s7 =	sld [smem:$0x3F8E]  }
0x1a: {  	s8 =	sadd.s32 $0xFFFFE003, lr  }
0x1b: {  	s9 =	sadd.s32 $0xFFFFFEF7, lr;
	s5 =	simm.s32 $0xFFFFFFFF;
	p2 =	slt.u32 s8, $0xFFFFF086  }
0x1c: {  	p1 =	slt.u32 s9, $0xF7A;
	s5 =	simm.s32 @!p2 $0x0  }
0x1d: {  	s5 =	simm.s32 @p1 $0x1;
	p0 =	seq.s32 s7, s2  }
0x1e: {  	s7 =	smul.u32 @!p0 $0xF7A, s2;
	p2 =	seq.s32 @!p0 s5, $0x0  }
0x1f: {  	s9 =	smul.u32 $0xF7A, s1;
	s8 =	simm.s32 @!p0 $0x1BF5;
	p2 =	por !p2, p0  }
0x20: {  	[sflag:s8] =	ssyncset.s32 @!p0 $0xFFFFF086;
	s6 =	sadd.s32 @!p0 s3, s7;
	s7 =	simm.s32 @!p0 $0x108  }
0x21: {  	s3 =	sadd.s32 s3, s9;
	s6 =	sadd.s32 @!p0 $0x88, s6;
	s7 =	simm.s32 @p2 $0x1082  }
0x22: {  	[simem:s7], [sflag:s8] =	dma.local @!p0 [hbm:s6], $0xF7A  }
0x23: {  	s9 =	sor.u32 $0xD0000000, s2;
	s6 =	simm.s32 $0x108;
	_ =	swait.ge @!p0 [sflag:s8], $0x0  }
0x24: {  	s3 =	sadd.s32 $0x88, s3;
	s6 =	simm.s32 @!p1 $0x1082;
	[sflag:s4] =	ssyncset.s32 $0xFFFFF086  }
0x25: {  	[simem:s6], [sflag:s4] =	dma.local [hbm:s3], $0xF7A  }
0x26: {  	[smem:$0x3F8E] =	sst s1;
	(tag) =	ssettag s2;
	_ =	strace s9  }
0x27: {  	s1 =	sld [smem:$0x3F9E]  }
0x28: {  	s2 =	sld [smem:$0x3F9F]  }
0x29: {  	s4 =	sld [smem:$0x3FA1]  }
0x2a: {  	p0 =	seq.s32 s5, $0x0;
	s5 =	sld [smem:$0x3FA2]  }
0x2b: {  	s6 =	sld [smem:$0x3FA3]  }
0x2c: {  	s7 =	sld [smem:$0x3FA4]  }
0x2d: {  	s3 =	simm.s32 $0x108;
	s8 =	sld [smem:$0x3FA5]  }
0x2e: {  	s3 =	simm.s32 @!p0 $0x1082;
	s9 =	sld [smem:$0x3FA6]  }
0x2f: {  	lr =	sadd.s32 s0, s3;
	s0 =	sld [smem:$0x3F9D]  }
0x30: {  	s3 =	sld [smem:$0x3FA0]  }
0x31: {  	[smem:$0x3FA9] =	sst s10  }
0x32: {  	s10 =	sld [smem:$0x3FA7];
	_ =	sdelay $0x3  }
0x33: {  	p0 =	seq.s32 s10, $0x1;
	s10 =	sld [smem:$0x3FA9];
	_ =	sdelay $0x3  }
0x34: {  	[smem:$0x3FA9] =	sst s10  }
0x35: {  	s10 =	sld [smem:$0x3FA8];
	_ =	sdelay $0x3  }
0x36: {  	p1 =	seq.s32 s10, $0x1;
	s10 =	sld [smem:$0x3FA9];
	_ =	sdelay $0x3  }
0x37: {  	[smem:$0x3FA9] =	sst s10  }
0x38: {  	s10 =	sld [smem:$0x3FAA]  }
0x39: {  	_ = 	snop;
	(pc) =	sbr.ind lr, $3  }
0x3a: {  	_ = 	snop  }
0x3b: {  	_ = 	snop  }
0x3c: {  	p2 =	seq.s32 s10, $0x1;
	s10 =	sld [smem:$0x3FA9]  }
0x3d: {  	_ =	shalt  }
0x3e: {  	_ =	shalt  }
0x3f: {  	_ =	shalt  }
0x40: {  	_ =	shalt  }
0x41: {  	_ =	shalt  }
0x42: {  	_ =	shalt  }
0x43: {  	_ =	shalt  }
0x44: {  	_ =	shalt  }
0x45: {  	_ =	shalt  }
0x46: {  	_ =	shalt  }
0x47: {  	_ =	shalt  }
0x48: {  	_ =	shalt  }
0x49: {  	_ =	shalt  }
0x4a: {  	_ =	shalt  }
0x4b: {  	_ =	shalt  }
0x4c: {  	_ =	shalt  }
0x4d: {  	_ =	shalt  }
0x4e: {  	_ =	shalt  }
0x4f: {  	_ =	shalt  }
0x50: {  	_ =	shalt  }
0x51: {  	_ =	shalt  }
0x52: {  	_ =	shalt  }
0x53: {  	_ =	shalt  }
0x54: {  	_ =	shalt  }
0x55: {  	_ =	shalt  }
0x56: {  	_ =	shalt  }
0x57: {  	_ =	shalt  }
0x58: {  	_ =	shalt  }
0x59: {  	_ =	shalt  }
0x5a: {  	_ =	shalt  }
0x5b: {  	_ =	shalt  }
0x5c: {  	_ =	shalt  }
0x5d: {  	_ =	shalt  }
0x5e: {  	_ =	shalt  }
0x5f: {  	_ =	shalt  }
0x60: {  	_ =	shalt  }
0x61: {  	_ =	shalt  }
0x62: {  	_ =	shalt  }
0x63: {  	_ =	shalt  }
0x64: {  	_ =	shalt  }
0x65: {  	_ =	shalt  }
0x66: {  	_ =	shalt  }
0x67: {  	_ =	shalt  }
0x68: {  	_ =	shalt  }
0x69: {  	_ =	shalt  }
0x6a: {  	_ =	shalt  }
0x6b: {  	_ =	shalt  }
0x6c: {  	_ =	shalt  }
0x6d: {  	_ =	shalt  }
0x6e: {  	_ =	shalt  }
0x6f: {  	_ =	shalt  }
0x70: {  	_ =	shalt  }
0x71: {  	_ =	shalt  }
0x72: {  	_ =	shalt  }
0x73: {  	_ =	shalt  }
0x74: {  	_ =	shalt  }
0x75: {  	_ =	shalt  }
0x76: {  	_ =	shalt  }
0x77: {  	_ =	shalt  }
0x78: {  	_ =	shalt  }
0x79: {  	_ =	shalt  }
0x7a: {  	_ =	shalt  }
0x7b: {  	_ =	shalt  }
0x7c: {  	_ =	shalt  }
0x7d: {  	_ =	shalt  }
0x7e: {  	_ =	shalt  }
0x7f: {  	_ =	shalt  }
0x80: {  	_ =	shalt  }
0x81: {  	_ =	shalt  }
0x82: {  	_ =	shalt  }
0x83: {  	_ =	shalt  }
0x84: {  	_ =	shalt  }
0x85: {  	_ =	shalt  }
0x86: {  	_ =	shalt  }
0x87: {  	_ =	shalt  }
.Lfunc_end0:
.L_simem_size_0:
called_computation_lowered:
.L_overlay_start_0:
0x88: {  	s2 =	sld [smem:$0x3FD9]  }
0x89: {  	s3 =	sld [smem:$0x3FFE];
	_ =	sdelay $0x1  }
0x8a: {  	s1 =	srdreg.scid  }
0x8b: {  	s0 =	sand.u32 $0x1, s1  }
0x8c: {  	s17 =	sshll.u32 s0, $0xA;
	s2 =	sadd.s32 s3, s2  }
0x8d: {  	s2 =	sadd.s32 s2, s17  }
0x8e: {  	[smem:$0x3FB5] =	sst s2  }
0x8f: {  	_ = 	snop  }
0x90: {  	s2 =	sld [smem:$0x3FC9];
	(tm) =	ssettm $0x1  }
0x91: {  	s18 =	sld [smem:$0x3FFB];
	_ =	sdelay $0x3  }
0x92: {  	_ =	strace s18  }
0x93: {  	s3 =	sld [smem:$0x3FFC];
	_ =	sdelay $0x3  }
0x94: {  	_ =	strace s3  }
0x95: {  	s3 =	sld [smem:$0x3FFD];
	_ =	sdelay $0x3  }
0x96: {  	_ =	strace s3  }
0x97: {  	_ =	strace $0x8FFFFFFF  }
0x98: {  	s19 =	sld [smem:$0x3FDB];
	_ =	sdelay $0x1  }
0x99: {  	s4 =	simm.s32 $_scs_section_size  }
0x9a: {  	s5 =	simm.s32 $_size__tile_overlayer_lowered;
	s6 =	simm.s32 $_tile_overlayer_lowered  }
0x9b: {  	s22 =	simm.s32 $0x1BFF;
	s21 =	sshll.u32 s6, $0x1;
	s3 =	sadd.s32 s4, s19  }
0x9c: {  	s7 =	simm.s32 $0x0;
	s20 =	sshll.u32 s5, $0x1;
	s5 =	sadd.s32 s21, s3  }
0x9d: {  	[timem:s7], [sflag:s22] =	dma.local [hbm:s5], s20  }
0x9e: {  	_ =	swait.ge [sflag:s22], s20  }
0x9f: {  	s4 =	ssub.s32 $0x0, s20;
	[sflag:s22] =	ssyncset.done $0x0  }
0xa0: {  	[sflag:s22] =	ssyncadd.s32 s4;
	_ =	sdelay $0x1  }
0xa1: {  	s23 =	simm.s32 $0x1B8B  }
0xa2: {  	_ =	swait.ge [sflag:s23], $0x1  }
0xa3: {  	[sflag:s23] =	ssyncset.done $0x0  }
0xa4: {  	s25 =	simm.s32 $0x1B8E;
	s24 =	sld [smem:$0x3FFE];
	[sflag:s23] =	ssyncadd.s32 $0xFFFFFFFF  }
0xa5: {  	s26 =	simm.s32 $execute0_lowered;
	[smem:$0x3FD2] =	sst s25  }
0xa6: {  	s5 =	sshll.u32 s26, $0x1;
	_ =	strace $0x80000046;
	[dreg:$0x1] =	wrdreg $0xFFFFFFFF  }
0xa7: {  	s28 =	simm.s32 $_size_execute0_lowered;
	s3 =	sadd.s32 s3, s5;
	[dreg:$0x0] =	wrdreg $0x0  }
0xa8: {  	s5 =	sshll.u32 s28, $0x1;
	[dreg:$0x2] =	wrdreg s3  }
0xa9: {  	[dreg:$0x3] =	wrdreg s5  }
0xaa: {  	[dreg:$0x4] =	wrdreg $0xC0  }
0xab: {  	_ =	task [dreg:s7], $0x5FFFF  }
0xac: {  	[dreg:$0x1] =	wrdreg $0xFFFFFFFF  }
0xad: {  	[dreg:$0x0] =	wrdreg $0x60  }
0xae: {  	[dreg:$0x2] =	wrdreg s2  }
0xaf: {  	[dreg:$0x3] =	wrdreg s24  }
0xb0: {  	[dreg:$0x4] =	wrdreg $0x9  }
0xb1: {  	_ =	task.clear_ibuf [dreg:s7], $0x5FFFF;
	_ =	strace $0x90000046  }
0xb2: {  	s29 =	simm.s32 $0x9;
	_ =	strace $0x80000048  }
0xb3: {  	_ =	swait.ge [sflag:s29], $0x1  }
0xb4: {  	[sflag:s29] =	ssyncadd.s32 $0xFFFFFFFF  }
0xb5: {  	_ =	strace $0x90000048  }
0xb6: {  	_ =	sfence  }
0xb7: {  	s30 =	sld [smem:$0x0];
	_ =	sdelay $0x2  }
0xb8: {  	s31 =	sshll.u32 s1, $0xD;
	s1 =	sshrl.u32 s1, $0x2  }
0xb9: {  	s3 =	sand.u32 $0x4000, s31;
	s1 =	sadd.s32 s1, s30  }
0xba: {  	s0 =	sor.u32 s3, s0;
	s1 =	sshll.u32 s1, $0x11  }
0xbb: {  	s0 =	sor.u32 s1, s0  }
0xbc: {  	s0 =	sadd.s32 $0x8F2B, s0  }
0xbd: {  	[sflag:s0] =	ssyncadd.remote.s32 $0x1  }
0xbe: {  	_ =	sfence.sel $0xFFFF  }
0xbf: {  	[dreg:$0x0] =	wrdreg $0xFFFFFFFF;
	(pc) =	sbr.abs _section_cstart, $3  }
0xc0: {  	[dreg:$0x1] =	wrdreg $0xFFFFFFFF  }
0xc1: {  	_ =	task.clear_ibuf [dreg:s7], $0x2FFFF;
	_ =	strace $0x9FFFFFFF  }
0xc2: {  	(tm) =	ssettm $0x7FFFFFFF  }
0xc3: {  	_ =	shalt  }
tec
execute0_lowered:
.L_overlay_start_1:
0x0: {  	(tag) =	ssettag $0x1  }
0x1: {  	s2 =	rddreg [dreg:$0x0]  }
0x2: {  	s1 =	srdreg.scid;
	s0 =	stileid.u32  }
0x3: {  	s4 =	rddreg [dreg:$0x1];
	s3 =	simm.s32 $0x0;
	s13 =	simm.s32 $0x7800  }
0x4: {  	s14 =	simm.s32 $0x1;
	s15 =	simm.s32 $0x2;
	s16 =	simm.s32 $0x3  }
0x5: {  	s17 =	simm.s32 $0x4;
	s6 =	sand.u32 $0x1, s1;
	s5 =	sshll.u32 s0, $0x1  }
0x6: {  	s18 =	simm.s32 $0x12C0;
	s31 =	smul.u32 $0x27100, s0;
	s5 =	sor.u32 s6, s5  }
0x7: {  	s19 =	simm.s32 $0x0;
	s1 =	rddreg [dreg:$0x2];
	s7 =	smul.u32 $0x1388, s5  }
0x8: {  	[smem:$0x7FF] =	sst s3;
	s8 =	ssub.s32 $0x2, s6;
	s9 =	smul.u32 $0x9C400, s5  }
0x9: {  	s10 =	sadd.s32 $0xE000, s4;
	s29 =	sshrl.u32 s8, $0x1;
	s11 =	smul.u32 $0x13880, s5  }
0xa: {  	_ =	strace $0x80000047;
	s12 =	smul.u32 $0x13880, s6;
	s8 =	ssub.s32 s8, s29  }
0xb: {  	s7 =	sshrl.u32 s7, $0x3;
	s9 =	sshrl.u32 s9, $0x3;
	s11 =	sadd.s32 s10, s11  }
0xc: {  	s6 =	smax.u32 s8, $0x1;
	s7 =	sadd.s32 s7, s4;
	s30 =	sadd.s32 s10, s9  }
0xd: {  	s9 =	sadd.s32 s31, s10;
	s8 =	sadd.s32 $0x11F80, s11;
	s10 =	simm.s32 $0x5  }
0xe: {  	s4 =	sadd.s32 $0x4000, s7;
	s5 =	sadd.s32 $0x12C00, s30;
	s7 =	sadd.s32 $0x11300, s11  }
0xf: {  	s9 =	sadd.s32 s12, s9;
	s11 =	simm.s32 $0xC8;
	s12 =	simm.s32 $0x1400  }
.LBB2_1:
0x10: {  	[tilespmem:s3], [sflag:$0x5] =	stream.linear.gather [hbm4b:s4+s3], $0x1388, $0x38;
	[tilespmem:$0xDC00] =	vst v63  }
0x11: {  	_ =	swait.ge [sflag:s10], $0x1388  }
0x12: {  	[sflag:s10] =	ssyncset.done $0x0  }
0x13: {  	[sflag:s10] =	ssyncadd.s32 $0xFFFFEC78  }
0x14: {  	[tilespmem:s12], [sflag:$0x1] =	stream.indirect.gather [hbm4b:s2+s11], $0x80, s3, s11, $0xb8;
	[tilespmem:$0xDC00] =	vst v63  }
0x15: {  	_ = 	snop  }
0x16: {  	[tilespmem:s13], [sflag:$0x2] =	stream.indirect.gather [hbm4b:s2+s11], $0x80, s11, s11, $0xb8;
	[tilespmem:$0xDC00] =	vst v63  }
0x17: {  	_ =	swait.ge [sflag:s14], $0x6400  }
0x18: {  	[sflag:s14] =	ssyncset.done $0x0  }
0x19: {  	s20 =	sadd.s32 $0x0, s9;
	[sflag:s14] =	ssyncadd.s32 $0xFFFF9C00  }
0x1a: {  	[hbm4b:s20+s3] =	stream.linear.scatter [tilespmem:s12], [sflag:$0x3], $0x6400, $0x38;
	[tilespmem:$0xDC00] =	vst v63  }
0x1b: {  	_ =	swait.ge [sflag:s15], $0x6400  }
0x1c: {  	[sflag:s15] =	ssyncset.done $0x0  }
0x1d: {  	s20 =	sadd.s32 $0xC80, s20;
	[sflag:s15] =	ssyncadd.s32 $0xFFFF9C00  }
0x1e: {  	[hbm4b:s20+s3] =	stream.linear.scatter [tilespmem:s13], [sflag:$0x4], $0x6400, $0x38;
	[tilespmem:$0xDC00] =	vst v63  }
0x1f: {  	_ =	swait.ge [sflag:s16], $0x6400  }
0x20: {  	[sflag:s16] =	ssyncset.done $0x0  }
0x21: {  	s31 =	simm.s32 $0x190;
	[sflag:s16] =	ssyncadd.s32 $0xFFFF9C00  }
0x22: {  	[tilespmem:s12], [sflag:$0x1] =	stream.indirect.gather [hbm4b:s2+s11], $0x80, s31, s11, $0xb8;
	[tilespmem:$0xDC00] =	vst v63  }
0x23: {  	_ =	swait.ge [sflag:s17], $0x6400  }
0x24: {  	s21 =	simm.s32 $0x1900;
	[sflag:s17] =	ssyncset.done $0x0  }
0x25: {  	s22 =	simm.s32 $0x3E8;
	s20 =	simm.s32 $0x258;
	[sflag:s17] =	ssyncadd.s32 $0xFFFF9C00  }
.LBB2_2:
0x26: {  	[tilespmem:s13], [sflag:$0x2] =	stream.indirect.gather [hbm4b:s2+s11], $0x80, s20, s11, $0xb8;
	[tilespmem:$0xDC00] =	vst v63  }
0x27: {  	s23 =	smov.u32 s21;
	s20 =	smov.u32 s22  }
0x28: {  	p0 =	sne.s32 s21, $0xFA00;
	s21 =	sadd.s32 $0x1900, s21;
	_ =	swait.ge [sflag:s14], $0x6400  }
0x29: {  	[sflag:s14] =	ssyncset.done $0x0  }
0x2a: {  	s23 =	sadd.s32 s23, s9;
	[sflag:s14] =	ssyncadd.s32 $0xFFFF9C00  }
0x2b: {  	[hbm4b:s23+s3] =	stream.linear.scatter [tilespmem:s12], [sflag:$0x3], $0x6400, $0x38;
	[tilespmem:$0xDC00] =	vst v63  }
0x2c: {  	_ =	swait.ge [sflag:s15], $0x6400  }
0x2d: {  	[sflag:s15] =	ssyncset.done $0x0  }
0x2e: {  	s23 =	sadd.s32 $0xC80, s23;
	[sflag:s15] =	ssyncadd.s32 $0xFFFF9C00  }
0x2f: {  	[hbm4b:s23+s3] =	stream.linear.scatter [tilespmem:s13], [sflag:$0x4], $0x6400, $0x38;
	[tilespmem:$0xDC00] =	vst v63  }
0x30: {  	_ =	swait.ge [sflag:s16], $0x6400  }
0x31: {  	[sflag:s16] =	ssyncset.done $0x0  }
.Ltmp0:
0x32: {  	s23 =	sadd.s32 $0xFFFFFF38, s22;
	[sflag:s16] =	ssyncadd.s32 $0xFFFF9C00;
	(pc) =	sbr.rel @p0 .LBB2_2-.Ltmp0, $4  }
0x33: {  	[tilespmem:s12], [sflag:$0x1] =	stream.indirect.gather [hbm4b:s2+s11], $0x80, s23, s11, $0xb8;
	[tilespmem:$0xDC00] =	vst v63  }
0x34: {  	_ =	swait.ge [sflag:s17], $0x6400  }
0x35: {  	[sflag:s17] =	ssyncset.done $0x0  }
0x36: {  	s22 =	sadd.s32 $0x190, s22;
	[sflag:s17] =	ssyncadd.s32 $0xFFFF9C00  }
0x37: {  	[tilespmem:s13], [sflag:$0x2] =	stream.indirect.gather [hbm4b:s2+s11], $0x80, s20, s11, $0xb8;
	[tilespmem:$0xDC00] =	vst v63  }
0x38: {  	_ =	swait.ge [sflag:s14], $0x6400  }
0x39: {  	[sflag:s14] =	ssyncset.done $0x0  }
0x3a: {  	[sflag:s14] =	ssyncadd.s32 $0xFFFF9C00  }
0x3b: {  	[hbm4b:s7+s3] =	stream.linear.scatter [tilespmem:s12], [sflag:$0x3], $0x6400, $0x38;
	[tilespmem:$0xDC00] =	vst v63  }
0x3c: {  	_ =	swait.ge [sflag:s15], $0x6400  }
0x3d: {  	[sflag:s15] =	ssyncset.done $0x0  }
0x3e: {  	[sflag:s15] =	ssyncadd.s32 $0xFFFF9C00  }
0x3f: {  	[hbm4b:s8+s3] =	stream.linear.scatter [tilespmem:s13], [sflag:$0x4], $0x6400, $0x38;
	[tilespmem:$0xDC00] =	vst v63  }
0x40: {  	_ =	swait.ge [sflag:s16], $0x6400  }
0x41: {  	[sflag:s16] =	ssyncset.done $0x0  }
0x42: {  	[sflag:s16] =	ssyncadd.s32 $0xFFFF9C00  }
0x43: {  	[tilespmem:s12], [sflag:$0x1] =	stream.indirect.gather [hbm4b:s2+s11], $0x80, s18, s11, $0xb8;
	[tilespmem:$0xDC00] =	vst v63  }
0x44: {  	_ =	swait.ge [sflag:s17], $0x6400  }
0x45: {  	[sflag:s17] =	ssyncset.done $0x0  }
0x46: {  	[sflag:s17] =	ssyncadd.s32 $0xFFFF9C00  }
0x47: {  	s19 =	sadd.s32 $0x1, s19;
	_ =	swait.ge [sflag:s14], $0x6400  }
0x48: {  	p0 =	sne.s32 s19, s6;
	[sflag:s14] =	ssyncset.done $0x0  }
.Ltmp1:
0x49: {  	[sflag:s14] =	ssyncadd.s32 $0xFFFF9C00;
	(pc) =	sbr.rel @p0 .LBB2_1-.Ltmp1, $4  }
0x4a: {  	[hbm4b:s5+s3] =	stream.linear.scatter [tilespmem:s12], [sflag:$0x5], $0x6400, $0x38;
	[tilespmem:$0xDC00] =	vst v63  }
0x4b: {  	_ =	swait.ge [sflag:s10], $0x6400  }
0x4c: {  	[sflag:s10] =	ssyncset.done $0x0  }
0x4d: {  	[sflag:s10] =	ssyncadd.s32 $0xFFFF9C00  }
0x4e: {  	_ =	sfence.sel $0x180000  }
0x4f: {  	[bflag:$0x0] =	sbarrier.arrive $0xFFFF  }
0x50: {  	p0 =	sne.s32 s0, $0x0;
	_ =	strace $0x90000047  }
0x51: {  	s0 =	sadd.s32 @!p0 $0x100000, s1;
	[bflag:$0x2] =	sbarrier.arrive $0xFFFF  }
0x52: {  	[sflag:s0] =	ssyncadd.tile.s32 @!p0 $0x1;
	_ =	shalt  }
.Lfunc_end2:
_tile_overlayer_lowered:
.L_overlay_start_2:
0x53: {  	(tag) =	ssettag $0x2  }
0x54: {  	s0 =	rddreg [dreg:$0x0];
	s2 =	stileid.u32  }
0x55: {  	s1 =	rddreg [dreg:$0x1];
	p0 =	sne.s32 s2, $0x0  }
0x56: {  	s3 =	rddreg [dreg:$0x2];
	[bflag:$0x3] =	sbarrier.arrive $0xFFFF;
	s2 =	simm.s32 @!p0 $0x1C05  }
0x57: {  	[timem:s3], [sflag:s2] =	dma.local @!p0 [hbm:s0], s1  }
0x58: {  	s0 =	simm.s32 @!p0 $0x5  }
0x59: {  	_ =	swait.ge @!p0 [sflag:s0], s1  }
0x5a: {  	s1 =	ssub.s32 @!p0 $0x0, s1;
	[sflag:s0] =	ssyncset.done @!p0 $0x0  }
0x5b: {  	[sflag:s0] =	ssyncadd.s32 @!p0 s1  }
0x5c: {  	[bflag:$0x3] =	sbarrier.arrive $0xFFFF  }
0x5d: {  	_ =	shalt  }

// kernel: kernel.13.cloned.1.call-start
scs
__scs_entry_jumppad:
0x0: {  	(pc) =	sbr.rel $0x88, $3  }
0x1: {  	(tag) =	ssettag $0x0;
	lr =	simm.s32 $0x1  }
0x2: {  	[smem:$0x3F8E] =	sst lr;
	_ =	strace $0xD0000000  }
0x3: {  	_ = 	snop  }
0x4: {  	_ = 	snop  }
0x5: {  	_ = 	snop  }
0x6: {  	_ = 	snop  }
0x7: {  	_ = 	snop  }
__scs_overlays_trampoline_lowered:
0x8: {  	[smem:$0x3F9D] =	sst s0  }
0x9: {  	[smem:$0x3F9E] =	sst s1  }
0xa: {  	[smem:$0x3F9F] =	sst s2  }
0xb: {  	[smem:$0x3FA0] =	sst s3  }
0xc: {  	[smem:$0x3FA1] =	sst s4  }
0xd: {  	[smem:$0x3FA2] =	sst s5  }
0xe: {  	[smem:$0x3FA3] =	sst s6  }
0xf: {  	[smem:$0x3FA4] =	sst s7  }
0x10: {  	[smem:$0x3FA5] =	sst s8  }
0x11: {  	[smem:$0x3FA6] =	sst s9;
	s0 =	simm.s32 @!p0 $0x0  }
0x12: {  	s1 =	sld [smem:$0x3F8C];
	s0 =	simm.s32 @p0 $0x1  }
0x13: {  	[smem:$0x3FA7] =	sst s0;
	s0 =	simm.s32 @!p1 $0x0  }
0x14: {  	s2 =	sld [smem:$0x3F8B];
	s0 =	simm.s32 @p1 $0x1  }
0x15: {  	[smem:$0x3FA8] =	sst s0;
	s0 =	simm.s32 @!p2 $0x0  }
0x16: {  	s3 =	sld [smem:$0x3FDB];
	s0 =	simm.s32 @p2 $0x1  }
0x17: {  	s4 =	simm.s32 $0x1BF5;
	[smem:$0x3FAA] =	sst s0  }
0x18: {  	s0 =	sld [smem:$0x3F8D];
	_ =	swait.ge [sflag:s4], $0x0  }
0x19: {  	s7 =	sld [smem:$0x3F8E]  }
0x1a: {  	s8 =	sadd.s32 $0xFFFFE003, lr  }
0x1b: {  	s9 =	sadd.s32 $0xFFFFFEF7, lr;
	s5 =	simm.s32 $0xFFFFFFFF;
	p2 =	slt.u32 s8, $0xFFFFF086  }
0x1c: {  	p1 =	slt.u32 s9, $0xF7A;
	s5 =	simm.s32 @!p2 $0x0  }
0x1d: {  	s5 =	simm.s32 @p1 $0x1;
	p0 =	seq.s32 s7, s2  }
0x1e: {  	s7 =	smul.u32 @!p0 $0xF7A, s2;
	p2 =	seq.s32 @!p0 s5, $0x0  }
0x1f: {  	s9 =	smul.u32 $0xF7A, s1;
	s8 =	simm.s32 @!p0 $0x1BF5;
	p2 =	por !p2, p0  }
0x20: {  	[sflag:s8] =	ssyncset.s32 @!p0 $0xFFFFF086;
	s6 =	sadd.s32 @!p0 s3, s7;
	s7 =	simm.s32 @!p0 $0x108  }
0x21: {  	s3 =	sadd.s32 s3, s9;
	s6 =	sadd.s32 @!p0 $0x88, s6;
	s7 =	simm.s32 @p2 $0x1082  }
0x22: {  	[simem:s7], [sflag:s8] =	dma.local @!p0 [hbm:s6], $0xF7A  }
0x23: {  	s9 =	sor.u32 $0xD0000000, s2;
	s6 =	simm.s32 $0x108;
	_ =	swait.ge @!p0 [sflag:s8], $0x0  }
0x24: {  	s3 =	sadd.s32 $0x88, s3;
	s6 =	simm.s32 @!p1 $0x1082;
	[sflag:s4] =	ssyncset.s32 $0xFFFFF086  }
0x25: {  	[simem:s6], [sflag:s4] =	dma.local [hbm:s3], $0xF7A  }
0x26: {  	[smem:$0x3F8E] =	sst s1;
	(tag) =	ssettag s2;
	_ =	strace s9  }
0x27: {  	s1 =	sld [smem:$0x3F9E]  }
0x28: {  	s2 =	sld [smem:$0x3F9F]  }
0x29: {  	s4 =	sld [smem:$0x3FA1]  }
0x2a: {  	p0 =	seq.s32 s5, $0x0;
	s5 =	sld [smem:$0x3FA2]  }
0x2b: {  	s6 =	sld [smem:$0x3FA3]  }
0x2c: {  	s7 =	sld [smem:$0x3FA4]  }
0x2d: {  	s3 =	simm.s32 $0x108;
	s8 =	sld [smem:$0x3FA5]  }
0x2e: {  	s3 =	simm.s32 @!p0 $0x1082;
	s9 =	sld [smem:$0x3FA6]  }
0x2f: {  	lr =	sadd.s32 s0, s3;
	s0 =	sld [smem:$0x3F9D]  }
0x30: {  	s3 =	sld [smem:$0x3FA0]  }
0x31: {  	[smem:$0x3FA9] =	sst s10  }
0x32: {  	s10 =	sld [smem:$0x3FA7];
	_ =	sdelay $0x3  }
0x33: {  	p0 =	seq.s32 s10, $0x1;
	s10 =	sld [smem:$0x3FA9];
	_ =	sdelay $0x3  }
0x34: {  	[smem:$0x3FA9] =	sst s10  }
0x35: {  	s10 =	sld [smem:$0x3FA8];
	_ =	sdelay $0x3  }
0x36: {  	p1 =	seq.s32 s10, $0x1;
	s10 =	sld [smem:$0x3FA9];
	_ =	sdelay $0x3  }
0x37: {  	[smem:$0x3FA9] =	sst s10  }
0x38: {  	s10 =	sld [smem:$0x3FAA]  }
0x39: {  	_ = 	snop;
	(pc) =	sbr.ind lr, $3  }
0x3a: {  	_ = 	snop  }
0x3b: {  	_ = 	snop  }
0x3c: {  	p2 =	seq.s32 s10, $0x1;
	s10 =	sld [smem:$0x3FA9]  }
0x3d: {  	_ =	shalt  }
0x3e: {  	_ =	shalt  }
0x3f: {  	_ =	shalt  }
0x40: {  	_ =	shalt  }
0x41: {  	_ =	shalt  }
0x42: {  	_ =	shalt  }
0x43: {  	_ =	shalt  }
0x44: {  	_ =	shalt  }
0x45: {  	_ =	shalt  }
0x46: {  	_ =	shalt  }
0x47: {  	_ =	shalt  }
0x48: {  	_ =	shalt  }
0x49: {  	_ =	shalt  }
0x4a: {  	_ =	shalt  }
0x4b: {  	_ =	shalt  }
0x4c: {  	_ =	shalt  }
0x4d: {  	_ =	shalt  }
0x4e: {  	_ =	shalt  }
0x4f: {  	_ =	shalt  }
0x50: {  	_ =	shalt  }
0x51: {  	_ =	shalt  }
0x52: {  	_ =	shalt  }
0x53: {  	_ =	shalt  }
0x54: {  	_ =	shalt  }
0x55: {  	_ =	shalt  }
0x56: {  	_ =	shalt  }
0x57: {  	_ =	shalt  }
0x58: {  	_ =	shalt  }
0x59: {  	_ =	shalt  }
0x5a: {  	_ =	shalt  }
0x5b: {  	_ =	shalt  }
0x5c: {  	_ =	shalt  }
0x5d: {  	_ =	shalt  }
0x5e: {  	_ =	shalt  }
0x5f: {  	_ =	shalt  }
0x60: {  	_ =	shalt  }
0x61: {  	_ =	shalt  }
0x62: {  	_ =	shalt  }
0x63: {  	_ =	shalt  }
0x64: {  	_ =	shalt  }
0x65: {  	_ =	shalt  }
0x66: {  	_ =	shalt  }
0x67: {  	_ =	shalt  }
0x68: {  	_ =	shalt  }
0x69: {  	_ =	shalt  }
0x6a: {  	_ =	shalt  }
0x6b: {  	_ =	shalt  }
0x6c: {  	_ =	shalt  }
0x6d: {  	_ =	shalt  }
0x6e: {  	_ =	shalt  }
0x6f: {  	_ =	shalt  }
0x70: {  	_ =	shalt  }
0x71: {  	_ =	shalt  }
0x72: {  	_ =	shalt  }
0x73: {  	_ =	shalt  }
0x74: {  	_ =	shalt  }
0x75: {  	_ =	shalt  }
0x76: {  	_ =	shalt  }
0x77: {  	_ =	shalt  }
0x78: {  	_ =	shalt  }
0x79: {  	_ =	shalt  }
0x7a: {  	_ =	shalt  }
0x7b: {  	_ =	shalt  }
0x7c: {  	_ =	shalt  }
0x7d: {  	_ =	shalt  }
0x7e: {  	_ =	shalt  }
0x7f: {  	_ =	shalt  }
0x80: {  	_ =	shalt  }
0x81: {  	_ =	shalt  }
0x82: {  	_ =	shalt  }
0x83: {  	_ =	shalt  }
0x84: {  	_ =	shalt  }
0x85: {  	_ =	shalt  }
0x86: {  	_ =	shalt  }
0x87: {  	_ =	shalt  }
.Lfunc_end0:
.L_simem_size_0:
called_computation.1_lowered:
.L_overlay_start_0:
0x88: {  	s2 =	sld [smem:$0x3FD9]  }
0x89: {  	s3 =	sld [smem:$0x3FFE];
	_ =	sdelay $0x1  }
0x8a: {  	s1 =	srdreg.scid  }
0x8b: {  	s0 =	sand.u32 $0x1, s1  }
0x8c: {  	s16 =	sshll.u32 s0, $0xA;
	s2 =	sadd.s32 s3, s2  }
0x8d: {  	s2 =	sadd.s32 s2, s16  }
0x8e: {  	[smem:$0x3FB5] =	sst s2  }
0x8f: {  	_ = 	snop  }
0x90: {  	(tm) =	ssettm $0x1  }
0x91: {  	s17 =	sld [smem:$0x3FFB];
	_ =	sdelay $0x3  }
0x92: {  	_ =	strace s17  }
0x93: {  	s2 =	sld [smem:$0x3FFC];
	_ =	sdelay $0x3  }
0x94: {  	_ =	strace s2  }
0x95: {  	s2 =	sld [smem:$0x3FFD];
	_ =	sdelay $0x3  }
0x96: {  	_ =	strace s2  }
0x97: {  	_ =	strace $0x8FFFFFFF  }
0x98: {  	s18 =	sld [smem:$0x3FDB];
	_ =	sdelay $0x1  }
0x99: {  	s19 =	simm.s32 $_scs_section_size  }
0x9a: {  	s4 =	simm.s32 $_size__tile_overlayer_lowered;
	s5 =	simm.s32 $_tile_overlayer_lowered  }
0x9b: {  	s22 =	simm.s32 $0x1BFF;
	s21 =	sshll.u32 s5, $0x1;
	s2 =	sadd.s32 s19, s18  }
0x9c: {  	s6 =	simm.s32 $0x0;
	s20 =	sshll.u32 s4, $0x1;
	s4 =	sadd.s32 s21, s2  }
0x9d: {  	[timem:s6], [sflag:s22] =	dma.local [hbm:s4], s20  }
0x9e: {  	_ =	swait.ge [sflag:s22], s20  }
0x9f: {  	s3 =	ssub.s32 $0x0, s20;
	[sflag:s22] =	ssyncset.done $0x0  }
0xa0: {  	[sflag:s22] =	ssyncadd.s32 s3;
	_ =	sdelay $0x1  }
0xa1: {  	s23 =	simm.s32 $0x1B8B  }
0xa2: {  	_ =	swait.ge [sflag:s23], $0x1  }
0xa3: {  	[sflag:s23] =	ssyncset.done $0x0  }
0xa4: {  	s25 =	simm.s32 $0x1B8E;
	s24 =	sld [smem:$0x3FFE];
	[sflag:s23] =	ssyncadd.s32 $0xFFFFFFFF  }
0xa5: {  	s26 =	simm.s32 $execute0_lowered;
	[smem:$0x3FD2] =	sst s25  }
0xa6: {  	s4 =	sshll.u32 s26, $0x1;
	_ =	strace $0x80000049;
	[dreg:$0x1] =	wrdreg $0xFFFFFFFF  }
0xa7: {  	s28 =	simm.s32 $_size_execute0_lowered;
	s2 =	sadd.s32 s2, s4;
	[dreg:$0x0] =	wrdreg $0x0  }
0xa8: {  	s4 =	sshll.u32 s28, $0x1;
	[dreg:$0x2] =	wrdreg s2  }
0xa9: {  	[dreg:$0x3] =	wrdreg s4  }
0xaa: {  	[dreg:$0x4] =	wrdreg $0xC0  }
0xab: {  	_ =	task [dreg:s6], $0x5FFFF  }
0xac: {  	[dreg:$0x1] =	wrdreg $0xFFFFFFFF  }
0xad: {  	[dreg:$0x0] =	wrdreg $0x60  }
0xae: {  	[dreg:$0x2] =	wrdreg s24  }
0xaf: {  	[dreg:$0x3] =	wrdreg $0x9  }
0xb0: {  	_ =	task.clear_ibuf [dreg:s6], $0x4FFFF;
	_ =	strace $0x90000049  }
0xb1: {  	s29 =	simm.s32 $0x9;
	_ =	strace $0x8000004B  }
0xb2: {  	_ =	swait.ge [sflag:s29], $0x1  }
0xb3: {  	[sflag:s29] =	ssyncadd.s32 $0xFFFFFFFF  }
0xb4: {  	_ =	strace $0x9000004B  }
0xb5: {  	_ =	sfence  }
0xb6: {  	s30 =	sld [smem:$0x0];
	_ =	sdelay $0x2  }
0xb7: {  	s31 =	sshll.u32 s1, $0xD;
	s1 =	sshrl.u32 s1, $0x2  }
0xb8: {  	s3 =	sand.u32 $0x4000, s31;
	s1 =	sadd.s32 s1, s30  }
0xb9: {  	s0 =	sor.u32 s3, s0;
	s1 =	sshll.u32 s1, $0x11  }
0xba: {  	s0 =	sor.u32 s1, s0  }
0xbb: {  	s0 =	sadd.s32 $0x8F2B, s0  }
0xbc: {  	[sflag:s0] =	ssyncadd.remote.s32 $0x1  }
0xbd: {  	_ =	sfence.sel $0xFFFF  }
0xbe: {  	[dreg:$0x0] =	wrdreg $0xFFFFFFFF;
	(pc) =	sbr.abs _section_cstart, $3  }
0xbf: {  	[dreg:$0x1] =	wrdreg $0xFFFFFFFF  }
0xc0: {  	_ =	task.clear_ibuf [dreg:s6], $0x2FFFF;
	_ =	strace $0x9FFFFFFF  }
0xc1: {  	(tm) =	ssettm $0x7FFFFFFF  }
tec
execute0_lowered:
.L_overlay_start_1:
0x0: {  	(tag) =	ssettag $0x1  }
0x1: {  	s10 =	rddreg [dreg:$0x0]  }
0x2: {  	s0 =	rddreg [dreg:$0x1];
	s2 =	simm.s32 $0x0  }
0x3: {  	s3 =	srdreg.scid;
	s1 =	stileid.u32;
	s14 =	simm.s32 $0x1  }
0x4: {  	s15 =	simm.s32 $0x80;
	s16 =	simm.s32 $0x400;
	s17 =	simm.s32 $0x13C00  }
0x5: {  	s18 =	simm.s32 $0x16780;
	s19 =	simm.s32 $0x16380;
	s20 =	simm.s32 $0x0  }
0x6: {  	[smem:$0x7FF] =	sst s2;
	s7 =	sand.u32 $0x1, s3;
	s29 =	sshll.u32 s1, $0x1  }
0x7: {  	s5 =	sshrl.u32 s1, $0x2;
	s4 =	sadd.s32 $0xE000, s10;
	_ =	strace $0x8000004A  }
0x8: {  	s3 =	sor.u32 s7, s29;
	s8 =	smul.u32 $0x13C00, s5;
	s5 =	sadd.s32 $0x9000, s10  }
0x9: {  	s7 =	ssub.s32 $0x2, s7;
	s6 =	sshll.u32 s3, $0x7;
	s9 =	smul.u32 $0x2780, s3  }
0xa: {  	s31 =	sshrl.u32 s7, $0x1;
	p0 =	seq.s32 s3, $0x1D;
	p1 =	sne.s32 s3, $0x1C  }
.Ltmp0:
0xb: {  	s11 =	sand.u32 $0x380, s6;
	s6 =	sadd.s32 $0x35200, s10;
	(pc) =	sbr.rel .LBB2_1-.Ltmp0, $4  }
0xc: {  	s13 =	ssub.s32 s7, s31;
	s7 =	sadd.s32 $0xDE10, s10;
	s8 =	sor.u32 s8, s11  }
0xd: {  	s30 =	sadd.s32 s9, s10;
	s9 =	sadd.s32 $0xDE00, s10;
	s8 =	sshrl.u32 s8, $0x3  }
0xe: {  	s13 =	smax.u32 s13, $0x1;
	s11 =	sadd.s32 $0x37A00, s30;
	s12 =	sadd.s32 s8, s10  }
0xf: {  	v0 =	vimm.f32 $1.000000000e+00;
	s8 =	sadd.s32 $0x35080, s10;
	s10 =	sadd.s32 $0x35000, s10;
	s12 =	sadd.s32 $0x86A00, s12  }
.LBB2_15:
0x10: {  	[hbm4b:s11+s2] =	stream.linear.scatter [tilespmem:s2], [sflag:$0x1], $0x13C00, $0x38;
	[tilespmem:$0x18780] =	vst v63  }
0x11: {  	s20 =	sadd.s32 $0x1, s20;
	_ =	swait.ge [sflag:s14], $0x13C00  }
0x12: {  	p2 =	sne.s32 s20, s13;
	[sflag:s14] =	ssyncset.done $0x0  }
.Ltmp1:
0x13: {  	[sflag:s14] =	ssyncadd.s32 $0xFFFEC400;
	(pc) =	sbr.rel @!p2 .LBB2_16-.Ltmp1, $4  }
0x14: {  	[hbm4b:s12+s15] =	stream.strided.scatter [tilespmem:s17], [sflag:$0x1], $0x2780, s16, s15, $0x38;
	[tilespmem:$0x18780] =	vst v63  }
0x15: {  	_ =	swait.ge [sflag:s14], $0x2780  }
0x16: {  	[sflag:s14] =	ssyncset.done $0x0  }
0x17: {  	[sflag:s14] =	ssyncadd.s32 $0xFFFFD880  }
.LBB2_1:
0x18: {  	[tilespmem:s2], [sflag:$0x1] =	stream.linear.gather [hbm4b:s6+s2], $0x13C00, $0x38;
	[tilespmem:$0x18780] =	vst v63  }
0x19: {  	_ =	swait.ge [sflag:s14], $0x13C00  }
0x1a: {  	[sflag:s14] =	ssyncset.done $0x0  }
.Ltmp2:
0x1b: {  	[sflag:s14] =	ssyncadd.s32 $0xFFFEC400;
	(pc) =	sbr.rel .LBB2_2-.Ltmp2, $4  }
0x1c: {  	[tilespmem:s17], [sflag:$0x1] =	stream.strided.gather [hbm4b:s6+s15], $0x2780, s16, s15, $0x38;
	[tilespmem:$0x18780] =	vst v63  }
0x1d: {  	_ =	swait.ge [sflag:s14], $0x2780  }
0x1e: {  	[sflag:s14] =	ssyncset.done $0x0  }
0x1f: {  	s21 =	simm.s32 $0x0;
	[sflag:s14] =	ssyncadd.s32 $0xFFFFD880  }
.LBB2_6:
0x20: {  	s21 =	sadd.s32 $0x1, s21  }
0x21: {  	p2 =	sne.s32 s21, $0x5  }
.Ltmp3:
0x22: {  	_ = 	snop;
	(pc) =	sbr.rel @!p2 .LBB2_7-.Ltmp3, $1  }
0x23: {  	_ =	sdelay $0x3  }
.LBB2_2:
0x24: {  	s22 =	sshll.u32 s21, $0x5  }
0x25: {  	s24 =	sor.u32 s3, s22  }
0x26: {  	p2 =	sgt.u32 s24, $0x9B  }
.Ltmp4:
0x27: {  	_ = 	snop;
	(pc) =	sbr.rel @p2 .LBB2_6-.Ltmp4, $1  }
0x28: {  	_ =	sdelay $0x3  }
0x29: {  	s22 =	sshll.u32 s24, $0x7  }
0x2a: {  	s23 =	simm.s32 $0x16380;
	s25 =	sadd.s32 s5, s22;
	s22 =	simm.s32 $0x0  }
0x2b: {  	[tilespmem:s23], [sflag:$0x1] =	stream.linear.gather [hbm4b:s25+s22], $0x400, $0x38;
	[tilespmem:$0x18780] =	vst v63  }
0x2c: {  	_ =	swait.ge [sflag:s14], $0x400  }
0x2d: {  	s26 =	sshll.u32 s24, $0xA;
	[sflag:s14] =	ssyncset.done $0x0  }
0x2e: {  	s24 =	sadd.s32 s4, s26;
	[sflag:s14] =	ssyncadd.s32 $0xFFFFFC00  }
0x2f: {  	[tilespmem:s18], [sflag:$0x1] =	stream.linear.gather [hbm4b:s24+s22], $0x2000, $0x38;
	[tilespmem:$0x18780] =	vst v63  }
0x30: {  	_ =	swait.ge [sflag:s14], $0x2000  }
0x31: {  	[sflag:s14] =	ssyncset.done $0x0  }
0x32: {  	[sflag:s14] =	ssyncadd.s32 $0xFFFFE000  }
0x33: {  	v1 =	vld [tilespmem:s23+$0x0];
	_ =	sdelay $0x6  }
0x34: {  	s28 =	sand.u32 $0x70, s22;
	s29 =	sand.u32 $0x1C00, s22;
	v2 =	vshll.u32 v1, $0x3  }
0x35: {  	s24 =	sor.u32 s28, s29;
	v3 =	vand.u32 $0x7F, v1;
	v2 =	vand.u32 $0xFFFFFC00, v2;
	[tilespmem:v1+s17+$0x0] =	vst.idx.add.f32.msk $0xffff, v0  }
0x36: {  	v2 =	vor.u32 v3, v2;
	v1 =	vld [tilespmem:s24+$0x16780];
	_ =	sdelay $0x4  }
0x37: {  	s24 =	sadd.s32 $0x16780, s24;
	[tilespmem:v2+s2+$0x0] =	vst.idx.add.f32.msk $0xffff, v1  }
0x38: {  	v3 =	vor.u32 $0x80, v2;
	v1 =	vld [tilespmem:s24+$0x80];
	_ =	sdelay $0x4  }
0x39: {  	[tilespmem:v3+s2+$0x0] =	vst.idx.add.f32.msk $0xffff, v1  }
0x3a: {  	v3 =	vor.u32 $0x100, v2;
	v1 =	vld [tilespmem:s24+$0x100];
	_ =	sdelay $0x4  }
0x3b: {  	[tilespmem:v3+s2+$0x0] =	vst.idx.add.f32.msk $0xffff, v1  }
0x3c: {  	v3 =	vor.u32 $0x180, v2;
	v1 =	vld [tilespmem:s24+$0x180];
	_ =	sdelay $0x4  }
0x3d: {  	[tilespmem:v3+s2+$0x0] =	vst.idx.add.f32.msk $0xffff, v1  }
0x3e: {  	v3 =	vor.u32 $0x200, v2;
	v1 =	vld [tilespmem:s24+$0x200];
	_ =	sdelay $0x4  }
0x3f: {  	[tilespmem:v3+s2+$0x0] =	vst.idx.add.f32.msk $0xffff, v1  }
0x40: {  	v3 =	vor.u32 $0x280, v2;
	v1 =	vld [tilespmem:s24+$0x280];
	_ =	sdelay $0x4  }
0x41: {  	[tilespmem:v3+s2+$0x0] =	vst.idx.add.f32.msk $0xffff, v1  }
0x42: {  	v3 =	vor.u32 $0x300, v2;
	v1 =	vld [tilespmem:s24+$0x300];
	_ =	sdelay $0x3  }
0x43: {  	s30 =	sor.u32 s22, s22  }
0x44: {  	s31 =	sor.u32 $0x380, s30;
	[tilespmem:v3+s2+$0x0] =	vst.idx.add.f32.msk $0xffff, v1  }
0x45: {  	v2 =	vor.u32 $0x380, v2;
	s24 =	simm.s32 $0x10;
	v1 =	vld [tilespmem:s31+$0x16780]  }
.LBB2_4:
0x46: {  	_ =	sdelay $0x3  }
0x47: {  	p2 =	sne.s32 s24, $0x3F0;
	s22 =	sadd.s32 $0x80, s22;
	s23 =	sadd.s32 $0x10, s23;
	[tilespmem:v2+s2+$0x0] =	vst.idx.add.f32.msk $0xffff, v1  }
0x48: {  	s25 =	smov.u32 s24;
	s24 =	sadd.s32 $0x10, s24;
	v1 =	vld [tilespmem:s23+$0x0];
	_ =	sdelay $0x4  }
0x49: {  	v2 =	vshll.u32 v1, $0x3  }
0x4a: {  	v2 =	vand.u32 $0xFFFFFC00, v2  }
0x4b: {  	s26 =	sand.u32 $0x70, s25;
	s28 =	sand.u32 $0x1C00, s22  }
0x4c: {  	s26 =	sor.u32 s26, s28;
	v3 =	vand.u32 $0x7F, v1;
	[tilespmem:v1+s17+$0x0] =	vst.idx.add.f32.msk $0xffff, v0  }
0x4d: {  	v2 =	vor.u32 v3, v2;
	v1 =	vld [tilespmem:s26+$0x16780];
	_ =	sdelay $0x4  }
0x4e: {  	s26 =	sadd.s32 $0x16780, s26;
	[tilespmem:v2+s2+$0x0] =	vst.idx.add.f32.msk $0xffff, v1  }
0x4f: {  	v3 =	vor.u32 $0x80, v2;
	v1 =	vld [tilespmem:s26+$0x80];
	_ =	sdelay $0x4  }
0x50: {  	[tilespmem:v3+s2+$0x0] =	vst.idx.add.f32.msk $0xffff, v1  }
0x51: {  	v3 =	vor.u32 $0x100, v2;
	v1 =	vld [tilespmem:s26+$0x100];
	_ =	sdelay $0x4  }
0x52: {  	[tilespmem:v3+s2+$0x0] =	vst.idx.add.f32.msk $0xffff, v1  }
0x53: {  	v3 =	vor.u32 $0x180, v2;
	v1 =	vld [tilespmem:s26+$0x180];
	_ =	sdelay $0x4  }
0x54: {  	[tilespmem:v3+s2+$0x0] =	vst.idx.add.f32.msk $0xffff, v1  }
0x55: {  	v3 =	vor.u32 $0x200, v2;
	v1 =	vld [tilespmem:s26+$0x200];
	_ =	sdelay $0x4  }
0x56: {  	[tilespmem:v3+s2+$0x0] =	vst.idx.add.f32.msk $0xffff, v1  }
0x57: {  	v3 =	vor.u32 $0x280, v2;
	v1 =	vld [tilespmem:s26+$0x280];
	_ =	sdelay $0x4  }
0x58: {  	[tilespmem:v3+s2+$0x0] =	vst.idx.add.f32.msk $0xffff, v1  }
0x59: {  	v3 =	vor.u32 $0x300, v2;
	v1 =	vld [tilespmem:s26+$0x300];
	_ =	sdelay $0x1  }
.Ltmp5:
0x5a: {  	(pc) =	sbr.rel @p2 .LBB2_4-.Ltmp5, $4  }
0x5b: {  	_ = 	snop  }
0x5c: {  	s25 =	sor.u32 s22, s25  }
0x5d: {  	s25 =	sor.u32 $0x380, s25;
	[tilespmem:v3+s2+$0x0] =	vst.idx.add.f32.msk $0xffff, v1  }
0x5e: {  	v2 =	vor.u32 $0x380, v2;
	v1 =	vld [tilespmem:s25+$0x16780]  }
.Ltmp6:
0x5f: {  	_ = 	snop;
	(pc) =	sbr.rel .LBB2_6-.Ltmp6, $2  }
0x60: {  	_ =	sdelay $0x2  }
0x61: {  	[tilespmem:v2+s2+$0x0] =	vst.idx.add.f32.msk $0xffff, v1  }
.LBB2_7:
.Ltmp7:
0x62: {  	(pc) =	sbr.rel @p0 .LBB2_12-.Ltmp7, $1  }
0x63: {  	_ =	sdelay $0x3  }
.Ltmp8:
0x64: {  	(pc) =	sbr.rel @p1 .LBB2_15-.Ltmp8, $1  }
0x65: {  	_ =	sdelay $0x3  }
0x66: {  	s21 =	simm.s32 $0x0  }
0x67: {  	[tilespmem:s19], [sflag:$0x1] =	stream.linear.gather [hbm4b:s9+s21], $0x80, $0x38;
	[tilespmem:$0x18780] =	vst v63  }
0x68: {  	_ =	swait.ge [sflag:s14], $0x80  }
0x69: {  	[sflag:s14] =	ssyncset.done $0x0  }
0x6a: {  	[sflag:s14] =	ssyncadd.s32 $0xFFFFFF80  }
0x6b: {  	[tilespmem:s18], [sflag:$0x1] =	stream.linear.gather [hbm4b:s10+s21], $0x400, $0x38;
	[tilespmem:$0x18780] =	vst v63  }
0x6c: {  	_ =	swait.ge [sflag:s14], $0x400  }
0x6d: {  	[sflag:s14] =	ssyncset.done $0x0  }
0x6e: {  	s23 =	simm.s32 $0x0;
	[sflag:s14] =	ssyncadd.s32 $0xFFFFFC00  }
0x6f: {  	v1 =	vld [tilespmem:s23+$0x16380];
	_ =	sdelay $0x6  }
0x70: {  	v2 =	vshll.u32 v1, $0x3  }
0x71: {  	v3 =	vand.u32 $0x7F, v1;
	v2 =	vand.u32 $0xFFFFFC00, v2;
	[tilespmem:v1+s17+$0x0] =	vst.idx.add.f32.msk $0xffff, v0  }
0x72: {  	v2 =	vor.u32 v3, v2;
	v1 =	vld [tilespmem:s23+$0x16780];
	_ =	sdelay $0x4  }
0x73: {  	[tilespmem:v2+s2+$0x0] =	vst.idx.add.f32.msk $0xffff, v1  }
0x74: {  	v3 =	vor.u32 $0x80, v2;
	v1 =	vld [tilespmem:s23+$0x16800];
	_ =	sdelay $0x4  }
0x75: {  	[tilespmem:v3+s2+$0x0] =	vst.idx.add.f32.msk $0xffff, v1  }
0x76: {  	v3 =	vor.u32 $0x100, v2;
	v1 =	vld [tilespmem:s23+$0x16880];
	_ =	sdelay $0x4  }
0x77: {  	[tilespmem:v3+s2+$0x0] =	vst.idx.add.f32.msk $0xffff, v1  }
0x78: {  	v3 =	vor.u32 $0x180, v2;
	v1 =	vld [tilespmem:s23+$0x16900];
	_ =	sdelay $0x4  }
0x79: {  	[tilespmem:v3+s2+$0x0] =	vst.idx.add.f32.msk $0xffff, v1  }
0x7a: {  	v3 =	vor.u32 $0x200, v2;
	v1 =	vld [tilespmem:s23+$0x16980];
	_ =	sdelay $0x4  }
0x7b: {  	[tilespmem:v3+s2+$0x0] =	vst.idx.add.f32.msk $0xffff, v1  }
0x7c: {  	v3 =	vor.u32 $0x280, v2;
	v1 =	vld [tilespmem:s23+$0x16A00];
	_ =	sdelay $0x4  }
0x7d: {  	[tilespmem:v3+s2+$0x0] =	vst.idx.add.f32.msk $0xffff, v1  }
0x7e: {  	v3 =	vor.u32 $0x300, v2;
	v1 =	vld [tilespmem:s23+$0x16A80];
	_ =	sdelay $0x4  }
0x7f: {  	[tilespmem:v3+s2+$0x0] =	vst.idx.add.f32.msk $0xffff, v1  }
0x80: {  	s22 =	simm.s32 $0x80;
	s21 =	simm.s32 $0x40;
	v2 =	vor.u32 $0x380, v2;
	v1 =	vld [tilespmem:s23+$0x16B00]  }
.LBB2_10:
0x81: {  	_ =	sdelay $0x2  }
0x82: {  	p2 =	seq.s32 s22, $0x1C0  }
0x83: {  	s23 =	sshra.s32 s21, $0x2;
	s21 =	smov.u32 s22;
	s22 =	sadd.s32 $0x40, s22;
	[tilespmem:v2+s2+$0x0] =	vst.idx.add.f32.msk $0xffff, v1  }
0x84: {  	v1 =	vld [tilespmem:s23+$0x16380];
	_ =	sdelay $0x4  }
0x85: {  	v2 =	vshll.u32 v1, $0x3  }
0x86: {  	v2 =	vand.u32 $0xFFFFFC00, v2;
	_ =	sdelay $0x1  }
0x87: {  	v3 =	vand.u32 $0x7F, v1;
	[tilespmem:v1+s17+$0x0] =	vst.idx.add.f32.msk $0xffff, v0  }
0x88: {  	v2 =	vor.u32 v3, v2;
	v1 =	vld [tilespmem:s23+$0x16780];
	_ =	sdelay $0x4  }
0x89: {  	[tilespmem:v2+s2+$0x0] =	vst.idx.add.f32.msk $0xffff, v1  }
0x8a: {  	v3 =	vor.u32 $0x80, v2;
	v1 =	vld [tilespmem:s23+$0x16800];
	_ =	sdelay $0x4  }
0x8b: {  	[tilespmem:v3+s2+$0x0] =	vst.idx.add.f32.msk $0xffff, v1  }
0x8c: {  	v3 =	vor.u32 $0x100, v2;
	v1 =	vld [tilespmem:s23+$0x16880];
	_ =	sdelay $0x4  }
0x8d: {  	[tilespmem:v3+s2+$0x0] =	vst.idx.add.f32.msk $0xffff, v1  }
0x8e: {  	v3 =	vor.u32 $0x180, v2;
	v1 =	vld [tilespmem:s23+$0x16900];
	_ =	sdelay $0x4  }
0x8f: {  	[tilespmem:v3+s2+$0x0] =	vst.idx.add.f32.msk $0xffff, v1  }
0x90: {  	v3 =	vor.u32 $0x200, v2;
	v1 =	vld [tilespmem:s23+$0x16980];
	_ =	sdelay $0x4  }
0x91: {  	[tilespmem:v3+s2+$0x0] =	vst.idx.add.f32.msk $0xffff, v1  }
0x92: {  	v3 =	vor.u32 $0x280, v2;
	v1 =	vld [tilespmem:s23+$0x16A00];
	_ =	sdelay $0x4  }
0x93: {  	[tilespmem:v3+s2+$0x0] =	vst.idx.add.f32.msk $0xffff, v1  }
0x94: {  	v3 =	vor.u32 $0x300, v2;
	v1 =	vld [tilespmem:s23+$0x16A80];
	_ =	sdelay $0x1  }
.Ltmp9:
0x95: {  	(pc) =	sbr.rel @!p2 .LBB2_10-.Ltmp9, $3  }
0x96: {  	_ =	sdelay $0x1  }
0x97: {  	[tilespmem:v3+s2+$0x0] =	vst.idx.add.f32.msk $0xffff, v1  }
0x98: {  	v2 =	vor.u32 $0x380, v2;
	v1 =	vld [tilespmem:s23+$0x16B00]  }
0x99: {  	_ =	sdelay $0x3  }
0x9a: {  	s21 =	sshra.s32 s21, $0x2;
	[tilespmem:v2+s2+$0x0] =	vst.idx.add.f32.msk $0xffff, v1  }
0x9b: {  	v1 =	vld [tilespmem:s21+$0x16380];
	_ =	sdelay $0x6  }
0x9c: {  	v2 =	vshll.u32 v1, $0x3  }
0x9d: {  	v3 =	vand.u32 $0x7F, v1;
	v2 =	vand.u32 $0xFFFFFC00, v2;
	[tilespmem:v1+s17+$0x0] =	vst.idx.add.f32.msk $0xffff, v0  }
0x9e: {  	v2 =	vor.u32 v3, v2;
	v1 =	vld [tilespmem:s21+$0x16780];
	_ =	sdelay $0x4  }
0x9f: {  	[tilespmem:v2+s2+$0x0] =	vst.idx.add.f32.msk $0xffff, v1  }
0xa0: {  	v3 =	vor.u32 $0x80, v2;
	v1 =	vld [tilespmem:s21+$0x16800];
	_ =	sdelay $0x4  }
0xa1: {  	[tilespmem:v3+s2+$0x0] =	vst.idx.add.f32.msk $0xffff, v1  }
0xa2: {  	v3 =	vor.u32 $0x100, v2;
	v1 =	vld [tilespmem:s21+$0x16880];
	_ =	sdelay $0x4  }
0xa3: {  	[tilespmem:v3+s2+$0x0] =	vst.idx.add.f32.msk $0xffff, v1  }
0xa4: {  	v3 =	vor.u32 $0x180, v2;
	v1 =	vld [tilespmem:s21+$0x16900];
	_ =	sdelay $0x4  }
0xa5: {  	[tilespmem:v3+s2+$0x0] =	vst.idx.add.f32.msk $0xffff, v1  }
0xa6: {  	v3 =	vor.u32 $0x200, v2;
	v1 =	vld [tilespmem:s21+$0x16980];
	_ =	sdelay $0x4  }
0xa7: {  	[tilespmem:v3+s2+$0x0] =	vst.idx.add.f32.msk $0xffff, v1  }
0xa8: {  	v3 =	vor.u32 $0x280, v2;
	v1 =	vld [tilespmem:s21+$0x16A00];
	_ =	sdelay $0x4  }
0xa9: {  	[tilespmem:v3+s2+$0x0] =	vst.idx.add.f32.msk $0xffff, v1  }
0xaa: {  	v3 =	vor.u32 $0x300, v2;
	v1 =	vld [tilespmem:s21+$0x16A80];
	_ =	sdelay $0x4  }
0xab: {  	[tilespmem:v3+s2+$0x0] =	vst.idx.add.f32.msk $0xffff, v1  }
0xac: {  	v2 =	vor.u32 $0x380, v2;
	v1 =	vld [tilespmem:s21+$0x16B00]  }
.Ltmp10:
0xad: {  	_ = 	snop;
	(pc) =	sbr.rel .LBB2_15-.Ltmp10, $2  }
0xae: {  	_ =	sdelay $0x2  }
0xaf: {  	[tilespmem:v2+s2+$0x0] =	vst.idx.add.f32.msk $0xffff, v1  }
.LBB2_12:
0xb0: {  	s21 =	simm.s32 $0x0  }
0xb1: {  	[tilespmem:s19], [sflag:$0x1] =	stream.linear.gather [hbm4b:s7+s21], $0x80, $0x38;
	[tilespmem:$0x18780] =	vst v63  }
0xb2: {  	_ =	swait.ge [sflag:s14], $0x80  }
0xb3: {  	[sflag:s14] =	ssyncset.done $0x0  }
0xb4: {  	[sflag:s14] =	ssyncadd.s32 $0xFFFFFF80  }
0xb5: {  	[tilespmem:s18], [sflag:$0x1] =	stream.linear.gather [hbm4b:s8+s21], $0x400, $0x38;
	[tilespmem:$0x18780] =	vst v63  }
0xb6: {  	_ =	swait.ge [sflag:s14], $0x400  }
0xb7: {  	[sflag:s14] =	ssyncset.done $0x0  }
0xb8: {  	s23 =	simm.s32 $0x0;
	[sflag:s14] =	ssyncadd.s32 $0xFFFFFC00  }
0xb9: {  	v1 =	vld [tilespmem:s23+$0x16380];
	_ =	sdelay $0x6  }
0xba: {  	v2 =	vshll.u32 v1, $0x3  }
0xbb: {  	v3 =	vand.u32 $0x7F, v1;
	v2 =	vand.u32 $0xFFFFFC00, v2;
	[tilespmem:v1+s17+$0x0] =	vst.idx.add.f32.msk $0xffff, v0  }
0xbc: {  	v2 =	vor.u32 v3, v2;
	v1 =	vld [tilespmem:s23+$0x16780];
	_ =	sdelay $0x4  }
0xbd: {  	[tilespmem:v2+s2+$0x0] =	vst.idx.add.f32.msk $0xffff, v1  }
0xbe: {  	v3 =	vor.u32 $0x80, v2;
	v1 =	vld [tilespmem:s23+$0x16800];
	_ =	sdelay $0x4  }
0xbf: {  	[tilespmem:v3+s2+$0x0] =	vst.idx.add.f32.msk $0xffff, v1  }
0xc0: {  	v3 =	vor.u32 $0x100, v2;
	v1 =	vld [tilespmem:s23+$0x16880];
	_ =	sdelay $0x4  }
0xc1: {  	[tilespmem:v3+s2+$0x0] =	vst.idx.add.f32.msk $0xffff, v1  }
0xc2: {  	v3 =	vor.u32 $0x180, v2;
	v1 =	vld [tilespmem:s23+$0x16900];
	_ =	sdelay $0x4  }
0xc3: {  	[tilespmem:v3+s2+$0x0] =	vst.idx.add.f32.msk $0xffff, v1  }
0xc4: {  	v3 =	vor.u32 $0x200, v2;
	v1 =	vld [tilespmem:s23+$0x16980];
	_ =	sdelay $0x4  }
0xc5: {  	[tilespmem:v3+s2+$0x0] =	vst.idx.add.f32.msk $0xffff, v1  }
0xc6: {  	v3 =	vor.u32 $0x280, v2;
	v1 =	vld [tilespmem:s23+$0x16A00];
	_ =	sdelay $0x4  }
0xc7: {  	[tilespmem:v3+s2+$0x0] =	vst.idx.add.f32.msk $0xffff, v1  }
0xc8: {  	v3 =	vor.u32 $0x300, v2;
	v1 =	vld [tilespmem:s23+$0x16A80];
	_ =	sdelay $0x4  }
0xc9: {  	[tilespmem:v3+s2+$0x0] =	vst.idx.add.f32.msk $0xffff, v1  }
0xca: {  	s22 =	simm.s32 $0x80;
	s21 =	simm.s32 $0x40;
	v2 =	vor.u32 $0x380, v2;
	v1 =	vld [tilespmem:s23+$0x16B00]  }
.LBB2_13:
0xcb: {  	_ =	sdelay $0x2  }
0xcc: {  	p2 =	sne.s32 s22, $0x1C0  }
0xcd: {  	s23 =	sshra.s32 s21, $0x2;
	s21 =	smov.u32 s22;
	s22 =	sadd.s32 $0x40, s22;
	[tilespmem:v2+s2+$0x0] =	vst.idx.add.f32.msk $0xffff, v1  }
0xce: {  	v1 =	vld [tilespmem:s23+$0x16380];
	_ =	sdelay $0x4  }
0xcf: {  	v2 =	vshll.u32 v1, $0x3  }
0xd0: {  	v2 =	vand.u32 $0xFFFFFC00, v2;
	_ =	sdelay $0x1  }
0xd1: {  	v3 =	vand.u32 $0x7F, v1;
	[tilespmem:v1+s17+$0x0] =	vst.idx.add.f32.msk $0xffff, v0  }
0xd2: {  	v2 =	vor.u32 v3, v2;
	v1 =	vld [tilespmem:s23+$0x16780];
	_ =	sdelay $0x4  }
0xd3: {  	[tilespmem:v2+s2+$0x0] =	vst.idx.add.f32.msk $0xffff, v1  }
0xd4: {  	v3 =	vor.u32 $0x80, v2;
	v1 =	vld [tilespmem:s23+$0x16800];
	_ =	sdelay $0x4  }
0xd5: {  	[tilespmem:v3+s2+$0x0] =	vst.idx.add.f32.msk $0xffff, v1  }
0xd6: {  	v3 =	vor.u32 $0x100, v2;
	v1 =	vld [tilespmem:s23+$0x16880];
	_ =	sdelay $0x4  }
0xd7: {  	[tilespmem:v3+s2+$0x0] =	vst.idx.add.f32.msk $0xffff, v1  }
0xd8: {  	v3 =	vor.u32 $0x180, v2;
	v1 =	vld [tilespmem:s23+$0x16900];
	_ =	sdelay $0x4  }
0xd9: {  	[tilespmem:v3+s2+$0x0] =	vst.idx.add.f32.msk $0xffff, v1  }
0xda: {  	v3 =	vor.u32 $0x200, v2;
	v1 =	vld [tilespmem:s23+$0x16980];
	_ =	sdelay $0x4  }
0xdb: {  	[tilespmem:v3+s2+$0x0] =	vst.idx.add.f32.msk $0xffff, v1  }
0xdc: {  	v3 =	vor.u32 $0x280, v2;
	v1 =	vld [tilespmem:s23+$0x16A00];
	_ =	sdelay $0x4  }
0xdd: {  	[tilespmem:v3+s2+$0x0] =	vst.idx.add.f32.msk $0xffff, v1  }
0xde: {  	v3 =	vor.u32 $0x300, v2;
	v1 =	vld [tilespmem:s23+$0x16A80];
	_ =	sdelay $0x1  }
.Ltmp11:
0xdf: {  	(pc) =	sbr.rel @p2 .LBB2_13-.Ltmp11, $3  }
0xe0: {  	_ =	sdelay $0x1  }
0xe1: {  	[tilespmem:v3+s2+$0x0] =	vst.idx.add.f32.msk $0xffff, v1  }
0xe2: {  	v2 =	vor.u32 $0x380, v2;
	v1 =	vld [tilespmem:s23+$0x16B00]  }
0xe3: {  	_ =	sdelay $0x3  }
0xe4: {  	s21 =	sshra.s32 s21, $0x2;
	[tilespmem:v2+s2+$0x0] =	vst.idx.add.f32.msk $0xffff, v1  }
0xe5: {  	v1 =	vld [tilespmem:s21+$0x16380];
	_ =	sdelay $0x6  }
0xe6: {  	v2 =	vshll.u32 v1, $0x3  }
0xe7: {  	v3 =	vand.u32 $0x7F, v1;
	v2 =	vand.u32 $0xFFFFFC00, v2;
	[tilespmem:v1+s17+$0x0] =	vst.idx.add.f32.msk $0xffff, v0  }
0xe8: {  	v2 =	vor.u32 v3, v2;
	v1 =	vld [tilespmem:s21+$0x16780];
	_ =	sdelay $0x4  }
0xe9: {  	[tilespmem:v2+s2+$0x0] =	vst.idx.add.f32.msk $0xffff, v1  }
0xea: {  	v3 =	vor.u32 $0x80, v2;
	v1 =	vld [tilespmem:s21+$0x16800];
	_ =	sdelay $0x4  }
0xeb: {  	[tilespmem:v3+s2+$0x0] =	vst.idx.add.f32.msk $0xffff, v1  }
0xec: {  	v3 =	vor.u32 $0x100, v2;
	v1 =	vld [tilespmem:s21+$0x16880];
	_ =	sdelay $0x4  }
0xed: {  	[tilespmem:v3+s2+$0x0] =	vst.idx.add.f32.msk $0xffff, v1  }
0xee: {  	v3 =	vor.u32 $0x180, v2;
	v1 =	vld [tilespmem:s21+$0x16900];
	_ =	sdelay $0x4  }
0xef: {  	[tilespmem:v3+s2+$0x0] =	vst.idx.add.f32.msk $0xffff, v1  }
0xf0: {  	v3 =	vor.u32 $0x200, v2;
	v1 =	vld [tilespmem:s21+$0x16980];
	_ =	sdelay $0x4  }
0xf1: {  	[tilespmem:v3+s2+$0x0] =	vst.idx.add.f32.msk $0xffff, v1  }
0xf2: {  	v3 =	vor.u32 $0x280, v2;
	v1 =	vld [tilespmem:s21+$0x16A00];
	_ =	sdelay $0x4  }
0xf3: {  	[tilespmem:v3+s2+$0x0] =	vst.idx.add.f32.msk $0xffff, v1  }
0xf4: {  	v3 =	vor.u32 $0x300, v2;
	v1 =	vld [tilespmem:s21+$0x16A80];
	_ =	sdelay $0x4  }
0xf5: {  	[tilespmem:v3+s2+$0x0] =	vst.idx.add.f32.msk $0xffff, v1  }
0xf6: {  	v2 =	vor.u32 $0x380, v2;
	v1 =	vld [tilespmem:s21+$0x16B00]  }
.Ltmp12:
0xf7: {  	_ = 	snop;
	(pc) =	sbr.rel .LBB2_15-.Ltmp12, $2  }
0xf8: {  	_ =	sdelay $0x2  }
0xf9: {  	[tilespmem:v2+s2+$0x0] =	vst.idx.add.f32.msk $0xffff, v1  }
.LBB2_16:
0xfa: {  	_ =	sfence.sel $0x180000  }
0xfb: {  	[bflag:$0x0] =	sbarrier.arrive $0xFFFF  }
0xfc: {  	p0 =	sne.s32 s1, $0x0;
	_ =	strace $0x9000004A  }
0xfd: {  	s0 =	sadd.s32 @!p0 $0x100000, s0;
	[bflag:$0x2] =	sbarrier.arrive $0xFFFF  }
0xfe: {  	[sflag:s0] =	ssyncadd.tile.s32 @!p0 $0x1;
	_ =	shalt  }
.Lfunc_end2:
_tile_overlayer_lowered:
.L_overlay_start_2:
0xff: {  	(tag) =	ssettag $0x2  }
0x100: {  	s0 =	rddreg [dreg:$0x0];
	s2 =	stileid.u32  }
0x101: {  	s1 =	rddreg [dreg:$0x1];
	p0 =	sne.s32 s2, $0x0  }
0x102: {  	s3 =	rddreg [dreg:$0x2];
	[bflag:$0x3] =	sbarrier.arrive $0xFFFF;
	s2 =	simm.s32 @!p0 $0x1C01  }
0x103: {  	[timem:s3], [sflag:s2] =	dma.local @!p0 [hbm:s0], s1  }
0x104: {  	s0 =	simm.s32 @!p0 $0x1  }
0x105: {  	_ =	swait.ge @!p0 [sflag:s0], s1  }
0x106: {  	s1 =	ssub.s32 @!p0 $0x0, s1;
	[sflag:s0] =	ssyncset.done @!p0 $0x0  }
0x107: {  	[sflag:s0] =	ssyncadd.s32 @!p0 s1  }
0x108: {  	[bflag:$0x3] =	sbarrier.arrive $0xFFFF  }
0x109: {  	_ =	shalt  }

// kernel: kernel.16.cloned.1.call-start
scs
__scs_entry_jumppad:
0x0: {  	(pc) =	sbr.rel $0x88, $3  }
0x1: {  	(tag) =	ssettag $0x0;
	lr =	simm.s32 $0x1  }
0x2: {  	[smem:$0x3F8E] =	sst lr;
	_ =	strace $0xD0000000  }
0x3: {  	_ = 	snop  }
0x4: {  	_ = 	snop  }
0x5: {  	_ = 	snop  }
0x6: {  	_ = 	snop  }
0x7: {  	_ = 	snop  }
__scs_overlays_trampoline_lowered:
0x8: {  	[smem:$0x3F9D] =	sst s0  }
0x9: {  	[smem:$0x3F9E] =	sst s1  }
0xa: {  	[smem:$0x3F9F] =	sst s2  }
0xb: {  	[smem:$0x3FA0] =	sst s3  }
0xc: {  	[smem:$0x3FA1] =	sst s4  }
0xd: {  	[smem:$0x3FA2] =	sst s5  }
0xe: {  	[smem:$0x3FA3] =	sst s6  }
0xf: {  	[smem:$0x3FA4] =	sst s7  }
0x10: {  	[smem:$0x3FA5] =	sst s8  }
0x11: {  	[smem:$0x3FA6] =	sst s9;
	s0 =	simm.s32 @!p0 $0x0  }
0x12: {  	s1 =	sld [smem:$0x3F8C];
	s0 =	simm.s32 @p0 $0x1  }
0x13: {  	[smem:$0x3FA7] =	sst s0;
	s0 =	simm.s32 @!p1 $0x0  }
0x14: {  	s2 =	sld [smem:$0x3F8B];
	s0 =	simm.s32 @p1 $0x1  }
0x15: {  	[smem:$0x3FA8] =	sst s0;
	s0 =	simm.s32 @!p2 $0x0  }
0x16: {  	s3 =	sld [smem:$0x3FDB];
	s0 =	simm.s32 @p2 $0x1  }
0x17: {  	s4 =	simm.s32 $0x1BF5;
	[smem:$0x3FAA] =	sst s0  }
0x18: {  	s0 =	sld [smem:$0x3F8D];
	_ =	swait.ge [sflag:s4], $0x0  }
0x19: {  	s7 =	sld [smem:$0x3F8E]  }
0x1a: {  	s8 =	sadd.s32 $0xFFFFE003, lr  }
0x1b: {  	s9 =	sadd.s32 $0xFFFFFEF7, lr;
	s5 =	simm.s32 $0xFFFFFFFF;
	p2 =	slt.u32 s8, $0xFFFFF086  }
0x1c: {  	p1 =	slt.u32 s9, $0xF7A;
	s5 =	simm.s32 @!p2 $0x0  }
0x1d: {  	s5 =	simm.s32 @p1 $0x1;
	p0 =	seq.s32 s7, s2  }
0x1e: {  	s7 =	smul.u32 @!p0 $0xF7A, s2;
	p2 =	seq.s32 @!p0 s5, $0x0  }
0x1f: {  	s9 =	smul.u32 $0xF7A, s1;
	s8 =	simm.s32 @!p0 $0x1BF5;
	p2 =	por !p2, p0  }
0x20: {  	[sflag:s8] =	ssyncset.s32 @!p0 $0xFFFFF086;
	s6 =	sadd.s32 @!p0 s3, s7;
	s7 =	simm.s32 @!p0 $0x108  }
0x21: {  	s3 =	sadd.s32 s3, s9;
	s6 =	sadd.s32 @!p0 $0x88, s6;
	s7 =	simm.s32 @p2 $0x1082  }
0x22: {  	[simem:s7], [sflag:s8] =	dma.local @!p0 [hbm:s6], $0xF7A  }
0x23: {  	s9 =	sor.u32 $0xD0000000, s2;
	s6 =	simm.s32 $0x108;
	_ =	swait.ge @!p0 [sflag:s8], $0x0  }
0x24: {  	s3 =	sadd.s32 $0x88, s3;
	s6 =	simm.s32 @!p1 $0x1082;
	[sflag:s4] =	ssyncset.s32 $0xFFFFF086  }
0x25: {  	[simem:s6], [sflag:s4] =	dma.local [hbm:s3], $0xF7A  }
0x26: {  	[smem:$0x3F8E] =	sst s1;
	(tag) =	ssettag s2;
	_ =	strace s9  }
0x27: {  	s1 =	sld [smem:$0x3F9E]  }
0x28: {  	s2 =	sld [smem:$0x3F9F]  }
0x29: {  	s4 =	sld [smem:$0x3FA1]  }
0x2a: {  	p0 =	seq.s32 s5, $0x0;
	s5 =	sld [smem:$0x3FA2]  }
0x2b: {  	s6 =	sld [smem:$0x3FA3]  }
0x2c: {  	s7 =	sld [smem:$0x3FA4]  }
0x2d: {  	s3 =	simm.s32 $0x108;
	s8 =	sld [smem:$0x3FA5]  }
0x2e: {  	s3 =	simm.s32 @!p0 $0x1082;
	s9 =	sld [smem:$0x3FA6]  }
0x2f: {  	lr =	sadd.s32 s0, s3;
	s0 =	sld [smem:$0x3F9D]  }
0x30: {  	s3 =	sld [smem:$0x3FA0]  }
0x31: {  	[smem:$0x3FA9] =	sst s10  }
0x32: {  	s10 =	sld [smem:$0x3FA7];
	_ =	sdelay $0x3  }
0x33: {  	p0 =	seq.s32 s10, $0x1;
	s10 =	sld [smem:$0x3FA9];
	_ =	sdelay $0x3  }
0x34: {  	[smem:$0x3FA9] =	sst s10  }
0x35: {  	s10 =	sld [smem:$0x3FA8];
	_ =	sdelay $0x3  }
0x36: {  	p1 =	seq.s32 s10, $0x1;
	s10 =	sld [smem:$0x3FA9];
	_ =	sdelay $0x3  }
0x37: {  	[smem:$0x3FA9] =	sst s10  }
0x38: {  	s10 =	sld [smem:$0x3FAA]  }
0x39: {  	_ = 	snop;
	(pc) =	sbr.ind lr, $3  }
0x3a: {  	_ = 	snop  }
0x3b: {  	_ = 	snop  }
0x3c: {  	p2 =	seq.s32 s10, $0x1;
	s10 =	sld [smem:$0x3FA9]  }
0x3d: {  	_ =	shalt  }
0x3e: {  	_ =	shalt  }
0x3f: {  	_ =	shalt  }
0x40: {  	_ =	shalt  }
0x41: {  	_ =	shalt  }
0x42: {  	_ =	shalt  }
0x43: {  	_ =	shalt  }
0x44: {  	_ =	shalt  }
0x45: {  	_ =	shalt  }
0x46: {  	_ =	shalt  }
0x47: {  	_ =	shalt  }
0x48: {  	_ =	shalt  }
0x49: {  	_ =	shalt  }
0x4a: {  	_ =	shalt  }
0x4b: {  	_ =	shalt  }
0x4c: {  	_ =	shalt  }
0x4d: {  	_ =	shalt  }
0x4e: {  	_ =	shalt  }
0x4f: {  	_ =	shalt  }
0x50: {  	_ =	shalt  }
0x51: {  	_ =	shalt  }
0x52: {  	_ =	shalt  }
0x53: {  	_ =	shalt  }
0x54: {  	_ =	shalt  }
0x55: {  	_ =	shalt  }
0x56: {  	_ =	shalt  }
0x57: {  	_ =	shalt  }
0x58: {  	_ =	shalt  }
0x59: {  	_ =	shalt  }
0x5a: {  	_ =	shalt  }
0x5b: {  	_ =	shalt  }
0x5c: {  	_ =	shalt  }
0x5d: {  	_ =	shalt  }
0x5e: {  	_ =	shalt  }
0x5f: {  	_ =	shalt  }
0x60: {  	_ =	shalt  }
0x61: {  	_ =	shalt  }
0x62: {  	_ =	shalt  }
0x63: {  	_ =	shalt  }
0x64: {  	_ =	shalt  }
0x65: {  	_ =	shalt  }
0x66: {  	_ =	shalt  }
0x67: {  	_ =	shalt  }
0x68: {  	_ =	shalt  }
0x69: {  	_ =	shalt  }
0x6a: {  	_ =	shalt  }
0x6b: {  	_ =	shalt  }
0x6c: {  	_ =	shalt  }
0x6d: {  	_ =	shalt  }
0x6e: {  	_ =	shalt  }
0x6f: {  	_ =	shalt  }
0x70: {  	_ =	shalt  }
0x71: {  	_ =	shalt  }
0x72: {  	_ =	shalt  }
0x73: {  	_ =	shalt  }
0x74: {  	_ =	shalt  }
0x75: {  	_ =	shalt  }
0x76: {  	_ =	shalt  }
0x77: {  	_ =	shalt  }
0x78: {  	_ =	shalt  }
0x79: {  	_ =	shalt  }
0x7a: {  	_ =	shalt  }
0x7b: {  	_ =	shalt  }
0x7c: {  	_ =	shalt  }
0x7d: {  	_ =	shalt  }
0x7e: {  	_ =	shalt  }
0x7f: {  	_ =	shalt  }
0x80: {  	_ =	shalt  }
0x81: {  	_ =	shalt  }
0x82: {  	_ =	shalt  }
0x83: {  	_ =	shalt  }
0x84: {  	_ =	shalt  }
0x85: {  	_ =	shalt  }
0x86: {  	_ =	shalt  }
0x87: {  	_ =	shalt  }
.Lfunc_end0:
.L_simem_size_0:
called_computation.2_lowered:
.L_overlay_start_0:
0x88: {  	s2 =	sld [smem:$0x3FD9]  }
0x89: {  	s3 =	sld [smem:$0x3FFE];
	_ =	sdelay $0x1  }
0x8a: {  	s1 =	srdreg.scid  }
0x8b: {  	s0 =	sand.u32 $0x1, s1  }
0x8c: {  	s16 =	sshll.u32 s0, $0xA;
	s2 =	sadd.s32 s3, s2  }
0x8d: {  	s2 =	sadd.s32 s2, s16  }
0x8e: {  	[smem:$0x3FB5] =	sst s2  }
0x8f: {  	_ = 	snop  }
0x90: {  	(tm) =	ssettm $0x1  }
0x91: {  	s17 =	sld [smem:$0x3FFB];
	_ =	sdelay $0x3  }
0x92: {  	_ =	strace s17  }
0x93: {  	s2 =	sld [smem:$0x3FFC];
	_ =	sdelay $0x3  }
0x94: {  	_ =	strace s2  }
0x95: {  	s2 =	sld [smem:$0x3FFD];
	_ =	sdelay $0x3  }
0x96: {  	_ =	strace s2  }
0x97: {  	_ =	strace $0x8FFFFFFF  }
0x98: {  	s18 =	sld [smem:$0x3FDB];
	_ =	sdelay $0x1  }
0x99: {  	s19 =	simm.s32 $_scs_section_size  }
0x9a: {  	s4 =	simm.s32 $_size__tile_overlayer_lowered;
	s5 =	simm.s32 $_tile_overlayer_lowered  }
0x9b: {  	s22 =	simm.s32 $0x1BFF;
	s21 =	sshll.u32 s5, $0x1;
	s2 =	sadd.s32 s19, s18  }
0x9c: {  	s6 =	simm.s32 $0x0;
	s20 =	sshll.u32 s4, $0x1;
	s4 =	sadd.s32 s21, s2  }
0x9d: {  	[timem:s6], [sflag:s22] =	dma.local [hbm:s4], s20  }
0x9e: {  	_ =	swait.ge [sflag:s22], s20  }
0x9f: {  	s3 =	ssub.s32 $0x0, s20;
	[sflag:s22] =	ssyncset.done $0x0  }
0xa0: {  	[sflag:s22] =	ssyncadd.s32 s3;
	_ =	sdelay $0x1  }
0xa1: {  	s23 =	simm.s32 $0x1B8B  }
0xa2: {  	_ =	swait.ge [sflag:s23], $0x1  }
0xa3: {  	[sflag:s23] =	ssyncset.done $0x0  }
0xa4: {  	s25 =	simm.s32 $0x1B8E;
	s24 =	sld [smem:$0x3FFE];
	[sflag:s23] =	ssyncadd.s32 $0xFFFFFFFF  }
0xa5: {  	s26 =	simm.s32 $execute0_lowered;
	[smem:$0x3FD2] =	sst s25  }
0xa6: {  	s4 =	sshll.u32 s26, $0x1;
	_ =	strace $0x8000004C;
	[dreg:$0x1] =	wrdreg $0xFFFFFFFF  }
0xa7: {  	s28 =	simm.s32 $_size_execute0_lowered;
	s2 =	sadd.s32 s2, s4;
	[dreg:$0x0] =	wrdreg $0x0  }
0xa8: {  	s4 =	sshll.u32 s28, $0x1;
	[dreg:$0x2] =	wrdreg s2  }
0xa9: {  	[dreg:$0x3] =	wrdreg s4  }
0xaa: {  	[dreg:$0x4] =	wrdreg $0xC0  }
0xab: {  	_ =	task [dreg:s6], $0x5FFFF  }
0xac: {  	[dreg:$0x1] =	wrdreg $0xFFFFFFFF  }
0xad: {  	[dreg:$0x0] =	wrdreg $0x60  }
0xae: {  	[dreg:$0x2] =	wrdreg s24  }
0xaf: {  	[dreg:$0x3] =	wrdreg $0x9  }
0xb0: {  	_ =	task.clear_ibuf [dreg:s6], $0x4FFFF;
	_ =	strace $0x9000004C  }
0xb1: {  	s29 =	simm.s32 $0x9;
	_ =	strace $0x8000004E  }
0xb2: {  	_ =	swait.ge [sflag:s29], $0x1  }
0xb3: {  	[sflag:s29] =	ssyncadd.s32 $0xFFFFFFFF  }
0xb4: {  	_ =	strace $0x9000004E  }
0xb5: {  	_ =	sfence  }
0xb6: {  	s30 =	sld [smem:$0x0];
	_ =	sdelay $0x2  }
0xb7: {  	s31 =	sshll.u32 s1, $0xD;
	s1 =	sshrl.u32 s1, $0x2  }
0xb8: {  	s3 =	sand.u32 $0x4000, s31;
	s1 =	sadd.s32 s1, s30  }
0xb9: {  	s0 =	sor.u32 s3, s0;
	s1 =	sshll.u32 s1, $0x11  }
0xba: {  	s0 =	sor.u32 s1, s0  }
0xbb: {  	s0 =	sadd.s32 $0x8F2B, s0  }
0xbc: {  	[sflag:s0] =	ssyncadd.remote.s32 $0x1  }
0xbd: {  	_ =	sfence.sel $0xFFFF  }
0xbe: {  	[dreg:$0x0] =	wrdreg $0xFFFFFFFF;
	(pc) =	sbr.abs _section_cstart, $3  }
0xbf: {  	[dreg:$0x1] =	wrdreg $0xFFFFFFFF  }
0xc0: {  	_ =	task.clear_ibuf [dreg:s6], $0x2FFFF;
	_ =	strace $0x9FFFFFFF  }
0xc1: {  	(tm) =	ssettm $0x7FFFFFFF  }
tec
execute0_lowered:
.L_overlay_start_1:
0x0: {  	(tag) =	ssettag $0x1  }
0x1: {  	s10 =	rddreg [dreg:$0x0]  }
0x2: {  	s0 =	rddreg [dreg:$0x1]  }
0x3: {  	s1 =	simm.s32 $0x0;
	s2 =	srdreg.scid;
	s12 =	simm.s32 $0x1  }
0x4: {  	s13 =	simm.s32 $0x2;
	s14 =	simm.s32 $0x14000;
	s15 =	simm.s32 $0x13C00  }
0x5: {  	s16 =	simm.s32 $0x0;
	[smem:$0x7FF] =	sst s1;
	s6 =	sand.u32 $0x1, s2  }
0x6: {  	s3 =	sadd.s32 $0xE000, s10;
	s2 =	stileid.u32;
	s4 =	sadd.s32 $0x4000, s10  }
.Ltmp0:
0x7: {  	s5 =	sadd.s32 $0x37A00, s10;
	s7 =	ssub.s32 $0x2, s6;
	(pc) =	sbr.rel .LBB2_1-.Ltmp0, $4  }
0x8: {  	_ =	strace $0x8000004D;
	s9 =	sshll.u32 s2, $0x1;
	s8 =	sshrl.u32 s7, $0x1  }
0x9: {  	s6 =	sor.u32 s6, s9;
	s9 =	sadd.s32 $0x8E00, s10;
	s11 =	ssub.s32 s7, s8  }
0xa: {  	s7 =	sadd.s32 $0x8E10, s10;
	s8 =	sadd.s32 $0x5EA80, s10;
	s10 =	sadd.s32 $0x5EA00, s10  }
0xb: {  	p0 =	seq.s32 s6, $0x1D;
	p1 =	sne.s32 s6, $0x1C;
	s11 =	smax.u32 s11, $0x1  }
.LBB2_15:
0xc: {  	[hbm4b:s17+s1] =	stream.linear.scatter [tilespmem:s14], [sflag:$0x1], $0x400, $0x38;
	[tilespmem:$0x16000] =	vst v63  }
0xd: {  	_ =	swait.ge [sflag:s12], $0x400  }
0xe: {  	[sflag:s12] =	ssyncset.done $0x0  }
0xf: {  	[sflag:s12] =	ssyncadd.s32 $0xFFFFFC00  }
.LBB2_16:
0x10: {  	s16 =	sadd.s32 $0x1, s16  }
0x11: {  	p2 =	sne.s32 s16, s11  }
.Ltmp1:
0x12: {  	_ = 	snop;
	(pc) =	sbr.rel @!p2 .LBB2_17-.Ltmp1, $1  }
0x13: {  	_ =	sdelay $0x3  }
.LBB2_1:
.Ltmp2:
0x14: {  	(pc) =	sbr.rel .LBB2_2-.Ltmp2, $4  }
0x15: {  	[tilespmem:s1], [sflag:$0x1] =	stream.linear.gather [hbm4b:s3+s1], $0x13C00, $0x38;
	[tilespmem:$0x16000] =	vst v63  }
0x16: {  	_ =	swait.ge [sflag:s12], $0x13C00  }
0x17: {  	[sflag:s12] =	ssyncset.done $0x0  }
0x18: {  	s17 =	simm.s32 $0x0;
	[sflag:s12] =	ssyncadd.s32 $0xFFFEC400  }
.LBB2_6:
0x19: {  	s17 =	sadd.s32 $0x1, s17  }
0x1a: {  	p2 =	sne.s32 s17, $0x5  }
.Ltmp3:
0x1b: {  	_ = 	snop;
	(pc) =	sbr.rel @!p2 .LBB2_7-.Ltmp3, $1  }
0x1c: {  	_ =	sdelay $0x3  }
.LBB2_2:
0x1d: {  	s18 =	sshll.u32 s17, $0x5  }
0x1e: {  	s18 =	sor.u32 s6, s18  }
0x1f: {  	p2 =	sgt.u32 s18, $0x9B  }
.Ltmp4:
0x20: {  	_ = 	snop;
	(pc) =	sbr.rel @p2 .LBB2_6-.Ltmp4, $1  }
0x21: {  	_ =	sdelay $0x3  }
0x22: {  	s19 =	sshll.u32 s18, $0x7  }
0x23: {  	s20 =	simm.s32 $0x13C00;
	s21 =	sadd.s32 s4, s19;
	s19 =	simm.s32 $0x0  }
0x24: {  	[tilespmem:s20], [sflag:$0x2] =	stream.linear.gather [hbm4b:s21+s19], $0x400, $0x38;
	[tilespmem:$0x16000] =	vst v63  }
0x25: {  	_ =	swait.ge [sflag:s13], $0x400  }
0x26: {  	[sflag:s13] =	ssyncset.done $0x0  }
0x27: {  	[sflag:s13] =	ssyncadd.s32 $0xFFFFFC00  }
0x28: {  	v0 =	vld [tilespmem:s20+$0x0];
	_ =	sdelay $0x4  }
0x29: {  	v1 =	vshll.u32 v0, $0x3  }
0x2a: {  	v0 =	vand.u32 $0x7F, v0;
	v1 =	vand.u32 $0xFFFFFC00, v1  }
0x2b: {  	v0 =	vor.u32 v0, v1;
	_ =	sdelay $0x4  }
0x2c: {  	v1 =	vld.idx.msk [tilespmem:v0+s1+$0x0], $0xffff  }
0x2d: {  	v2 =	vor.u32 $0x80, v0;
	_ =	sdelay $0x1  }
0x2e: {  	s30 =	sand.u32 $0x70, s19;
	s22 =	sand.u32 $0x1C00, s19  }
0x2f: {  	s21 =	sor.u32 s30, s22  }
0x30: {  	[tilespmem:s21+$0x14000] =	vst v1  }
0x31: {  	v1 =	vld.idx.msk [tilespmem:v2+s1+$0x0], $0xffff  }
0x32: {  	v2 =	vor.u32 $0x100, v0;
	_ =	sdelay $0x3  }
0x33: {  	[tilespmem:s21+$0x14080] =	vst v1  }
0x34: {  	v1 =	vld.idx.msk [tilespmem:v2+s1+$0x0], $0xffff  }
0x35: {  	v2 =	vor.u32 $0x180, v0;
	_ =	sdelay $0x3  }
0x36: {  	[tilespmem:s21+$0x14100] =	vst v1  }
0x37: {  	v1 =	vld.idx.msk [tilespmem:v2+s1+$0x0], $0xffff  }
0x38: {  	v2 =	vor.u32 $0x200, v0;
	_ =	sdelay $0x3  }
0x39: {  	[tilespmem:s21+$0x14180] =	vst v1  }
0x3a: {  	v1 =	vld.idx.msk [tilespmem:v2+s1+$0x0], $0xffff  }
0x3b: {  	v2 =	vor.u32 $0x280, v0;
	_ =	sdelay $0x3  }
0x3c: {  	[tilespmem:s21+$0x14200] =	vst v1  }
0x3d: {  	v1 =	vld.idx.msk [tilespmem:v2+s1+$0x0], $0xffff  }
0x3e: {  	v2 =	vor.u32 $0x300, v0;
	_ =	sdelay $0x3  }
0x3f: {  	[tilespmem:s21+$0x14280] =	vst v1  }
0x40: {  	v1 =	vld.idx.msk [tilespmem:v2+s1+$0x0], $0xffff  }
0x41: {  	v0 =	vor.u32 $0x380, v0;
	_ =	sdelay $0x3  }
0x42: {  	[tilespmem:s21+$0x14300] =	vst v1  }
0x43: {  	v0 =	vld.idx.msk [tilespmem:v0+s1+$0x0], $0xffff;
	_ =	sdelay $0x2  }
0x44: {  	s31 =	sor.u32 s19, s19  }
0x45: {  	s22 =	sor.u32 $0x380, s31;
	s21 =	simm.s32 $0x10  }
.LBB2_4:
0x46: {  	p2 =	sne.s32 s21, $0x3F0;
	[tilespmem:s22+$0x14000] =	vst v0;
	s19 =	sadd.s32 $0x80, s19;
	s20 =	sadd.s32 $0x10, s20  }
0x47: {  	s22 =	smov.u32 s21;
	s21 =	sadd.s32 $0x10, s21;
	v0 =	vld [tilespmem:s20+$0x0];
	_ =	sdelay $0x4  }
0x48: {  	v1 =	vshll.u32 v0, $0x3  }
0x49: {  	v0 =	vand.u32 $0x7F, v0;
	v1 =	vand.u32 $0xFFFFFC00, v1  }
0x4a: {  	v0 =	vor.u32 v0, v1;
	_ =	sdelay $0x4  }
0x4b: {  	v1 =	vld.idx.msk [tilespmem:v0+s1+$0x0], $0xffff;
	_ =	sdelay $0x1  }
0x4c: {  	v2 =	vor.u32 $0x80, v0;
	_ =	sdelay $0x1  }
0x4d: {  	s23 =	sand.u32 $0x70, s22;
	s24 =	sand.u32 $0x1C00, s19  }
0x4e: {  	s23 =	sor.u32 s23, s24  }
0x4f: {  	[tilespmem:s23+$0x14000] =	vst v1  }
0x50: {  	v1 =	vld.idx.msk [tilespmem:v2+s1+$0x0], $0xffff;
	_ =	sdelay $0x1  }
0x51: {  	v2 =	vor.u32 $0x100, v0;
	_ =	sdelay $0x3  }
0x52: {  	[tilespmem:s23+$0x14080] =	vst v1  }
0x53: {  	v1 =	vld.idx.msk [tilespmem:v2+s1+$0x0], $0xffff;
	_ =	sdelay $0x1  }
0x54: {  	v2 =	vor.u32 $0x180, v0;
	_ =	sdelay $0x3  }
0x55: {  	[tilespmem:s23+$0x14100] =	vst v1  }
0x56: {  	v1 =	vld.idx.msk [tilespmem:v2+s1+$0x0], $0xffff;
	_ =	sdelay $0x1  }
0x57: {  	v2 =	vor.u32 $0x200, v0;
	_ =	sdelay $0x3  }
0x58: {  	[tilespmem:s23+$0x14180] =	vst v1  }
0x59: {  	v1 =	vld.idx.msk [tilespmem:v2+s1+$0x0], $0xffff;
	_ =	sdelay $0x1  }
0x5a: {  	v2 =	vor.u32 $0x280, v0;
	_ =	sdelay $0x3  }
0x5b: {  	[tilespmem:s23+$0x14200] =	vst v1  }
0x5c: {  	v1 =	vld.idx.msk [tilespmem:v2+s1+$0x0], $0xffff;
	_ =	sdelay $0x1  }
0x5d: {  	v2 =	vor.u32 $0x300, v0;
	_ =	sdelay $0x3  }
0x5e: {  	[tilespmem:s23+$0x14280] =	vst v1  }
0x5f: {  	v1 =	vld.idx.msk [tilespmem:v2+s1+$0x0], $0xffff;
	_ =	sdelay $0x1  }
0x60: {  	v0 =	vor.u32 $0x380, v0;
	_ =	sdelay $0x3  }
0x61: {  	[tilespmem:s23+$0x14300] =	vst v1  }
0x62: {  	v0 =	vld.idx.msk [tilespmem:v0+s1+$0x0], $0xffff  }
.Ltmp5:
0x63: {  	(pc) =	sbr.rel @p2 .LBB2_4-.Ltmp5, $3  }
0x64: {  	_ =	sdelay $0x1  }
0x65: {  	s22 =	sor.u32 s19, s22  }
0x66: {  	s22 =	sor.u32 $0x380, s22  }
0x67: {  	s18 =	sshll.u32 s18, $0xA  }
.Ltmp6:
0x68: {  	[tilespmem:s22+$0x14000] =	vst v0;
	s18 =	sadd.s32 s5, s18;
	(pc) =	sbr.rel .LBB2_6-.Ltmp6, $4  }
0x69: {  	[hbm4b:s18+s1] =	stream.linear.scatter [tilespmem:s14], [sflag:$0x1], $0x2000, $0x38;
	[tilespmem:$0x16000] =	vst v63  }
0x6a: {  	_ =	swait.ge [sflag:s12], $0x2000  }
0x6b: {  	[sflag:s12] =	ssyncset.done $0x0  }
0x6c: {  	[sflag:s12] =	ssyncadd.s32 $0xFFFFE000  }
.LBB2_7:
.Ltmp7:
0x6d: {  	(pc) =	sbr.rel @p0 .LBB2_12-.Ltmp7, $1  }
0x6e: {  	_ =	sdelay $0x3  }
.Ltmp8:
0x6f: {  	(pc) =	sbr.rel @p1 .LBB2_16-.Ltmp8, $1  }
0x70: {  	_ =	sdelay $0x3  }
0x71: {  	s17 =	simm.s32 $0x0  }
0x72: {  	[tilespmem:s15], [sflag:$0x1] =	stream.linear.gather [hbm4b:s9+s17], $0x80, $0x38;
	[tilespmem:$0x16000] =	vst v63  }
0x73: {  	_ =	swait.ge [sflag:s12], $0x80  }
0x74: {  	[sflag:s12] =	ssyncset.done $0x0  }
0x75: {  	s17 =	simm.s32 $0x0;
	[sflag:s12] =	ssyncadd.s32 $0xFFFFFF80  }
0x76: {  	v0 =	vld [tilespmem:s17+$0x13C00];
	_ =	sdelay $0x4  }
0x77: {  	v1 =	vshll.u32 v0, $0x3  }
0x78: {  	v0 =	vand.u32 $0x7F, v0;
	v1 =	vand.u32 $0xFFFFFC00, v1  }
0x79: {  	v0 =	vor.u32 v0, v1;
	_ =	sdelay $0x4  }
0x7a: {  	v1 =	vld.idx.msk [tilespmem:v0+s1+$0x0], $0xffff  }
0x7b: {  	v2 =	vor.u32 $0x80, v0;
	_ =	sdelay $0x3  }
0x7c: {  	[tilespmem:s17+$0x14000] =	vst v1  }
0x7d: {  	v1 =	vld.idx.msk [tilespmem:v2+s1+$0x0], $0xffff  }
0x7e: {  	v2 =	vor.u32 $0x100, v0;
	_ =	sdelay $0x3  }
0x7f: {  	[tilespmem:s17+$0x14080] =	vst v1  }
0x80: {  	v1 =	vld.idx.msk [tilespmem:v2+s1+$0x0], $0xffff  }
0x81: {  	v2 =	vor.u32 $0x180, v0;
	_ =	sdelay $0x3  }
0x82: {  	[tilespmem:s17+$0x14100] =	vst v1  }
0x83: {  	v1 =	vld.idx.msk [tilespmem:v2+s1+$0x0], $0xffff  }
0x84: {  	v2 =	vor.u32 $0x200, v0;
	_ =	sdelay $0x3  }
0x85: {  	[tilespmem:s17+$0x14180] =	vst v1  }
0x86: {  	v1 =	vld.idx.msk [tilespmem:v2+s1+$0x0], $0xffff  }
0x87: {  	v2 =	vor.u32 $0x280, v0;
	_ =	sdelay $0x3  }
0x88: {  	[tilespmem:s17+$0x14200] =	vst v1  }
0x89: {  	v1 =	vld.idx.msk [tilespmem:v2+s1+$0x0], $0xffff  }
0x8a: {  	v2 =	vor.u32 $0x300, v0;
	_ =	sdelay $0x3  }
0x8b: {  	[tilespmem:s17+$0x14280] =	vst v1  }
0x8c: {  	s19 =	simm.s32 $0x10;
	s18 =	simm.s32 $0x80;
	v1 =	vld.idx.msk [tilespmem:v2+s1+$0x0], $0xffff  }
.LBB2_10:
0x8d: {  	p2 =	seq.s32 s18, $0x1C0;
	v2 =	vld [tilespmem:s19+$0x13C00];
	v0 =	vor.u32 $0x380, v0;
	_ =	sdelay $0x3  }
0x8e: {  	[tilespmem:s17+$0x14300] =	vst v1  }
0x8f: {  	v1 =	vshll.u32 v2, $0x3;
	v3 =	vld.idx.msk [tilespmem:v0+s1+$0x0], $0xffff  }
0x90: {  	v0 =	vand.u32 $0x7F, v2;
	v1 =	vand.u32 $0xFFFFFC00, v1  }
0x91: {  	v0 =	vor.u32 v0, v1;
	_ =	sdelay $0x3  }
0x92: {  	[tilespmem:s17+$0x14380] =	vst v3;
	s17 =	smov.u32 s19  }
0x93: {  	v1 =	vld.idx.msk [tilespmem:v0+s1+$0x0], $0xffff;
	_ =	sdelay $0x1  }
0x94: {  	v2 =	vor.u32 $0x80, v0;
	_ =	sdelay $0x3  }
0x95: {  	[tilespmem:s17+$0x14000] =	vst v1  }
0x96: {  	v1 =	vld.idx.msk [tilespmem:v2+s1+$0x0], $0xffff;
	_ =	sdelay $0x1  }
0x97: {  	v2 =	vor.u32 $0x100, v0;
	_ =	sdelay $0x3  }
0x98: {  	[tilespmem:s17+$0x14080] =	vst v1  }
0x99: {  	v1 =	vld.idx.msk [tilespmem:v2+s1+$0x0], $0xffff;
	_ =	sdelay $0x1  }
0x9a: {  	v2 =	vor.u32 $0x180, v0;
	_ =	sdelay $0x3  }
0x9b: {  	[tilespmem:s17+$0x14100] =	vst v1  }
0x9c: {  	v1 =	vld.idx.msk [tilespmem:v2+s1+$0x0], $0xffff;
	_ =	sdelay $0x1  }
0x9d: {  	v2 =	vor.u32 $0x200, v0;
	_ =	sdelay $0x3  }
0x9e: {  	[tilespmem:s17+$0x14180] =	vst v1  }
0x9f: {  	v1 =	vld.idx.msk [tilespmem:v2+s1+$0x0], $0xffff;
	_ =	sdelay $0x1  }
0xa0: {  	v2 =	vor.u32 $0x280, v0;
	_ =	sdelay $0x3  }
0xa1: {  	[tilespmem:s17+$0x14200] =	vst v1  }
0xa2: {  	v1 =	vld.idx.msk [tilespmem:v2+s1+$0x0], $0xffff;
	_ =	sdelay $0x1  }
0xa3: {  	v2 =	vor.u32 $0x300, v0;
	_ =	sdelay $0x1  }
.Ltmp9:
0xa4: {  	(pc) =	sbr.rel @!p2 .LBB2_10-.Ltmp9, $4  }
0xa5: {  	_ = 	snop  }
0xa6: {  	[tilespmem:s17+$0x14280] =	vst v1  }
0xa7: {  	v1 =	vld.idx.msk [tilespmem:v2+s1+$0x0], $0xffff  }
0xa8: {  	s19 =	sshra.s32 s18, $0x2;
	s18 =	sadd.s32 $0x40, s18  }
0xa9: {  	v2 =	vld [tilespmem:s19+$0x13C00]  }
0xaa: {  	v0 =	vor.u32 $0x380, v0;
	_ =	sdelay $0x3  }
0xab: {  	[tilespmem:s17+$0x14300] =	vst v1;
	v58 =	vshll.u32 v2, $0x3  }
0xac: {  	v0 =	vld.idx.msk [tilespmem:v0+s1+$0x0], $0xffff;
	v2 =	vand.u32 $0x7F, v2;
	v1 =	vand.u32 $0xFFFFFC00, v58  }
0xad: {  	v1 =	vor.u32 v2, v1;
	_ =	sdelay $0x3  }
0xae: {  	[tilespmem:s17+$0x14380] =	vst v0  }
0xaf: {  	v0 =	vld.idx.msk [tilespmem:v1+s1+$0x0], $0xffff  }
0xb0: {  	v2 =	vor.u32 $0x80, v1;
	_ =	sdelay $0x3  }
0xb1: {  	[tilespmem:s19+$0x14000] =	vst v0  }
0xb2: {  	v0 =	vld.idx.msk [tilespmem:v2+s1+$0x0], $0xffff  }
0xb3: {  	v59 =	vor.u32 $0x100, v1;
	_ =	sdelay $0x3  }
0xb4: {  	[tilespmem:s19+$0x14080] =	vst v0  }
0xb5: {  	v0 =	vld.idx.msk [tilespmem:v59+s1+$0x0], $0xffff  }
0xb6: {  	v60 =	vor.u32 $0x180, v1;
	_ =	sdelay $0x3  }
0xb7: {  	[tilespmem:s19+$0x14100] =	vst v0  }
0xb8: {  	v0 =	vld.idx.msk [tilespmem:v60+s1+$0x0], $0xffff  }
0xb9: {  	v61 =	vor.u32 $0x200, v1;
	_ =	sdelay $0x3  }
0xba: {  	[tilespmem:s19+$0x14180] =	vst v0  }
0xbb: {  	v0 =	vld.idx.msk [tilespmem:v61+s1+$0x0], $0xffff  }
0xbc: {  	v62 =	vor.u32 $0x280, v1;
	_ =	sdelay $0x3  }
0xbd: {  	[tilespmem:s19+$0x14200] =	vst v0  }
0xbe: {  	v0 =	vld.idx.msk [tilespmem:v62+s1+$0x0], $0xffff  }
0xbf: {  	v63 =	vor.u32 $0x300, v1;
	_ =	sdelay $0x3  }
0xc0: {  	[tilespmem:s19+$0x14280] =	vst v0  }
0xc1: {  	v0 =	vld.idx.msk [tilespmem:v63+s1+$0x0], $0xffff  }
0xc2: {  	v1 =	vor.u32 $0x380, v1;
	_ =	sdelay $0x3  }
0xc3: {  	[tilespmem:s19+$0x14300] =	vst v0  }
0xc4: {  	v0 =	vld.idx.msk [tilespmem:v1+s1+$0x0], $0xffff  }
.Ltmp10:
0xc5: {  	_ = 	snop;
	(pc) =	sbr.rel .LBB2_15-.Ltmp10, $2  }
0xc6: {  	_ =	sdelay $0x2  }
0xc7: {  	s17 =	smov.u32 s10;
	[tilespmem:s19+$0x14380] =	vst v0  }
.LBB2_12:
0xc8: {  	s17 =	simm.s32 $0x0  }
0xc9: {  	[tilespmem:s15], [sflag:$0x1] =	stream.linear.gather [hbm4b:s7+s17], $0x80, $0x38;
	[tilespmem:$0x16000] =	vst v63  }
0xca: {  	_ =	swait.ge [sflag:s12], $0x80  }
0xcb: {  	[sflag:s12] =	ssyncset.done $0x0  }
0xcc: {  	s17 =	simm.s32 $0x0;
	[sflag:s12] =	ssyncadd.s32 $0xFFFFFF80  }
0xcd: {  	v0 =	vld [tilespmem:s17+$0x13C00];
	_ =	sdelay $0x4  }
0xce: {  	v1 =	vshll.u32 v0, $0x3  }
0xcf: {  	v0 =	vand.u32 $0x7F, v0;
	v1 =	vand.u32 $0xFFFFFC00, v1  }
0xd0: {  	v0 =	vor.u32 v0, v1;
	_ =	sdelay $0x4  }
0xd1: {  	v1 =	vld.idx.msk [tilespmem:v0+s1+$0x0], $0xffff  }
0xd2: {  	v2 =	vor.u32 $0x80, v0;
	_ =	sdelay $0x3  }
0xd3: {  	[tilespmem:s17+$0x14000] =	vst v1  }
0xd4: {  	v1 =	vld.idx.msk [tilespmem:v2+s1+$0x0], $0xffff  }
0xd5: {  	v2 =	vor.u32 $0x100, v0;
	_ =	sdelay $0x3  }
0xd6: {  	[tilespmem:s17+$0x14080] =	vst v1  }
0xd7: {  	v1 =	vld.idx.msk [tilespmem:v2+s1+$0x0], $0xffff  }
0xd8: {  	v2 =	vor.u32 $0x180, v0;
	_ =	sdelay $0x3  }
0xd9: {  	[tilespmem:s17+$0x14100] =	vst v1  }
0xda: {  	v1 =	vld.idx.msk [tilespmem:v2+s1+$0x0], $0xffff  }
0xdb: {  	v2 =	vor.u32 $0x200, v0;
	_ =	sdelay $0x3  }
0xdc: {  	[tilespmem:s17+$0x14180] =	vst v1  }
0xdd: {  	v1 =	vld.idx.msk [tilespmem:v2+s1+$0x0], $0xffff  }
0xde: {  	v2 =	vor.u32 $0x280, v0;
	_ =	sdelay $0x3  }
0xdf: {  	[tilespmem:s17+$0x14200] =	vst v1  }
0xe0: {  	v1 =	vld.idx.msk [tilespmem:v2+s1+$0x0], $0xffff  }
0xe1: {  	v2 =	vor.u32 $0x300, v0;
	_ =	sdelay $0x3  }
0xe2: {  	[tilespmem:s17+$0x14280] =	vst v1  }
0xe3: {  	s19 =	simm.s32 $0x10;
	s18 =	simm.s32 $0x80;
	v1 =	vld.idx.msk [tilespmem:v2+s1+$0x0], $0xffff  }
.LBB2_13:
0xe4: {  	p2 =	sne.s32 s18, $0x1C0;
	v2 =	vld [tilespmem:s19+$0x13C00];
	v0 =	vor.u32 $0x380, v0;
	_ =	sdelay $0x3  }
0xe5: {  	[tilespmem:s17+$0x14300] =	vst v1  }
0xe6: {  	v1 =	vshll.u32 v2, $0x3;
	v3 =	vld.idx.msk [tilespmem:v0+s1+$0x0], $0xffff  }
0xe7: {  	v0 =	vand.u32 $0x7F, v2;
	v1 =	vand.u32 $0xFFFFFC00, v1  }
0xe8: {  	v0 =	vor.u32 v0, v1;
	_ =	sdelay $0x3  }
0xe9: {  	[tilespmem:s17+$0x14380] =	vst v3;
	s17 =	smov.u32 s19  }
0xea: {  	v1 =	vld.idx.msk [tilespmem:v0+s1+$0x0], $0xffff;
	_ =	sdelay $0x1  }
0xeb: {  	v2 =	vor.u32 $0x80, v0;
	_ =	sdelay $0x3  }
0xec: {  	[tilespmem:s17+$0x14000] =	vst v1  }
0xed: {  	v1 =	vld.idx.msk [tilespmem:v2+s1+$0x0], $0xffff;
	_ =	sdelay $0x1  }
0xee: {  	v2 =	vor.u32 $0x100, v0;
	_ =	sdelay $0x3  }
0xef: {  	[tilespmem:s17+$0x14080] =	vst v1  }
0xf0: {  	v1 =	vld.idx.msk [tilespmem:v2+s1+$0x0], $0xffff;
	_ =	sdelay $0x1  }
0xf1: {  	v2 =	vor.u32 $0x180, v0;
	_ =	sdelay $0x3  }
0xf2: {  	[tilespmem:s17+$0x14100] =	vst v1  }
0xf3: {  	v1 =	vld.idx.msk [tilespmem:v2+s1+$0x0], $0xffff;
	_ =	sdelay $0x1  }
0xf4: {  	v2 =	vor.u32 $0x200, v0;
	_ =	sdelay $0x3  }
0xf5: {  	[tilespmem:s17+$0x14180] =	vst v1  }
0xf6: {  	v1 =	vld.idx.msk [tilespmem:v2+s1+$0x0], $0xffff;
	_ =	sdelay $0x1  }
0xf7: {  	v2 =	vor.u32 $0x280, v0;
	_ =	sdelay $0x3  }
0xf8: {  	[tilespmem:s17+$0x14200] =	vst v1  }
0xf9: {  	v1 =	vld.idx.msk [tilespmem:v2+s1+$0x0], $0xffff;
	_ =	sdelay $0x1  }
0xfa: {  	v2 =	vor.u32 $0x300, v0;
	_ =	sdelay $0x1  }
.Ltmp11:
0xfb: {  	(pc) =	sbr.rel @p2 .LBB2_13-.Ltmp11, $4  }
0xfc: {  	_ = 	snop  }
0xfd: {  	[tilespmem:s17+$0x14280] =	vst v1  }
0xfe: {  	v1 =	vld.idx.msk [tilespmem:v2+s1+$0x0], $0xffff  }
0xff: {  	s19 =	sshra.s32 s18, $0x2;
	s18 =	sadd.s32 $0x40, s18  }
0x100: {  	v2 =	vld [tilespmem:s19+$0x13C00]  }
0x101: {  	v0 =	vor.u32 $0x380, v0;
	_ =	sdelay $0x3  }
0x102: {  	[tilespmem:s17+$0x14300] =	vst v1;
	v58 =	vshll.u32 v2, $0x3  }
0x103: {  	v0 =	vld.idx.msk [tilespmem:v0+s1+$0x0], $0xffff;
	v2 =	vand.u32 $0x7F, v2;
	v1 =	vand.u32 $0xFFFFFC00, v58  }
0x104: {  	v1 =	vor.u32 v2, v1;
	_ =	sdelay $0x3  }
0x105: {  	[tilespmem:s17+$0x14380] =	vst v0  }
0x106: {  	v0 =	vld.idx.msk [tilespmem:v1+s1+$0x0], $0xffff  }
0x107: {  	v2 =	vor.u32 $0x80, v1;
	_ =	sdelay $0x3  }
0x108: {  	[tilespmem:s19+$0x14000] =	vst v0  }
0x109: {  	v0 =	vld.idx.msk [tilespmem:v2+s1+$0x0], $0xffff  }
0x10a: {  	v59 =	vor.u32 $0x100, v1;
	_ =	sdelay $0x3  }
0x10b: {  	[tilespmem:s19+$0x14080] =	vst v0  }
0x10c: {  	v0 =	vld.idx.msk [tilespmem:v59+s1+$0x0], $0xffff  }
0x10d: {  	v60 =	vor.u32 $0x180, v1;
	_ =	sdelay $0x3  }
0x10e: {  	[tilespmem:s19+$0x14100] =	vst v0  }
0x10f: {  	v0 =	vld.idx.msk [tilespmem:v60+s1+$0x0], $0xffff  }
0x110: {  	v61 =	vor.u32 $0x200, v1;
	_ =	sdelay $0x3  }
0x111: {  	[tilespmem:s19+$0x14180] =	vst v0  }
0x112: {  	v0 =	vld.idx.msk [tilespmem:v61+s1+$0x0], $0xffff  }
0x113: {  	v62 =	vor.u32 $0x280, v1;
	_ =	sdelay $0x3  }
0x114: {  	[tilespmem:s19+$0x14200] =	vst v0  }
0x115: {  	v0 =	vld.idx.msk [tilespmem:v62+s1+$0x0], $0xffff  }
0x116: {  	v63 =	vor.u32 $0x300, v1;
	_ =	sdelay $0x3  }
0x117: {  	[tilespmem:s19+$0x14280] =	vst v0  }
0x118: {  	v0 =	vld.idx.msk [tilespmem:v63+s1+$0x0], $0xffff  }
0x119: {  	v1 =	vor.u32 $0x380, v1;
	_ =	sdelay $0x3  }
0x11a: {  	[tilespmem:s19+$0x14300] =	vst v0  }
0x11b: {  	v0 =	vld.idx.msk [tilespmem:v1+s1+$0x0], $0xffff  }
.Ltmp12:
0x11c: {  	_ = 	snop;
	(pc) =	sbr.rel .LBB2_15-.Ltmp12, $2  }
0x11d: {  	_ =	sdelay $0x2  }
0x11e: {  	s17 =	smov.u32 s8;
	[tilespmem:s19+$0x14380] =	vst v0  }
.LBB2_17:
0x11f: {  	_ =	sfence.sel $0x180000  }
0x120: {  	[bflag:$0x0] =	sbarrier.arrive $0xFFFF  }
0x121: {  	p0 =	sne.s32 s2, $0x0;
	_ =	strace $0x9000004D  }
0x122: {  	s0 =	sadd.s32 @!p0 $0x100000, s0;
	[bflag:$0x2] =	sbarrier.arrive $0xFFFF  }
0x123: {  	[sflag:s0] =	ssyncadd.tile.s32 @!p0 $0x1;
	_ =	shalt  }
.Lfunc_end2:
_tile_overlayer_lowered:
.L_overlay_start_2:
0x124: {  	(tag) =	ssettag $0x2  }
0x125: {  	s0 =	rddreg [dreg:$0x0];
	s2 =	stileid.u32  }
0x126: {  	s1 =	rddreg [dreg:$0x1];
	p0 =	sne.s32 s2, $0x0  }
0x127: {  	s3 =	rddreg [dreg:$0x2];
	[bflag:$0x3] =	sbarrier.arrive $0xFFFF;
	s2 =	simm.s32 @!p0 $0x1C01  }
0x128: {  	[timem:s3], [sflag:s2] =	dma.local @!p0 [hbm:s0], s1  }
0x129: {  	s0 =	simm.s32 @!p0 $0x1  }
0x12a: {  	_ =	swait.ge @!p0 [sflag:s0], s1  }
0x12b: {  	s1 =	ssub.s32 @!p0 $0x0, s1;
	[sflag:s0] =	ssyncset.done @!p0 $0x0  }
0x12c: {  	[sflag:s0] =	ssyncadd.s32 @!p0 s1  }
0x12d: {  	[bflag:$0x3] =	sbarrier.arrive $0xFFFF  }
0x12e: {  	_ =	shalt  }

// kernel: kernel.19.cloned.1.call-start
scs
__scs_entry_jumppad:
0x0: {  	(pc) =	sbr.rel $0x88, $3  }
0x1: {  	(tag) =	ssettag $0x0;
	lr =	simm.s32 $0x1  }
0x2: {  	[smem:$0x3F8E] =	sst lr;
	_ =	strace $0xD0000000  }
0x3: {  	_ = 	snop  }
0x4: {  	_ = 	snop  }
0x5: {  	_ = 	snop  }
0x6: {  	_ = 	snop  }
0x7: {  	_ = 	snop  }
__scs_overlays_trampoline_lowered:
0x8: {  	[smem:$0x3F9D] =	sst s0  }
0x9: {  	[smem:$0x3F9E] =	sst s1  }
0xa: {  	[smem:$0x3F9F] =	sst s2  }
0xb: {  	[smem:$0x3FA0] =	sst s3  }
0xc: {  	[smem:$0x3FA1] =	sst s4  }
0xd: {  	[smem:$0x3FA2] =	sst s5  }
0xe: {  	[smem:$0x3FA3] =	sst s6  }
0xf: {  	[smem:$0x3FA4] =	sst s7  }
0x10: {  	[smem:$0x3FA5] =	sst s8  }
0x11: {  	[smem:$0x3FA6] =	sst s9;
	s0 =	simm.s32 @!p0 $0x0  }
0x12: {  	s1 =	sld [smem:$0x3F8C];
	s0 =	simm.s32 @p0 $0x1  }
0x13: {  	[smem:$0x3FA7] =	sst s0;
	s0 =	simm.s32 @!p1 $0x0  }
0x14: {  	s2 =	sld [smem:$0x3F8B];
	s0 =	simm.s32 @p1 $0x1  }
0x15: {  	[smem:$0x3FA8] =	sst s0;
	s0 =	simm.s32 @!p2 $0x0  }
0x16: {  	s3 =	sld [smem:$0x3FDB];
	s0 =	simm.s32 @p2 $0x1  }
0x17: {  	s4 =	simm.s32 $0x1BF5;
	[smem:$0x3FAA] =	sst s0  }
0x18: {  	s0 =	sld [smem:$0x3F8D];
	_ =	swait.ge [sflag:s4], $0x0  }
0x19: {  	s7 =	sld [smem:$0x3F8E]  }
0x1a: {  	s8 =	sadd.s32 $0xFFFFE003, lr  }
0x1b: {  	s9 =	sadd.s32 $0xFFFFFEF7, lr;
	s5 =	simm.s32 $0xFFFFFFFF;
	p2 =	slt.u32 s8, $0xFFFFF086  }
0x1c: {  	p1 =	slt.u32 s9, $0xF7A;
	s5 =	simm.s32 @!p2 $0x0  }
0x1d: {  	s5 =	simm.s32 @p1 $0x1;
	p0 =	seq.s32 s7, s2  }
0x1e: {  	s7 =	smul.u32 @!p0 $0xF7A, s2;
	p2 =	seq.s32 @!p0 s5, $0x0  }
0x1f: {  	s9 =	smul.u32 $0xF7A, s1;
	s8 =	simm.s32 @!p0 $0x1BF5;
	p2 =	por !p2, p0  }
0x20: {  	[sflag:s8] =	ssyncset.s32 @!p0 $0xFFFFF086;
	s6 =	sadd.s32 @!p0 s3, s7;
	s7 =	simm.s32 @!p0 $0x108  }
0x21: {  	s3 =	sadd.s32 s3, s9;
	s6 =	sadd.s32 @!p0 $0x88, s6;
	s7 =	simm.s32 @p2 $0x1082  }
0x22: {  	[simem:s7], [sflag:s8] =	dma.local @!p0 [hbm:s6], $0xF7A  }
0x23: {  	s9 =	sor.u32 $0xD0000000, s2;
	s6 =	simm.s32 $0x108;
	_ =	swait.ge @!p0 [sflag:s8], $0x0  }
0x24: {  	s3 =	sadd.s32 $0x88, s3;
	s6 =	simm.s32 @!p1 $0x1082;
	[sflag:s4] =	ssyncset.s32 $0xFFFFF086  }
0x25: {  	[simem:s6], [sflag:s4] =	dma.local [hbm:s3], $0xF7A  }
0x26: {  	[smem:$0x3F8E] =	sst s1;
	(tag) =	ssettag s2;
	_ =	strace s9  }
0x27: {  	s1 =	sld [smem:$0x3F9E]  }
0x28: {  	s2 =	sld [smem:$0x3F9F]  }
0x29: {  	s4 =	sld [smem:$0x3FA1]  }
0x2a: {  	p0 =	seq.s32 s5, $0x0;
	s5 =	sld [smem:$0x3FA2]  }
0x2b: {  	s6 =	sld [smem:$0x3FA3]  }
0x2c: {  	s7 =	sld [smem:$0x3FA4]  }
0x2d: {  	s3 =	simm.s32 $0x108;
	s8 =	sld [smem:$0x3FA5]  }
0x2e: {  	s3 =	simm.s32 @!p0 $0x1082;
	s9 =	sld [smem:$0x3FA6]  }
0x2f: {  	lr =	sadd.s32 s0, s3;
	s0 =	sld [smem:$0x3F9D]  }
0x30: {  	s3 =	sld [smem:$0x3FA0]  }
0x31: {  	[smem:$0x3FA9] =	sst s10  }
0x32: {  	s10 =	sld [smem:$0x3FA7];
	_ =	sdelay $0x3  }
0x33: {  	p0 =	seq.s32 s10, $0x1;
	s10 =	sld [smem:$0x3FA9];
	_ =	sdelay $0x3  }
0x34: {  	[smem:$0x3FA9] =	sst s10  }
0x35: {  	s10 =	sld [smem:$0x3FA8];
	_ =	sdelay $0x3  }
0x36: {  	p1 =	seq.s32 s10, $0x1;
	s10 =	sld [smem:$0x3FA9];
	_ =	sdelay $0x3  }
0x37: {  	[smem:$0x3FA9] =	sst s10  }
0x38: {  	s10 =	sld [smem:$0x3FAA]  }
0x39: {  	_ = 	snop;
	(pc) =	sbr.ind lr, $3  }
0x3a: {  	_ = 	snop  }
0x3b: {  	_ = 	snop  }
0x3c: {  	p2 =	seq.s32 s10, $0x1;
	s10 =	sld [smem:$0x3FA9]  }
0x3d: {  	_ =	shalt  }
0x3e: {  	_ =	shalt  }
0x3f: {  	_ =	shalt  }
0x40: {  	_ =	shalt  }
0x41: {  	_ =	shalt  }
0x42: {  	_ =	shalt  }
0x43: {  	_ =	shalt  }
0x44: {  	_ =	shalt  }
0x45: {  	_ =	shalt  }
0x46: {  	_ =	shalt  }
0x47: {  	_ =	shalt  }
0x48: {  	_ =	shalt  }
0x49: {  	_ =	shalt  }
0x4a: {  	_ =	shalt  }
0x4b: {  	_ =	shalt  }
0x4c: {  	_ =	shalt  }
0x4d: {  	_ =	shalt  }
0x4e: {  	_ =	shalt  }
0x4f: {  	_ =	shalt  }
0x50: {  	_ =	shalt  }
0x51: {  	_ =	shalt  }
0x52: {  	_ =	shalt  }
0x53: {  	_ =	shalt  }
0x54: {  	_ =	shalt  }
0x55: {  	_ =	shalt  }
0x56: {  	_ =	shalt  }
0x57: {  	_ =	shalt  }
0x58: {  	_ =	shalt  }
0x59: {  	_ =	shalt  }
0x5a: {  	_ =	shalt  }
0x5b: {  	_ =	shalt  }
0x5c: {  	_ =	shalt  }
0x5d: {  	_ =	shalt  }
0x5e: {  	_ =	shalt  }
0x5f: {  	_ =	shalt  }
0x60: {  	_ =	shalt  }
0x61: {  	_ =	shalt  }
0x62: {  	_ =	shalt  }
0x63: {  	_ =	shalt  }
0x64: {  	_ =	shalt  }
0x65: {  	_ =	shalt  }
0x66: {  	_ =	shalt  }
0x67: {  	_ =	shalt  }
0x68: {  	_ =	shalt  }
0x69: {  	_ =	shalt  }
0x6a: {  	_ =	shalt  }
0x6b: {  	_ =	shalt  }
0x6c: {  	_ =	shalt  }
0x6d: {  	_ =	shalt  }
0x6e: {  	_ =	shalt  }
0x6f: {  	_ =	shalt  }
0x70: {  	_ =	shalt  }
0x71: {  	_ =	shalt  }
0x72: {  	_ =	shalt  }
0x73: {  	_ =	shalt  }
0x74: {  	_ =	shalt  }
0x75: {  	_ =	shalt  }
0x76: {  	_ =	shalt  }
0x77: {  	_ =	shalt  }
0x78: {  	_ =	shalt  }
0x79: {  	_ =	shalt  }
0x7a: {  	_ =	shalt  }
0x7b: {  	_ =	shalt  }
0x7c: {  	_ =	shalt  }
0x7d: {  	_ =	shalt  }
0x7e: {  	_ =	shalt  }
0x7f: {  	_ =	shalt  }
0x80: {  	_ =	shalt  }
0x81: {  	_ =	shalt  }
0x82: {  	_ =	shalt  }
0x83: {  	_ =	shalt  }
0x84: {  	_ =	shalt  }
0x85: {  	_ =	shalt  }
0x86: {  	_ =	shalt  }
0x87: {  	_ =	shalt  }
.Lfunc_end0:
.L_simem_size_0:
called_computation.3_lowered:
.L_overlay_start_0:
0x88: {  	s2 =	sld [smem:$0x3FD9]  }
0x89: {  	s3 =	sld [smem:$0x3FFE];
	_ =	sdelay $0x1  }
0x8a: {  	s1 =	srdreg.scid  }
0x8b: {  	s0 =	sand.u32 $0x1, s1  }
0x8c: {  	s16 =	sshll.u32 s0, $0xA;
	s2 =	sadd.s32 s3, s2  }
0x8d: {  	s2 =	sadd.s32 s2, s16  }
0x8e: {  	[smem:$0x3FB5] =	sst s2  }
0x8f: {  	_ = 	snop  }
0x90: {  	(tm) =	ssettm $0x1  }
0x91: {  	s17 =	sld [smem:$0x3FFB];
	_ =	sdelay $0x3  }
0x92: {  	_ =	strace s17  }
0x93: {  	s2 =	sld [smem:$0x3FFC];
	_ =	sdelay $0x3  }
0x94: {  	_ =	strace s2  }
0x95: {  	s2 =	sld [smem:$0x3FFD];
	_ =	sdelay $0x3  }
0x96: {  	_ =	strace s2  }
0x97: {  	_ =	strace $0x8FFFFFFF  }
0x98: {  	s18 =	sld [smem:$0x3FDB];
	_ =	sdelay $0x1  }
0x99: {  	s19 =	simm.s32 $_scs_section_size  }
0x9a: {  	s4 =	simm.s32 $_size__tile_overlayer_lowered;
	s5 =	simm.s32 $_tile_overlayer_lowered  }
0x9b: {  	s22 =	simm.s32 $0x1BFF;
	s21 =	sshll.u32 s5, $0x1;
	s2 =	sadd.s32 s19, s18  }
0x9c: {  	s6 =	simm.s32 $0x0;
	s20 =	sshll.u32 s4, $0x1;
	s4 =	sadd.s32 s21, s2  }
0x9d: {  	[timem:s6], [sflag:s22] =	dma.local [hbm:s4], s20  }
0x9e: {  	_ =	swait.ge [sflag:s22], s20  }
0x9f: {  	s3 =	ssub.s32 $0x0, s20;
	[sflag:s22] =	ssyncset.done $0x0  }
0xa0: {  	[sflag:s22] =	ssyncadd.s32 s3;
	_ =	sdelay $0x1  }
0xa1: {  	s23 =	simm.s32 $0x1B8B  }
0xa2: {  	_ =	swait.ge [sflag:s23], $0x1  }
0xa3: {  	[sflag:s23] =	ssyncset.done $0x0  }
0xa4: {  	s25 =	simm.s32 $0x1B8E;
	s24 =	sld [smem:$0x3FFE];
	[sflag:s23] =	ssyncadd.s32 $0xFFFFFFFF  }
0xa5: {  	s26 =	simm.s32 $execute0_lowered;
	[smem:$0x3FD2] =	sst s25  }
0xa6: {  	s4 =	sshll.u32 s26, $0x1;
	_ =	strace $0x8000004F;
	[dreg:$0x1] =	wrdreg $0xFFFFFFFF  }
0xa7: {  	s28 =	simm.s32 $_size_execute0_lowered;
	s2 =	sadd.s32 s2, s4;
	[dreg:$0x0] =	wrdreg $0x0  }
0xa8: {  	s4 =	sshll.u32 s28, $0x1;
	[dreg:$0x2] =	wrdreg s2  }
0xa9: {  	[dreg:$0x3] =	wrdreg s4  }
0xaa: {  	[dreg:$0x4] =	wrdreg $0xC0  }
0xab: {  	_ =	task [dreg:s6], $0x5FFFF  }
0xac: {  	[dreg:$0x1] =	wrdreg $0xFFFFFFFF  }
0xad: {  	[dreg:$0x0] =	wrdreg $0x60  }
0xae: {  	[dreg:$0x2] =	wrdreg s24  }
0xaf: {  	[dreg:$0x3] =	wrdreg $0x9  }
0xb0: {  	_ =	task.clear_ibuf [dreg:s6], $0x4FFFF;
	_ =	strace $0x9000004F  }
0xb1: {  	s29 =	simm.s32 $0x9;
	_ =	strace $0x80000051  }
0xb2: {  	_ =	swait.ge [sflag:s29], $0x1  }
0xb3: {  	[sflag:s29] =	ssyncadd.s32 $0xFFFFFFFF  }
0xb4: {  	_ =	strace $0x90000051  }
0xb5: {  	_ =	sfence  }
0xb6: {  	s30 =	sld [smem:$0x0];
	_ =	sdelay $0x2  }
0xb7: {  	s31 =	sshll.u32 s1, $0xD;
	s1 =	sshrl.u32 s1, $0x2  }
0xb8: {  	s3 =	sand.u32 $0x4000, s31;
	s1 =	sadd.s32 s1, s30  }
0xb9: {  	s0 =	sor.u32 s3, s0;
	s1 =	sshll.u32 s1, $0x11  }
0xba: {  	s0 =	sor.u32 s1, s0  }
0xbb: {  	s0 =	sadd.s32 $0x8F2B, s0  }
0xbc: {  	[sflag:s0] =	ssyncadd.remote.s32 $0x1  }
0xbd: {  	_ =	sfence.sel $0xFFFF  }
0xbe: {  	[dreg:$0x0] =	wrdreg $0xFFFFFFFF;
	(pc) =	sbr.abs _section_cstart, $3  }
0xbf: {  	[dreg:$0x1] =	wrdreg $0xFFFFFFFF  }
0xc0: {  	_ =	task.clear_ibuf [dreg:s6], $0x2FFFF;
	_ =	strace $0x9FFFFFFF  }
0xc1: {  	(tm) =	ssettm $0x7FFFFFFF  }
tec
execute0_lowered:
.L_overlay_start_1:
0x0: {  	(tag) =	ssettag $0x1  }
0x1: {  	s10 =	rddreg [dreg:$0x0]  }
0x2: {  	s0 =	rddreg [dreg:$0x1]  }
0x3: {  	s3 =	srdreg.scid;
	s1 =	stileid.u32  }
0x4: {  	s2 =	simm.s32 $0x0;
	s13 =	simm.s32 $0x1;
	s14 =	simm.s32 $0x14000  }
0x5: {  	s15 =	simm.s32 $0x13C00;
	s16 =	simm.s32 $0x0;
	s4 =	sand.u32 $0x1, s3  }
0x6: {  	s31 =	sshll.u32 s1, $0x1;
	[smem:$0x7FF] =	sst s2;
	s5 =	sadd.s32 $0x9000, s10  }
0x7: {  	s6 =	sadd.s32 $0x35200, s10;
	s3 =	sor.u32 s4, s31;
	_ =	strace $0x80000050  }
.Ltmp0:
0x8: {  	s8 =	ssub.s32 $0x2, s4;
	s4 =	sadd.s32 $0x37A00, s10;
	(pc) =	sbr.rel .LBB2_1-.Ltmp0, $4  }
0x9: {  	s7 =	smul.u32 $0x2780, s3;
	s9 =	sshrl.u32 s8, $0x1;
	p0 =	seq.s32 s3, $0x1D  }
0xa: {  	p1 =	sne.s32 s3, $0x1C;
	s12 =	ssub.s32 s8, s9;
	s8 =	sadd.s32 $0x5EA80, s10  }
0xb: {  	s9 =	sadd.s32 $0xDE00, s10;
	s11 =	sadd.s32 s7, s10;
	s7 =	sadd.s32 $0xDE10, s10  }
0xc: {  	s10 =	sadd.s32 $0x5EA00, s10;
	s12 =	smax.u32 s12, $0x1;
	s11 =	sadd.s32 $0x90800, s11  }
.LBB2_15:
0xd: {  	s16 =	sadd.s32 $0x1, s16  }
0xe: {  	p2 =	sne.s32 s16, s12  }
.Ltmp1:
0xf: {  	_ = 	snop;
	(pc) =	sbr.rel @!p2 .LBB2_16-.Ltmp1, $4  }
0x10: {  	[hbm4b:s11+s2] =	stream.linear.scatter [tilespmem:s2], [sflag:$0x1], $0x13C00, $0x38;
	[tilespmem:$0x16000] =	vst v63  }
0x11: {  	_ =	swait.ge [sflag:s13], $0x13C00  }
0x12: {  	[sflag:s13] =	ssyncset.done $0x0  }
0x13: {  	[sflag:s13] =	ssyncadd.s32 $0xFFFEC400  }
.LBB2_1:
.Ltmp2:
0x14: {  	(pc) =	sbr.rel .LBB2_2-.Ltmp2, $4  }
0x15: {  	[tilespmem:s2], [sflag:$0x1] =	stream.linear.gather [hbm4b:s6+s2], $0x13C00, $0x38;
	[tilespmem:$0x16000] =	vst v63  }
0x16: {  	_ =	swait.ge [sflag:s13], $0x13C00  }
0x17: {  	[sflag:s13] =	ssyncset.done $0x0  }
0x18: {  	s17 =	simm.s32 $0x0;
	[sflag:s13] =	ssyncadd.s32 $0xFFFEC400  }
.LBB2_6:
0x19: {  	s17 =	sadd.s32 $0x1, s17  }
0x1a: {  	p2 =	sne.s32 s17, $0x5  }
.Ltmp3:
0x1b: {  	_ = 	snop;
	(pc) =	sbr.rel @!p2 .LBB2_7-.Ltmp3, $1  }
0x1c: {  	_ =	sdelay $0x3  }
.LBB2_2:
0x1d: {  	s18 =	sshll.u32 s17, $0x5  }
0x1e: {  	s20 =	sor.u32 s3, s18  }
0x1f: {  	p2 =	sgt.u32 s20, $0x9B  }
.Ltmp4:
0x20: {  	_ = 	snop;
	(pc) =	sbr.rel @p2 .LBB2_6-.Ltmp4, $1  }
0x21: {  	_ =	sdelay $0x3  }
0x22: {  	s18 =	sshll.u32 s20, $0x7  }
0x23: {  	s19 =	simm.s32 $0x13C00;
	s21 =	sadd.s32 s5, s18;
	s18 =	simm.s32 $0x0  }
0x24: {  	[tilespmem:s19], [sflag:$0x1] =	stream.linear.gather [hbm4b:s21+s18], $0x400, $0x38;
	[tilespmem:$0x16000] =	vst v63  }
0x25: {  	_ =	swait.ge [sflag:s13], $0x400  }
0x26: {  	s26 =	sshll.u32 s20, $0xA;
	[sflag:s13] =	ssyncset.done $0x0  }
0x27: {  	s20 =	sadd.s32 s4, s26;
	[sflag:s13] =	ssyncadd.s32 $0xFFFFFC00  }
0x28: {  	[tilespmem:s14], [sflag:$0x1] =	stream.linear.gather [hbm4b:s20+s18], $0x2000, $0x38;
	[tilespmem:$0x16000] =	vst v63  }
0x29: {  	_ =	swait.ge [sflag:s13], $0x2000  }
0x2a: {  	[sflag:s13] =	ssyncset.done $0x0  }
0x2b: {  	[sflag:s13] =	ssyncadd.s32 $0xFFFFE000  }
0x2c: {  	v0 =	vld [tilespmem:s19+$0x0];
	_ =	sdelay $0x4  }
0x2d: {  	s28 =	sand.u32 $0x70, s18;
	s29 =	sand.u32 $0x1C00, s18;
	v1 =	vshll.u32 v0, $0x3  }
0x2e: {  	s20 =	sor.u32 s28, s29;
	v0 =	vand.u32 $0x7F, v0;
	v1 =	vand.u32 $0xFFFFFC00, v1  }
0x2f: {  	v2 =	vld [tilespmem:s20+$0x14000];
	v1 =	vor.u32 v0, v1;
	_ =	sdelay $0x4  }
0x30: {  	[tilespmem:v1+s2+$0x0] =	vst.idx.add.f32.msk $0xffff, v2  }
0x31: {  	v2 =	vor.u32 $0x80, v1;
	v0 =	vld [tilespmem:s20+$0x14080];
	_ =	sdelay $0x4  }
0x32: {  	[tilespmem:v2+s2+$0x0] =	vst.idx.add.f32.msk $0xffff, v0  }
0x33: {  	v2 =	vor.u32 $0x100, v1;
	v0 =	vld [tilespmem:s20+$0x14100];
	_ =	sdelay $0x4  }
0x34: {  	[tilespmem:v2+s2+$0x0] =	vst.idx.add.f32.msk $0xffff, v0  }
0x35: {  	v2 =	vor.u32 $0x180, v1;
	v0 =	vld [tilespmem:s20+$0x14180];
	_ =	sdelay $0x4  }
0x36: {  	[tilespmem:v2+s2+$0x0] =	vst.idx.add.f32.msk $0xffff, v0  }
0x37: {  	v2 =	vor.u32 $0x200, v1;
	v0 =	vld [tilespmem:s20+$0x14200];
	_ =	sdelay $0x4  }
0x38: {  	[tilespmem:v2+s2+$0x0] =	vst.idx.add.f32.msk $0xffff, v0  }
0x39: {  	v2 =	vor.u32 $0x280, v1;
	v0 =	vld [tilespmem:s20+$0x14280];
	_ =	sdelay $0x4  }
0x3a: {  	[tilespmem:v2+s2+$0x0] =	vst.idx.add.f32.msk $0xffff, v0  }
0x3b: {  	v2 =	vor.u32 $0x300, v1;
	v0 =	vld [tilespmem:s20+$0x14300];
	_ =	sdelay $0x3  }
0x3c: {  	s30 =	sor.u32 s18, s18  }
0x3d: {  	s31 =	sor.u32 $0x380, s30;
	[tilespmem:v2+s2+$0x0] =	vst.idx.add.f32.msk $0xffff, v0  }
0x3e: {  	v1 =	vor.u32 $0x380, v1;
	s20 =	simm.s32 $0x10;
	v0 =	vld [tilespmem:s31+$0x14000]  }
.LBB2_4:
0x3f: {  	_ =	sdelay $0x3  }
0x40: {  	p2 =	sne.s32 s20, $0x3F0;
	s18 =	sadd.s32 $0x80, s18;
	s19 =	sadd.s32 $0x10, s19;
	[tilespmem:v1+s2+$0x0] =	vst.idx.add.f32.msk $0xffff, v0  }
0x41: {  	s21 =	smov.u32 s20;
	s20 =	sadd.s32 $0x10, s20;
	v0 =	vld [tilespmem:s19+$0x0];
	_ =	sdelay $0x4  }
0x42: {  	s22 =	sand.u32 $0x70, s21;
	s23 =	sand.u32 $0x1C00, s18;
	v1 =	vshll.u32 v0, $0x3  }
0x43: {  	s22 =	sor.u32 s22, s23;
	v0 =	vand.u32 $0x7F, v0;
	v1 =	vand.u32 $0xFFFFFC00, v1  }
0x44: {  	v2 =	vld [tilespmem:s22+$0x14000];
	v1 =	vor.u32 v0, v1;
	_ =	sdelay $0x4  }
0x45: {  	[tilespmem:v1+s2+$0x0] =	vst.idx.add.f32.msk $0xffff, v2  }
0x46: {  	v2 =	vor.u32 $0x80, v1;
	v0 =	vld [tilespmem:s22+$0x14080];
	_ =	sdelay $0x4  }
0x47: {  	[tilespmem:v2+s2+$0x0] =	vst.idx.add.f32.msk $0xffff, v0  }
0x48: {  	v2 =	vor.u32 $0x100, v1;
	v0 =	vld [tilespmem:s22+$0x14100];
	_ =	sdelay $0x4  }
0x49: {  	[tilespmem:v2+s2+$0x0] =	vst.idx.add.f32.msk $0xffff, v0  }
0x4a: {  	v2 =	vor.u32 $0x180, v1;
	v0 =	vld [tilespmem:s22+$0x14180];
	_ =	sdelay $0x4  }
0x4b: {  	[tilespmem:v2+s2+$0x0] =	vst.idx.add.f32.msk $0xffff, v0  }
0x4c: {  	v2 =	vor.u32 $0x200, v1;
	v0 =	vld [tilespmem:s22+$0x14200];
	_ =	sdelay $0x4  }
0x4d: {  	[tilespmem:v2+s2+$0x0] =	vst.idx.add.f32.msk $0xffff, v0  }
0x4e: {  	v2 =	vor.u32 $0x280, v1;
	v0 =	vld [tilespmem:s22+$0x14280];
	_ =	sdelay $0x4  }
0x4f: {  	[tilespmem:v2+s2+$0x0] =	vst.idx.add.f32.msk $0xffff, v0  }
0x50: {  	v2 =	vor.u32 $0x300, v1;
	v0 =	vld [tilespmem:s22+$0x14300];
	_ =	sdelay $0x1  }
.Ltmp5:
0x51: {  	(pc) =	sbr.rel @p2 .LBB2_4-.Ltmp5, $4  }
0x52: {  	_ = 	snop  }
0x53: {  	s21 =	sor.u32 s18, s21  }
0x54: {  	s21 =	sor.u32 $0x380, s21;
	[tilespmem:v2+s2+$0x0] =	vst.idx.add.f32.msk $0xffff, v0  }
0x55: {  	v1 =	vor.u32 $0x380, v1;
	v0 =	vld [tilespmem:s21+$0x14000]  }
.Ltmp6:
0x56: {  	_ = 	snop;
	(pc) =	sbr.rel .LBB2_6-.Ltmp6, $2  }
0x57: {  	_ =	sdelay $0x2  }
0x58: {  	[tilespmem:v1+s2+$0x0] =	vst.idx.add.f32.msk $0xffff, v0  }
.LBB2_7:
.Ltmp7:
0x59: {  	(pc) =	sbr.rel @p0 .LBB2_12-.Ltmp7, $1  }
0x5a: {  	_ =	sdelay $0x3  }
.Ltmp8:
0x5b: {  	(pc) =	sbr.rel @p1 .LBB2_15-.Ltmp8, $1  }
0x5c: {  	_ =	sdelay $0x3  }
0x5d: {  	s17 =	simm.s32 $0x0  }
0x5e: {  	[tilespmem:s15], [sflag:$0x1] =	stream.linear.gather [hbm4b:s9+s17], $0x80, $0x38;
	[tilespmem:$0x16000] =	vst v63  }
0x5f: {  	_ =	swait.ge [sflag:s13], $0x80  }
0x60: {  	[sflag:s13] =	ssyncset.done $0x0  }
0x61: {  	[sflag:s13] =	ssyncadd.s32 $0xFFFFFF80  }
0x62: {  	[tilespmem:s14], [sflag:$0x1] =	stream.linear.gather [hbm4b:s10+s17], $0x400, $0x38;
	[tilespmem:$0x16000] =	vst v63  }
0x63: {  	_ =	swait.ge [sflag:s13], $0x400  }
0x64: {  	[sflag:s13] =	ssyncset.done $0x0  }
0x65: {  	s18 =	simm.s32 $0x40;
	s17 =	simm.s32 $0x0;
	[sflag:s13] =	ssyncadd.s32 $0xFFFFFC00  }
.LBB2_10:
0x66: {  	p2 =	seq.s32 s18, $0x1C0;
	v0 =	vld [tilespmem:s17+$0x13C00]  }
0x67: {  	v1 =	vld [tilespmem:s17+$0x14000];
	_ =	sdelay $0x3  }
0x68: {  	v2 =	vand.u32 $0x7F, v0;
	v0 =	vshll.u32 v0, $0x3  }
0x69: {  	v0 =	vand.u32 $0xFFFFFC00, v0  }
0x6a: {  	v0 =	vor.u32 v2, v0  }
0x6b: {  	v2 =	vor.u32 $0x80, v0;
	v3 =	vor.u32 $0x100, v0;
	v4 =	vor.u32 $0x180, v0  }
0x6c: {  	v5 =	vor.u32 $0x200, v0;
	v6 =	vor.u32 $0x280, v0;
	v7 =	vor.u32 $0x300, v0;
	_ =	sdelay $0x2  }
0x6d: {  	[tilespmem:v0+s2+$0x0] =	vst.idx.add.f32.msk $0xffff, v1  }
0x6e: {  	v1 =	vld [tilespmem:s17+$0x14080];
	_ =	sdelay $0x4  }
0x6f: {  	[tilespmem:v2+s2+$0x0] =	vst.idx.add.f32.msk $0xffff, v1  }
0x70: {  	v1 =	vld [tilespmem:s17+$0x14100];
	_ =	sdelay $0x4  }
0x71: {  	[tilespmem:v3+s2+$0x0] =	vst.idx.add.f32.msk $0xffff, v1  }
0x72: {  	v1 =	vld [tilespmem:s17+$0x14180];
	_ =	sdelay $0x4  }
0x73: {  	[tilespmem:v4+s2+$0x0] =	vst.idx.add.f32.msk $0xffff, v1  }
0x74: {  	v1 =	vld [tilespmem:s17+$0x14200];
	_ =	sdelay $0x4  }
0x75: {  	[tilespmem:v5+s2+$0x0] =	vst.idx.add.f32.msk $0xffff, v1  }
0x76: {  	v1 =	vld [tilespmem:s17+$0x14280];
	_ =	sdelay $0x4  }
0x77: {  	[tilespmem:v6+s2+$0x0] =	vst.idx.add.f32.msk $0xffff, v1  }
0x78: {  	v1 =	vld [tilespmem:s17+$0x14300];
	_ =	sdelay $0x4  }
0x79: {  	[tilespmem:v7+s2+$0x0] =	vst.idx.add.f32.msk $0xffff, v1  }
0x7a: {  	v0 =	vor.u32 $0x380, v0;
	v1 =	vld [tilespmem:s17+$0x14380]  }
.Ltmp9:
0x7b: {  	(pc) =	sbr.rel @!p2 .LBB2_10-.Ltmp9, $2  }
0x7c: {  	_ =	sdelay $0x2  }
0x7d: {  	s17 =	sshra.s32 s18, $0x2;
	s18 =	sadd.s32 $0x40, s18;
	[tilespmem:v0+s2+$0x0] =	vst.idx.add.f32.msk $0xffff, v1  }
0x7e: {  	v0 =	vld [tilespmem:s17+$0x13C00];
	_ =	sdelay $0x4  }
0x7f: {  	v1 =	vshll.u32 v0, $0x3  }
0x80: {  	v0 =	vand.u32 $0x7F, v0;
	v1 =	vand.u32 $0xFFFFFC00, v1  }
0x81: {  	v2 =	vld [tilespmem:s17+$0x14000];
	v0 =	vor.u32 v0, v1;
	_ =	sdelay $0x4  }
0x82: {  	[tilespmem:v0+s2+$0x0] =	vst.idx.add.f32.msk $0xffff, v2  }
0x83: {  	v1 =	vor.u32 $0x80, v0;
	v2 =	vld [tilespmem:s17+$0x14080];
	_ =	sdelay $0x4  }
0x84: {  	[tilespmem:v1+s2+$0x0] =	vst.idx.add.f32.msk $0xffff, v2  }
0x85: {  	v59 =	vor.u32 $0x100, v0;
	v2 =	vld [tilespmem:s17+$0x14100];
	_ =	sdelay $0x4  }
0x86: {  	[tilespmem:v59+s2+$0x0] =	vst.idx.add.f32.msk $0xffff, v2  }
0x87: {  	v60 =	vor.u32 $0x180, v0;
	v2 =	vld [tilespmem:s17+$0x14180];
	_ =	sdelay $0x4  }
0x88: {  	[tilespmem:v60+s2+$0x0] =	vst.idx.add.f32.msk $0xffff, v2  }
0x89: {  	v61 =	vor.u32 $0x200, v0;
	v2 =	vld [tilespmem:s17+$0x14200];
	_ =	sdelay $0x4  }
0x8a: {  	[tilespmem:v61+s2+$0x0] =	vst.idx.add.f32.msk $0xffff, v2  }
0x8b: {  	v62 =	vor.u32 $0x280, v0;
	v2 =	vld [tilespmem:s17+$0x14280];
	_ =	sdelay $0x4  }
0x8c: {  	[tilespmem:v62+s2+$0x0] =	vst.idx.add.f32.msk $0xffff, v2  }
0x8d: {  	v63 =	vor.u32 $0x300, v0;
	v2 =	vld [tilespmem:s17+$0x14300];
	_ =	sdelay $0x4  }
0x8e: {  	[tilespmem:v63+s2+$0x0] =	vst.idx.add.f32.msk $0xffff, v2  }
0x8f: {  	v0 =	vor.u32 $0x380, v0;
	v1 =	vld [tilespmem:s17+$0x14380]  }
.Ltmp10:
0x90: {  	_ = 	snop;
	(pc) =	sbr.rel .LBB2_15-.Ltmp10, $2  }
0x91: {  	_ =	sdelay $0x2  }
0x92: {  	[tilespmem:v0+s2+$0x0] =	vst.idx.add.f32.msk $0xffff, v1  }
.LBB2_12:
0x93: {  	s17 =	simm.s32 $0x0  }
0x94: {  	[tilespmem:s15], [sflag:$0x1] =	stream.linear.gather [hbm4b:s7+s17], $0x80, $0x38;
	[tilespmem:$0x16000] =	vst v63  }
0x95: {  	_ =	swait.ge [sflag:s13], $0x80  }
0x96: {  	[sflag:s13] =	ssyncset.done $0x0  }
0x97: {  	[sflag:s13] =	ssyncadd.s32 $0xFFFFFF80  }
0x98: {  	[tilespmem:s14], [sflag:$0x1] =	stream.linear.gather [hbm4b:s8+s17], $0x400, $0x38;
	[tilespmem:$0x16000] =	vst v63  }
0x99: {  	_ =	swait.ge [sflag:s13], $0x400  }
0x9a: {  	[sflag:s13] =	ssyncset.done $0x0  }
0x9b: {  	s18 =	simm.s32 $0x40;
	s17 =	simm.s32 $0x0;
	[sflag:s13] =	ssyncadd.s32 $0xFFFFFC00  }
.LBB2_13:
0x9c: {  	p2 =	sne.s32 s18, $0x1C0;
	v0 =	vld [tilespmem:s17+$0x13C00]  }
0x9d: {  	v1 =	vld [tilespmem:s17+$0x14000];
	_ =	sdelay $0x3  }
0x9e: {  	v2 =	vand.u32 $0x7F, v0;
	v0 =	vshll.u32 v0, $0x3  }
0x9f: {  	v0 =	vand.u32 $0xFFFFFC00, v0  }
0xa0: {  	v0 =	vor.u32 v2, v0  }
0xa1: {  	v2 =	vor.u32 $0x80, v0;
	v3 =	vor.u32 $0x100, v0;
	v4 =	vor.u32 $0x180, v0  }
0xa2: {  	v5 =	vor.u32 $0x200, v0;
	v6 =	vor.u32 $0x280, v0;
	v7 =	vor.u32 $0x300, v0;
	_ =	sdelay $0x2  }
0xa3: {  	[tilespmem:v0+s2+$0x0] =	vst.idx.add.f32.msk $0xffff, v1  }
0xa4: {  	v1 =	vld [tilespmem:s17+$0x14080];
	_ =	sdelay $0x4  }
0xa5: {  	[tilespmem:v2+s2+$0x0] =	vst.idx.add.f32.msk $0xffff, v1  }
0xa6: {  	v1 =	vld [tilespmem:s17+$0x14100];
	_ =	sdelay $0x4  }
0xa7: {  	[tilespmem:v3+s2+$0x0] =	vst.idx.add.f32.msk $0xffff, v1  }
0xa8: {  	v1 =	vld [tilespmem:s17+$0x14180];
	_ =	sdelay $0x4  }
0xa9: {  	[tilespmem:v4+s2+$0x0] =	vst.idx.add.f32.msk $0xffff, v1  }
0xaa: {  	v1 =	vld [tilespmem:s17+$0x14200];
	_ =	sdelay $0x4  }
0xab: {  	[tilespmem:v5+s2+$0x0] =	vst.idx.add.f32.msk $0xffff, v1  }
0xac: {  	v1 =	vld [tilespmem:s17+$0x14280];
	_ =	sdelay $0x4  }
0xad: {  	[tilespmem:v6+s2+$0x0] =	vst.idx.add.f32.msk $0xffff, v1  }
0xae: {  	v1 =	vld [tilespmem:s17+$0x14300];
	_ =	sdelay $0x4  }
0xaf: {  	[tilespmem:v7+s2+$0x0] =	vst.idx.add.f32.msk $0xffff, v1  }
0xb0: {  	v0 =	vor.u32 $0x380, v0;
	v1 =	vld [tilespmem:s17+$0x14380]  }
.Ltmp11:
0xb1: {  	(pc) =	sbr.rel @p2 .LBB2_13-.Ltmp11, $2  }
0xb2: {  	_ =	sdelay $0x2  }
0xb3: {  	s17 =	sshra.s32 s18, $0x2;
	s18 =	sadd.s32 $0x40, s18;
	[tilespmem:v0+s2+$0x0] =	vst.idx.add.f32.msk $0xffff, v1  }
0xb4: {  	v0 =	vld [tilespmem:s17+$0x13C00];
	_ =	sdelay $0x4  }
0xb5: {  	v1 =	vshll.u32 v0, $0x3  }
0xb6: {  	v0 =	vand.u32 $0x7F, v0;
	v1 =	vand.u32 $0xFFFFFC00, v1  }
0xb7: {  	v2 =	vld [tilespmem:s17+$0x14000];
	v0 =	vor.u32 v0, v1;
	_ =	sdelay $0x4  }
0xb8: {  	[tilespmem:v0+s2+$0x0] =	vst.idx.add.f32.msk $0xffff, v2  }
0xb9: {  	v1 =	vor.u32 $0x80, v0;
	v2 =	vld [tilespmem:s17+$0x14080];
	_ =	sdelay $0x4  }
0xba: {  	[tilespmem:v1+s2+$0x0] =	vst.idx.add.f32.msk $0xffff, v2  }
0xbb: {  	v59 =	vor.u32 $0x100, v0;
	v2 =	vld [tilespmem:s17+$0x14100];
	_ =	sdelay $0x4  }
0xbc: {  	[tilespmem:v59+s2+$0x0] =	vst.idx.add.f32.msk $0xffff, v2  }
0xbd: {  	v60 =	vor.u32 $0x180, v0;
	v2 =	vld [tilespmem:s17+$0x14180];
	_ =	sdelay $0x4  }
0xbe: {  	[tilespmem:v60+s2+$0x0] =	vst.idx.add.f32.msk $0xffff, v2  }
0xbf: {  	v61 =	vor.u32 $0x200, v0;
	v2 =	vld [tilespmem:s17+$0x14200];
	_ =	sdelay $0x4  }
0xc0: {  	[tilespmem:v61+s2+$0x0] =	vst.idx.add.f32.msk $0xffff, v2  }
0xc1: {  	v62 =	vor.u32 $0x280, v0;
	v2 =	vld [tilespmem:s17+$0x14280];
	_ =	sdelay $0x4  }
0xc2: {  	[tilespmem:v62+s2+$0x0] =	vst.idx.add.f32.msk $0xffff, v2  }
0xc3: {  	v63 =	vor.u32 $0x300, v0;
	v2 =	vld [tilespmem:s17+$0x14300];
	_ =	sdelay $0x4  }
0xc4: {  	[tilespmem:v63+s2+$0x0] =	vst.idx.add.f32.msk $0xffff, v2  }
0xc5: {  	v0 =	vor.u32 $0x380, v0;
	v1 =	vld [tilespmem:s17+$0x14380]  }
.Ltmp12:
0xc6: {  	_ = 	snop;
	(pc) =	sbr.rel .LBB2_15-.Ltmp12, $2  }
0xc7: {  	_ =	sdelay $0x2  }
0xc8: {  	[tilespmem:v0+s2+$0x0] =	vst.idx.add.f32.msk $0xffff, v1  }
.LBB2_16:
0xc9: {  	_ =	sfence.sel $0x180000  }
0xca: {  	[bflag:$0x0] =	sbarrier.arrive $0xFFFF  }
0xcb: {  	p0 =	sne.s32 s1, $0x0;
	_ =	strace $0x90000050  }
0xcc: {  	s0 =	sadd.s32 @!p0 $0x100000, s0;
	[bflag:$0x2] =	sbarrier.arrive $0xFFFF  }
0xcd: {  	[sflag:s0] =	ssyncadd.tile.s32 @!p0 $0x1;
	_ =	shalt  }
.Lfunc_end2:
_tile_overlayer_lowered:
.L_overlay_start_2:
0xce: {  	(tag) =	ssettag $0x2  }
0xcf: {  	s0 =	rddreg [dreg:$0x0];
	s2 =	stileid.u32  }
0xd0: {  	s1 =	rddreg [dreg:$0x1];
	p0 =	sne.s32 s2, $0x0  }
0xd1: {  	s3 =	rddreg [dreg:$0x2];
	[bflag:$0x3] =	sbarrier.arrive $0xFFFF;
	s2 =	simm.s32 @!p0 $0x1C01  }
0xd2: {  	[timem:s3], [sflag:s2] =	dma.local @!p0 [hbm:s0], s1  }
0xd3: {  	s0 =	simm.s32 @!p0 $0x1  }
0xd4: {  	_ =	swait.ge @!p0 [sflag:s0], s1  }
0xd5: {  	s1 =	ssub.s32 @!p0 $0x0, s1;
	[sflag:s0] =	ssyncset.done @!p0 $0x0  }
0xd6: {  	[sflag:s0] =	ssyncadd.s32 @!p0 s1  }
0xd7: {  	[bflag:$0x3] =	sbarrier.arrive $0xFFFF  }
0xd8: {  	_ =	shalt  }

</sc_bundles>
